<compile_context>
chip_gen: v7x
topology: tpu7x:2x2x1
jax: 0.10.2.dev20260603
libtpu: 0.0.44.dev20260713+nightly
codegen_flags: <defaults>
</compile_context>

<pallas_src>
import functools

import jax
import jax.numpy as jnp
from jax import lax
from jax.experimental import pallas as pl
from jax.experimental.pallas import tpu as pltpu
from jax.experimental.pallas import tpu_sc as plsc

USER_NUM = 1000000
EMBED_DIM = 64
BATCH = 16384

_NC = 2
_NS = 16
_NW = _NC * _NS
_LANE = 16
_CCOLS = 256
_NCHUNK = -(-USER_NUM // _CCOLS)
_CPW = 124
_NPAIR = _CPW // 2
_MAXOFF = USER_NUM - 192
_NSLOT = 4
_BROWS = 64
_NGRP = _BROWS // _LANE
_DUMP = BATCH
_IB = "promise_in_bounds"


def _issue(table_t, cbuf, sem, g, slot):
    coff = pl.multiple_of(jnp.minimum(g * _CCOLS, _MAXOFF), 128)
    return pltpu.async_copy(
        table_t.at[:, pl.ds(coff, _CCOLS)], cbuf.at[slot], sem
    )


def _wait_chunk(table_t, cbuf, sem, slot):
    pltpu.make_async_copy(
        table_t.at[:, pl.ds(0, _CCOLS)], cbuf.at[slot], sem
    ).wait()


def _body(table_t, idx_hbm, out_hbm, clist, bucket, offs, cnts,
          cbuf, batch, posb, sem_c, sem_s):
    wid = lax.axis_index("s") * _NC + lax.axis_index("c")
    wlo = wid * _CPW
    whi = jnp.minimum(wlo + _CPW, _NCHUNK)
    clo = wlo * _CCOLS
    chi = jnp.minimum(whi * _CCOLS, USER_NUM)

    pltpu.sync_copy(idx_hbm, clist)

    iota = lax.iota(jnp.int32, _LANE)
    dump16 = jnp.full((_LANE,), _DUMP, jnp.int32)

    def scan_in(t, cnt):
        v = clist[pl.ds(t * _LANE, _LANE)]
        m = (v >= clo) & (v < chi)
        dv = v - clo
        ps = plsc.cumsum(m.astype(jnp.int32))
        tgt = cnt + ps - 1
        packed = (dv << 14) | (t * _LANE + iota)
        plsc.store_scatter(clist, [tgt], packed, mask=m)
        return cnt + ps[_LANE - 1]

    cnt = lax.fori_loop(0, BATCH // _LANE, scan_in, jnp.int32(0))
    nvec = (cnt + _LANE - 1) // _LANE

    def bucket_pair(p, cur):
        def scanb(t, pcur):
            pk = clist[pl.ds(t * _LANE, _LANE)]
            valid = (t * _LANE + iota) < cnt
            m = ((pk >> 23) == p) & valid
            ps = plsc.cumsum(m.astype(jnp.int32))
            plsc.store_scatter(bucket, [pcur + ps - 1], pk, mask=m)
            return pcur + ps[_LANE - 1]

        nend = lax.fori_loop(0, nvec, scanb, cur)
        n = nend - cur
        p16 = jnp.full((_LANE,), p, jnp.int32)
        lane0 = iota == 0
        plsc.store_scatter(
            offs, [p16], jnp.full((_LANE,), cur, jnp.int32), mask=lane0
        )
        plsc.store_scatter(
            cnts, [p16], jnp.full((_LANE,), n, jnp.int32), mask=lane0
        )
        return cur + ((n + _LANE - 1) & ~(_LANE - 1))

    lax.fori_loop(0, _NPAIR, bucket_pair, jnp.int32(0))

    for par in range(2):
        for k in range(_NGRP):
            plsc.store_scatter(
                posb, [jnp.full((_LANE,), par, jnp.int32), k * _LANE + iota],
                dump16,
            )

    def drain_scatter():
        pltpu.make_async_copy(
            batch.at[0], out_hbm.at[posb.at[0]], sem_s
        ).wait()

    def process_pair(g0, state):
        prel = (g0 - wlo) >> 1
        p16 = jnp.full((_LANE,), prel, jnp.int32)
        base = plsc.load_gather(offs, [p16])[0]
        npair = plsc.load_gather(cnts, [p16])[0]
        ngrp = (npair + _LANE - 1) >> 4

        def group(jv, st):
            pk = bucket[pl.ds(base + jv * _LANE, _LANE)]
            nin = jnp.minimum(npair - jv * _LANE, _LANE)

            def hit(h, st2):
                bc, fb, pend = st2
                h16 = jnp.full((_LANE,), h, jnp.int32)
                pk16 = pk.at[h16].get(mode=_IB)
                pos16 = pk16 & (BATCH - 1)
                vg = clo + (pk16 >> 14)
                ck16 = vg >> 8
                slot16 = ck16 & (_NSLOT - 1)
                loc16 = (vg & 255) + jnp.where(ck16 == _NCHUNK - 1, 128, 0)
                fb16 = jnp.full((_LANE,), fb, jnp.int32)
                brow = jnp.full((_LANE,), bc, jnp.int32)
                for k in range(EMBED_DIM // _LANE):
                    piece = plsc.load_gather(
                        cbuf, [slot16, iota + k * _LANE, loc16]
                    )
                    plsc.store_scatter(
                        batch, [fb16, brow, k * _LANE + iota], piece
                    )
                plsc.store_scatter(posb, [fb16, brow], pos16, mask=iota == 0)
                do_flush = bc + 1 == _BROWS

                @pl.when(do_flush)
                def _():
                    @pl.when(pend == 1)
                    def _():
                        drain_scatter()

                    pltpu.async_copy(
                        batch.at[fb], out_hbm.at[posb.at[fb]], sem_s
                    )
                    nfb16 = jnp.full((_LANE,), 1 - fb, jnp.int32)
                    for k in range(_NGRP):
                        plsc.store_scatter(
                            posb, [nfb16, k * _LANE + iota], dump16
                        )

                bc2 = jnp.where(do_flush, 0, bc + 1)
                fb2 = jnp.where(do_flush, 1 - fb, fb)
                pend2 = jnp.where(do_flush, 1, pend)
                return bc2, fb2, pend2

            return lax.fori_loop(0, nin, hit, st)

        return lax.fori_loop(0, ngrp, group, state)

    for s in range(2):

        @pl.when(wlo + s < whi)
        def _():
            _issue(table_t, cbuf, sem_c, wlo + s, s)

    def outer(p2, state):
        for pp in range(2):
            g0 = wlo + (p2 * 2 + pp) * 2
            s0 = (pp * 2) % _NSLOT
            for s in range(2):

                @pl.when(g0 + 2 + s < whi)
                def _():
                    _issue(
                        table_t, cbuf, sem_c, g0 + 2 + s,
                        (s0 + 2 + s) % _NSLOT,
                    )

            for s in range(2):

                @pl.when(g0 + s < whi)
                def _():
                    _wait_chunk(table_t, cbuf, sem_c, s0 + s)

            state = lax.cond(
                g0 < whi,
                lambda st: process_pair(g0, st),
                lambda st: st,
                state,
            )
        return state

    bfin, ffin, pfin = lax.fori_loop(
        0, _CPW // 4, outer, (jnp.int32(0), jnp.int32(0), jnp.int32(0))
    )

    @pl.when(pfin == 1)
    def _():
        drain_scatter()

    @pl.when(bfin > 0)
    def _():
        pltpu.async_copy(
            batch.at[ffin], out_hbm.at[posb.at[ffin]], sem_s
        )
        drain_scatter()


@jax.jit
def kernel(nodes, embedding_weight):
    mesh = plsc.VectorSubcoreMesh(core_axis_name="c", subcore_axis_name="s")
    run = functools.partial(
        pl.kernel,
        mesh=mesh,
        out_type=jax.ShapeDtypeStruct((BATCH + 1, 128), jnp.float32),
        scratch_types=[
            pltpu.VMEM((BATCH,), jnp.int32),
            pltpu.VMEM((BATCH + _NPAIR * _LANE,), jnp.int32),
            pltpu.VMEM((_NPAIR,), jnp.int32),
            pltpu.VMEM((_NPAIR,), jnp.int32),
            pltpu.VMEM((_NSLOT, EMBED_DIM, _CCOLS), jnp.float32),
            pltpu.VMEM((2, _BROWS, 128), jnp.float32),
            pltpu.VMEM((2, _BROWS), jnp.int32),
            pltpu.SemaphoreType.DMA,
            pltpu.SemaphoreType.DMA,
        ],
        compiler_params=pltpu.CompilerParams(
            use_tc_tiling_on_sc=True, needs_layout_passes=False
        ),
    )(_body)
    padded = run(embedding_weight.T, nodes.astype(jnp.int32))
    return padded[:BATCH, :EMBED_DIM]

# --- scband reference (transcript-rebuilt; emitter-appended) ---
"""Pipeline reference for scband-node2-vec-model-42374147343136 (READ-ONLY COPY).

The authoritative reference and input builder live on the scoring server;
editing this copy changes nothing except your own understanding.
"""

import jax, jax.numpy as jnp
import numpy as np

USER_NUM = 1000000
EMBED_DIM = 64
BATCH = 16384

def setup_inputs(seed: int = 0) -> dict:
    key = jax.random.key(seed)
    k_idx, k_emb = jax.random.split(key)
    nodes = jax.random.randint(k_idx, (BATCH,), 0, USER_NUM, dtype=jnp.int64 if jax.config.jax_enable_x64 else jnp.int32)
    # Embedding table initialized like nn.init.normal_(mean=0, std=0.01)
    embedding_weight = jax.random.normal(k_emb, (USER_NUM, EMBED_DIM), dtype=jnp.float32) * 0.01
    return {"nodes": nodes, "embedding_weight": embedding_weight}

def reference(nodes, embedding_weight):
    # Node2VecModel.forward: emb = self.embedding.weight; return emb[nodes]
    return jnp.take(embedding_weight, nodes, axis=0)

if __name__ == "__main__":
    import jax
    _d = setup_inputs()
    print(jax.jit(kernel)(*tuple(_d.values())))

</pallas_src>

<mosaic_0001>
#map = affine_map<(d0, d1) -> (0, 0)>
#map1 = affine_map<(d0, d1) -> (0)>
module attributes {stable_mosaic.version = 14 : i64} {
  func.func @_body(%arg0: i32, %arg1: i32, %arg2: memref<64x1000000xf32, #tpu.memory_space<hbm>>, %arg3: memref<16384xi32, #tpu.memory_space<hbm>>, %arg4: memref<16385x128xf32, #tpu.memory_space<hbm>>, %arg5: memref<16384xi32, #tpu.memory_space<vmem>>, %arg6: memref<17376xi32, #tpu.memory_space<vmem>>, %arg7: memref<62xi32, #tpu.memory_space<vmem>>, %arg8: memref<62xi32, #tpu.memory_space<vmem>>, %arg9: memref<4x64x256xf32, #tpu.memory_space<vmem>>, %arg10: memref<2x64x128xf32, #tpu.memory_space<vmem>>, %arg11: memref<2x64xi32, #tpu.memory_space<vmem>>, %arg12: memref<!tpu.dma_semaphore, #tpu.memory_space<semaphore_mem>>, %arg13: memref<!tpu.dma_semaphore, #tpu.memory_space<semaphore_mem>>) attributes {dimension_semantics = [#tpu.dimension_semantics<core_parallel>, #tpu.dimension_semantics<subcore_parallel>], iteration_bounds = array<i64: 2, 16>, scalar_prefetch = 0 : i64, scratch_operands = 9 : i64, tpu.core_type = #tpu.core_type<sc_vector_subcore>, window_params = [{transform_indices = #map}, {transform_indices = #map1}, {transform_indices = #map}]} {
    %mul3A = arith.constant 2 : i32
    %mul3A_0 = arith.muli %arg1, %mul3A : i32
    %add3A = arith.addi %mul3A_0, %arg0 : i32
    %mul3A_1 = arith.constant 124 : i32
    %mul3A_2 = arith.muli %add3A, %mul3A_1 : i32
    %add3A_3 = arith.constant 124 : i32
    %add3A_4 = arith.addi %mul3A_2, %add3A_3 : i32
    %min3A = arith.constant 3907 : i32
    %min3A_5 = arith.minsi %add3A_4, %min3A : i32
    %mul3A_6 = arith.constant 256 : i32
    %mul3A_7 = arith.muli %mul3A_2, %mul3A_6 : i32
    %mul3A_8 = arith.constant 256 : i32
    %mul3A_9 = arith.muli %min3A_5, %mul3A_8 : i32
    %min3A_10 = arith.constant 1000000 : i32
    %min3A_11 = arith.minsi %mul3A_9, %min3A_10 : i32
    "tpu.region"() ({
      %run_scoped3A = tpu.sem_alloc : memref<!tpu.dma_semaphore, #tpu.memory_space<semaphore_mem>>
      tpu.enqueue_dma source(%arg3 : memref<16384xi32, #tpu.memory_space<hbm>>) target(%arg5 : memref<16384xi32, #tpu.memory_space<vmem>>) target_semaphore(%run_scoped3A : memref<!tpu.dma_semaphore, #tpu.memory_space<semaphore_mem>>)
      tpu.wait_dma2 semaphore(%run_scoped3A : memref<!tpu.dma_semaphore, #tpu.memory_space<semaphore_mem>>) src(%arg3 : memref<16384xi32, #tpu.memory_space<hbm>>) dst(%arg5 : memref<16384xi32, #tpu.memory_space<vmem>>)
      tpu.yield
    }) : () -> ()
    %iota3A = tpu.iota {dimensions = array<i32: 0>} : vector<16xi32>
    %broadcast_in_dim3A = arith.constant 16384 : i32
    %broadcast_in_dim3A_12 = vector.broadcast %broadcast_in_dim3A : i32 to vector<16xi32>
    %scan3A = arith.constant 0 : i32
    %scan3A_13 = arith.constant 0 : i32
    %scan3A_14 = arith.constant 1024 : i32
    %scan3A_15 = arith.addi %scan3A_13, %scan3A_14 : i32
    %scan3A_16 = arith.constant 1 : i32
    %scan3A_17 = scf.for %scan3A_112 = %scan3A_13 to %scan3A_15 step %scan3A_16 iter_args(%scan3A_113 = %scan3A) -> (i32)  : i32 {
      %mul3A_114 = arith.constant 16 : i32
      %mul3A_115 = arith.muli %scan3A_112, %mul3A_114 : i32
      %get3A = arith.index_cast %mul3A_115 : i32 to index
      %get3A_116 = tpu.vector_load %arg5[%get3A] {strides = array<i32>} : memref<16384xi32, #tpu.memory_space<vmem>>, vector<16xi32>,
      %ge3A = vector.broadcast %mul3A_7 : i32 to vector<16xi32>
      %ge3A_117 = arith.cmpi sge, %get3A_116, %ge3A : vector<16xi32>
      %lt3A_118 = vector.broadcast %min3A_11 : i32 to vector<16xi32>
      %lt3A_119 = arith.cmpi slt, %get3A_116, %lt3A_118 : vector<16xi32>
      %and3A_120 = arith.andi %ge3A_117, %lt3A_119 : vector<16xi1>
      %sub3A_121 = vector.broadcast %mul3A_7 : i32 to vector<16xi32>
      %sub3A_122 = arith.subi %get3A_116, %sub3A_121 : vector<16xi32>
      %convert_element_type3A_123 = arith.extui %and3A_120 : vector<16xi1> to vector<16xi32>
      %broadcast_in_dim3A_124 = arith.constant true
      %broadcast_in_dim3A_125 = vector.broadcast %broadcast_in_dim3A_124 : i1 to vector<16xi1>
      %masked_cumsum3A = tpu.scan <sum>, %convert_element_type3A_123 masked %broadcast_in_dim3A_125 : vector<16xi32>, vector<16xi1> -> vector<16xi32>
      %add3A_126 = vector.broadcast %scan3A_113 : i32 to vector<16xi32>
      %add3A_127 = arith.addi %add3A_126, %masked_cumsum3A : vector<16xi32>
      %sub3A_128 = arith.constant 1 : i32
      %sub3A_129 = vector.broadcast %sub3A_128 : i32 to vector<16xi32>
      %sub3A_130 = arith.subi %add3A_127, %sub3A_129 : vector<16xi32>
      %shift_left3A = arith.constant 14 : i32
      %shift_left3A_131 = vector.broadcast %shift_left3A : i32 to vector<16xi32>
      %shift_left3A_132 = arith.shli %sub3A_122, %shift_left3A_131 : vector<16xi32>
      %mul3A_133 = arith.constant 16 : i32
      %mul3A_134 = arith.muli %scan3A_112, %mul3A_133 : i32
      %add3A_135 = vector.broadcast %mul3A_134 : i32 to vector<16xi32>
      %add3A_136 = arith.addi %add3A_135, %iota3A : vector<16xi32>
      %or3A = arith.ori %shift_left3A_132, %add3A_136 : vector<16xi32>
      tpu.vector_store_idx %arg5[%sub3A_130], %or3A masked %and3A_120 : memref<16384xi32, #tpu.memory_space<vmem>>[vector<16xi32>], vector<16xi32>, vector<16xi1>
      %slice3A = vector.extract_strided_slice %masked_cumsum3A {offsets = [15], sizes = [1], strides = [1]} : vector<16xi32> to vector<1xi32>
      %squeeze3A = vector.extract %slice3A[0] : i32 from vector<1xi32>
      %add3A_137 = arith.addi %scan3A_113, %squeeze3A : i32
      scf.yield %add3A_137 : i32
    }
    %scan3A_18 = arith.constant 1024 : i32
    %add3A_19 = arith.constant 16 : i32
    %add3A_20 = arith.addi %scan3A_17, %add3A_19 : i32
    %sub3A = arith.constant 1 : i32
    %sub3A_21 = arith.subi %add3A_20, %sub3A : i32
    %jit3A = arith.constant 16 : i32
    %div3A = arith.divsi %sub3A_21, %jit3A : i32
    %sign3A = arith.constant 0 : i32
    %sign3A_22 = arith.cmpi sgt, %sub3A_21, %sign3A : i32
    %sign3A_23 = arith.extui %sign3A_22 : i1 to i32
    %sign3A_24 = arith.constant 0 : i32
    %sign3A_25 = arith.cmpi slt, %sub3A_21, %sign3A_24 : i32
    %sign3A_26 = arith.extui %sign3A_25 : i1 to i32
    %sign3A_27 = arith.subi %sign3A_23, %sign3A_26 : i32
    %sign3A_28 = arith.constant 0 : i32
    %sign3A_29 = arith.cmpi sgt, %jit3A, %sign3A_28 : i32
    %sign3A_30 = arith.extui %sign3A_29 : i1 to i32
    %sign3A_31 = arith.constant 0 : i32
    %sign3A_32 = arith.cmpi slt, %jit3A, %sign3A_31 : i32
    %sign3A_33 = arith.extui %sign3A_32 : i1 to i32
    %sign3A_34 = arith.subi %sign3A_30, %sign3A_33 : i32
    %ne3A = arith.cmpi ne, %sign3A_27, %sign3A_34 : i32
    %rem3A = arith.remsi %sub3A_21, %jit3A : i32
    %ne3A_35 = arith.constant 0 : i32
    %ne3A_36 = arith.cmpi ne, %rem3A, %ne3A_35 : i32
    %and3A = arith.andi %ne3A, %ne3A_36 : i1
    %sub3A_37 = arith.constant 1 : i32
    %sub3A_38 = arith.subi %div3A, %sub3A_37 : i32
    %select_n3A = arith.select %and3A, %sub3A_38, %div3A : i32
    %scan3A_39 = arith.constant 0 : i32
    %scan3A_40 = arith.constant 0 : i32
    %scan3A_41 = arith.constant 62 : i32
    %scan3A_42 = arith.addi %scan3A_40, %scan3A_41 : i32
    %scan3A_43 = arith.constant 1 : i32
    %scan3A_44 = scf.for %scan3A_112 = %scan3A_40 to %scan3A_42 step %scan3A_43 iter_args(%scan3A_113 = %scan3A_39) -> (i32)  : i32 {
      %while3A = arith.constant 0 : i32
      %while3A_114 = arith.subi %select_n3A, %while3A : i32
      %while3A_115 = arith.addi %while3A, %while3A_114 : i32
      %while3A_116 = arith.constant 1 : i32
      %while3A_117 = arith.divsi %while3A_114, %while3A_116 : i32
      %while3A_118 = arith.muli %while3A_117, %while3A_116 : i32
      %while3A_119 = arith.addi %while3A, %while3A_118 : i32
      %while3A_120 = arith.constant 1 : i32
      %while3A_121 = scf.for %while3A_138 = %while3A to %while3A_119 step %while3A_120 iter_args(%while3A_139 = %scan3A_113) -> (i32)  : i32 {
        %mul3A_140 = arith.constant 16 : i32
        %mul3A_141 = arith.muli %while3A_138, %mul3A_140 : i32
        %get3A = arith.index_cast %mul3A_141 : i32 to index
        %get3A_142 = tpu.vector_load %arg5[%get3A] {strides = array<i32>} : memref<16384xi32, #tpu.memory_space<vmem>>, vector<16xi32>,
        %mul3A_143 = arith.constant 16 : i32
        %mul3A_144 = arith.muli %while3A_138, %mul3A_143 : i32
        %add3A_145 = vector.broadcast %mul3A_144 : i32 to vector<16xi32>
        %add3A_146 = arith.addi %add3A_145, %iota3A : vector<16xi32>
        %lt3A_147 = vector.broadcast %scan3A_17 : i32 to vector<16xi32>
        %lt3A_148 = arith.cmpi slt, %add3A_146, %lt3A_147 : vector<16xi32>
        %shift_right_arithmetic3A = arith.constant 23 : i32
        %shift_right_arithmetic3A_149 = vector.broadcast %shift_right_arithmetic3A : i32 to vector<16xi32>
        %shift_right_arithmetic3A_150 = arith.shrsi %get3A_142, %shift_right_arithmetic3A_149 : vector<16xi32>
        %eq3A_151 = vector.broadcast %scan3A_112 : i32 to vector<16xi32>
        %eq3A_152 = arith.cmpi eq, %shift_right_arithmetic3A_150, %eq3A_151 : vector<16xi32>
        %and3A_153 = arith.andi %eq3A_152, %lt3A_148 : vector<16xi1>
        %convert_element_type3A_154 = arith.extui %and3A_153 : vector<16xi1> to vector<16xi32>
        %broadcast_in_dim3A_155 = arith.constant true
        %broadcast_in_dim3A_156 = vector.broadcast %broadcast_in_dim3A_155 : i1 to vector<16xi1>
        %masked_cumsum3A = tpu.scan <sum>, %convert_element_type3A_154 masked %broadcast_in_dim3A_156 : vector<16xi32>, vector<16xi1> -> vector<16xi32>
        %add3A_157 = vector.broadcast %while3A_139 : i32 to vector<16xi32>
        %add3A_158 = arith.addi %add3A_157, %masked_cumsum3A : vector<16xi32>
        %sub3A_159 = arith.constant 1 : i32
        %sub3A_160 = vector.broadcast %sub3A_159 : i32 to vector<16xi32>
        %sub3A_161 = arith.subi %add3A_158, %sub3A_160 : vector<16xi32>
        tpu.vector_store_idx %arg6[%sub3A_161], %get3A_142 masked %and3A_153 : memref<17376xi32, #tpu.memory_space<vmem>>[vector<16xi32>], vector<16xi32>, vector<16xi1>
        %slice3A = vector.extract_strided_slice %masked_cumsum3A {offsets = [15], sizes = [1], strides = [1]} : vector<16xi32> to vector<1xi32>
        %squeeze3A = vector.extract %slice3A[0] : i32 from vector<1xi32>
        %add3A_162 = arith.addi %while3A_139, %squeeze3A : i32
        scf.yield %add3A_162 : i32
      }
      %while3A_122 = arith.constant 1 : i32
      %while3A_123 = scf.for %while3A_138 = %while3A_119 to %while3A_115 step %while3A_122 iter_args(%while3A_139 = %while3A_121) -> (i32)  : i32 {
        %mul3A_140 = arith.constant 16 : i32
        %mul3A_141 = arith.muli %while3A_138, %mul3A_140 : i32
        %get3A = arith.index_cast %mul3A_141 : i32 to index
        %get3A_142 = tpu.vector_load %arg5[%get3A] {strides = array<i32>} : memref<16384xi32, #tpu.memory_space<vmem>>, vector<16xi32>,
        %mul3A_143 = arith.constant 16 : i32
        %mul3A_144 = arith.muli %while3A_138, %mul3A_143 : i32
        %add3A_145 = vector.broadcast %mul3A_144 : i32 to vector<16xi32>
        %add3A_146 = arith.addi %add3A_145, %iota3A : vector<16xi32>
        %lt3A_147 = vector.broadcast %scan3A_17 : i32 to vector<16xi32>
        %lt3A_148 = arith.cmpi slt, %add3A_146, %lt3A_147 : vector<16xi32>
        %shift_right_arithmetic3A = arith.constant 23 : i32
        %shift_right_arithmetic3A_149 = vector.broadcast %shift_right_arithmetic3A : i32 to vector<16xi32>
        %shift_right_arithmetic3A_150 = arith.shrsi %get3A_142, %shift_right_arithmetic3A_149 : vector<16xi32>
        %eq3A_151 = vector.broadcast %scan3A_112 : i32 to vector<16xi32>
        %eq3A_152 = arith.cmpi eq, %shift_right_arithmetic3A_150, %eq3A_151 : vector<16xi32>
        %and3A_153 = arith.andi %eq3A_152, %lt3A_148 : vector<16xi1>
        %convert_element_type3A_154 = arith.extui %and3A_153 : vector<16xi1> to vector<16xi32>
        %broadcast_in_dim3A_155 = arith.constant true
        %broadcast_in_dim3A_156 = vector.broadcast %broadcast_in_dim3A_155 : i1 to vector<16xi1>
        %masked_cumsum3A = tpu.scan <sum>, %convert_element_type3A_154 masked %broadcast_in_dim3A_156 : vector<16xi32>, vector<16xi1> -> vector<16xi32>
        %add3A_157 = vector.broadcast %while3A_139 : i32 to vector<16xi32>
        %add3A_158 = arith.addi %add3A_157, %masked_cumsum3A : vector<16xi32>
        %sub3A_159 = arith.constant 1 : i32
        %sub3A_160 = vector.broadcast %sub3A_159 : i32 to vector<16xi32>
        %sub3A_161 = arith.subi %add3A_158, %sub3A_160 : vector<16xi32>
        tpu.vector_store_idx %arg6[%sub3A_161], %get3A_142 masked %and3A_153 : memref<17376xi32, #tpu.memory_space<vmem>>[vector<16xi32>], vector<16xi32>, vector<16xi1>
        %slice3A = vector.extract_strided_slice %masked_cumsum3A {offsets = [15], sizes = [1], strides = [1]} : vector<16xi32> to vector<1xi32>
        %squeeze3A = vector.extract %slice3A[0] : i32 from vector<1xi32>
        %add3A_162 = arith.addi %while3A_139, %squeeze3A : i32
        scf.yield %add3A_162 : i32
      }
      %sub3A_124 = arith.subi %while3A_123, %scan3A_113 : i32
      %broadcast_in_dim3A_125 = vector.broadcast %scan3A_112 : i32 to vector<16xi32>
      %eq3A_126 = arith.constant 0 : i32
      %eq3A_127 = vector.broadcast %eq3A_126 : i32 to vector<16xi32>
      %eq3A_128 = arith.cmpi eq, %iota3A, %eq3A_127 : vector<16xi32>
      %broadcast_in_dim3A_129 = vector.broadcast %scan3A_113 : i32 to vector<16xi32>
      tpu.vector_store_idx %arg7[%broadcast_in_dim3A_125], %broadcast_in_dim3A_129 masked %eq3A_128 : memref<62xi32, #tpu.memory_space<vmem>>[vector<16xi32>], vector<16xi32>, vector<16xi1>
      %broadcast_in_dim3A_130 = vector.broadcast %sub3A_124 : i32 to vector<16xi32>
      tpu.vector_store_idx %arg8[%broadcast_in_dim3A_125], %broadcast_in_dim3A_130 masked %eq3A_128 : memref<62xi32, #tpu.memory_space<vmem>>[vector<16xi32>], vector<16xi32>, vector<16xi1>
      %add3A_131 = arith.constant 16 : i32
      %add3A_132 = arith.addi %sub3A_124, %add3A_131 : i32
      %sub3A_133 = arith.constant 1 : i32
      %sub3A_134 = arith.subi %add3A_132, %sub3A_133 : i32
      %and3A_135 = arith.constant -16 : i32
      %and3A_136 = arith.andi %sub3A_134, %and3A_135 : i32
      %add3A_137 = arith.addi %scan3A_113, %and3A_136 : i32
      scf.yield %add3A_137 : i32
    }
    %scan3A_45 = arith.constant 62 : i32
    %broadcast_in_dim3A_46 = arith.constant 0 : i32
    %broadcast_in_dim3A_47 = vector.broadcast %broadcast_in_dim3A_46 : i32 to vector<16xi32>
    %add3A_48 = arith.constant 0 : i32
    %add3A_49 = vector.broadcast %add3A_48 : i32 to vector<16xi32>
    %add3A_50 = arith.addi %add3A_49, %iota3A : vector<16xi32>
    tpu.vector_store_idx %arg11[%broadcast_in_dim3A_47, %add3A_50], %broadcast_in_dim3A_12 : memref<2x64xi32, #tpu.memory_space<vmem>>[vector<16xi32>, vector<16xi32>], vector<16xi32>,
    %broadcast_in_dim3A_51 = arith.constant 0 : i32
    %broadcast_in_dim3A_52 = vector.broadcast %broadcast_in_dim3A_51 : i32 to vector<16xi32>
    %add3A_53 = arith.constant 16 : i32
    %add3A_54 = vector.broadcast %add3A_53 : i32 to vector<16xi32>
    %add3A_55 = arith.addi %add3A_54, %iota3A : vector<16xi32>
    tpu.vector_store_idx %arg11[%broadcast_in_dim3A_52, %add3A_55], %broadcast_in_dim3A_12 : memref<2x64xi32, #tpu.memory_space<vmem>>[vector<16xi32>, vector<16xi32>], vector<16xi32>,
    %broadcast_in_dim3A_56 = arith.constant 0 : i32
    %broadcast_in_dim3A_57 = vector.broadcast %broadcast_in_dim3A_56 : i32 to vector<16xi32>
    %add3A_58 = arith.constant 32 : i32
    %add3A_59 = vector.broadcast %add3A_58 : i32 to vector<16xi32>
    %add3A_60 = arith.addi %add3A_59, %iota3A : vector<16xi32>
    tpu.vector_store_idx %arg11[%broadcast_in_dim3A_57, %add3A_60], %broadcast_in_dim3A_12 : memref<2x64xi32, #tpu.memory_space<vmem>>[vector<16xi32>, vector<16xi32>], vector<16xi32>,
    %broadcast_in_dim3A_61 = arith.constant 0 : i32
    %broadcast_in_dim3A_62 = vector.broadcast %broadcast_in_dim3A_61 : i32 to vector<16xi32>
    %add3A_63 = arith.constant 48 : i32
    %add3A_64 = vector.broadcast %add3A_63 : i32 to vector<16xi32>
    %add3A_65 = arith.addi %add3A_64, %iota3A : vector<16xi32>
    tpu.vector_store_idx %arg11[%broadcast_in_dim3A_62, %add3A_65], %broadcast_in_dim3A_12 : memref<2x64xi32, #tpu.memory_space<vmem>>[vector<16xi32>, vector<16xi32>], vector<16xi32>,
    %broadcast_in_dim3A_66 = arith.constant 1 : i32
    %broadcast_in_dim3A_67 = vector.broadcast %broadcast_in_dim3A_66 : i32 to vector<16xi32>
    %add3A_68 = arith.constant 0 : i32
    %add3A_69 = vector.broadcast %add3A_68 : i32 to vector<16xi32>
    %add3A_70 = arith.addi %add3A_69, %iota3A : vector<16xi32>
    tpu.vector_store_idx %arg11[%broadcast_in_dim3A_67, %add3A_70], %broadcast_in_dim3A_12 : memref<2x64xi32, #tpu.memory_space<vmem>>[vector<16xi32>, vector<16xi32>], vector<16xi32>,
    %broadcast_in_dim3A_71 = arith.constant 1 : i32
    %broadcast_in_dim3A_72 = vector.broadcast %broadcast_in_dim3A_71 : i32 to vector<16xi32>
    %add3A_73 = arith.constant 16 : i32
    %add3A_74 = vector.broadcast %add3A_73 : i32 to vector<16xi32>
    %add3A_75 = arith.addi %add3A_74, %iota3A : vector<16xi32>
    tpu.vector_store_idx %arg11[%broadcast_in_dim3A_72, %add3A_75], %broadcast_in_dim3A_12 : memref<2x64xi32, #tpu.memory_space<vmem>>[vector<16xi32>, vector<16xi32>], vector<16xi32>,
    %broadcast_in_dim3A_76 = arith.constant 1 : i32
    %broadcast_in_dim3A_77 = vector.broadcast %broadcast_in_dim3A_76 : i32 to vector<16xi32>
    %add3A_78 = arith.constant 32 : i32
    %add3A_79 = vector.broadcast %add3A_78 : i32 to vector<16xi32>
    %add3A_80 = arith.addi %add3A_79, %iota3A : vector<16xi32>
    tpu.vector_store_idx %arg11[%broadcast_in_dim3A_77, %add3A_80], %broadcast_in_dim3A_12 : memref<2x64xi32, #tpu.memory_space<vmem>>[vector<16xi32>, vector<16xi32>], vector<16xi32>,
    %broadcast_in_dim3A_81 = arith.constant 1 : i32
    %broadcast_in_dim3A_82 = vector.broadcast %broadcast_in_dim3A_81 : i32 to vector<16xi32>
    %add3A_83 = arith.constant 48 : i32
    %add3A_84 = vector.broadcast %add3A_83 : i32 to vector<16xi32>
    %add3A_85 = arith.addi %add3A_84, %iota3A : vector<16xi32>
    tpu.vector_store_idx %arg11[%broadcast_in_dim3A_82, %add3A_85], %broadcast_in_dim3A_12 : memref<2x64xi32, #tpu.memory_space<vmem>>[vector<16xi32>, vector<16xi32>], vector<16xi32>,
    %add3A_86 = arith.constant 0 : i32
    %add3A_87 = arith.addi %mul3A_2, %add3A_86 : i32
    %lt3A = arith.cmpi slt, %add3A_87, %min3A_5 : i32
    %convert_element_type3A = arith.extui %lt3A : i1 to i32
    %cond3A = arith.constant 0 : i32
    %cond3A_88 = arith.cmpi ne, %convert_element_type3A, %cond3A : i32
    scf.if %cond3A_88 {
      %add3A_112 = arith.constant 0 : i32
      %add3A_113 = arith.addi %mul3A_2, %add3A_112 : i32
      %mul3A_114 = arith.constant 256 : i32
      %mul3A_115 = arith.muli %add3A_113, %mul3A_114 : i32
      %min3A_116 = arith.constant 999808 : i32
      %min3A_117 = arith.minsi %mul3A_115, %min3A_116 : i32
      %multiple_of3A = tpu.assume_multiple %min3A_117, 128 : i32
      %dma_start3A = arith.constant 0 : i32
      %dma_start3A_118 = arith.constant 0 : i32
      %dma_start3A_119 = arith.constant 0 : i32
      %dma_start3A_120 = tpu.memref_slice %arg9[%dma_start3A, %dma_start3A_118, %dma_start3A_119] : memref<4x64x256xf32, #tpu.memory_space<vmem>> -> memref<1x64x256xf32, #tpu.memory_space<vmem>>
      %dma_start3A_121 = tpu.memref_squeeze %dma_start3A_120 : memref<1x64x256xf32, #tpu.memory_space<vmem>> -> memref<64x256xf32, #tpu.memory_space<vmem>>
      %dma_start3A_122 = arith.constant 0 : i32
      %dma_start3A_123 = tpu.memref_slice %arg2[%dma_start3A_122, %multiple_of3A] : memref<64x1000000xf32, #tpu.memory_space<hbm>> -> memref<64x256xf32, #tpu.memory_space<hbm>>
      %dma_start3A_124 = arith.constant 0 : i32
      %dma_start3A_125 = arith.constant 0 : i32
      %dma_start3A_126 = tpu.memref_slice %arg9[%dma_start3A, %dma_start3A_124, %dma_start3A_125] : memref<4x64x256xf32, #tpu.memory_space<vmem>> -> memref<1x64x256xf32, #tpu.memory_space<vmem>>
      %dma_start3A_127 = tpu.memref_squeeze %dma_start3A_126 : memref<1x64x256xf32, #tpu.memory_space<vmem>> -> memref<64x256xf32, #tpu.memory_space<vmem>>
      %dma_start3A_128 = arith.constant 0 : i32
      %dma_start3A_129 = tpu.memref_slice %arg2[%dma_start3A_128, %multiple_of3A] : memref<64x1000000xf32, #tpu.memory_space<hbm>> -> memref<64x256xf32, #tpu.memory_space<hbm>>
      tpu.enqueue_dma source(%dma_start3A_129 : memref<64x256xf32, #tpu.memory_space<hbm>>) target(%dma_start3A_127 : memref<64x256xf32, #tpu.memory_space<vmem>>) target_semaphore(%arg12 : memref<!tpu.dma_semaphore, #tpu.memory_space<semaphore_mem>>)
    } else {
    }
    %add3A_89 = arith.constant 1 : i32
    %add3A_90 = arith.addi %mul3A_2, %add3A_89 : i32
    %lt3A_91 = arith.cmpi slt, %add3A_90, %min3A_5 : i32
    %convert_element_type3A_92 = arith.extui %lt3A_91 : i1 to i32
    %cond3A_93 = arith.constant 0 : i32
    %cond3A_94 = arith.cmpi ne, %convert_element_type3A_92, %cond3A_93 : i32
    scf.if %cond3A_94 {
      %add3A_112 = arith.constant 1 : i32
      %add3A_113 = arith.addi %mul3A_2, %add3A_112 : i32
      %mul3A_114 = arith.constant 256 : i32
      %mul3A_115 = arith.muli %add3A_113, %mul3A_114 : i32
      %min3A_116 = arith.constant 999808 : i32
      %min3A_117 = arith.minsi %mul3A_115, %min3A_116 : i32
      %multiple_of3A = tpu.assume_multiple %min3A_117, 128 : i32
      %dma_start3A = arith.constant 1 : i32
      %dma_start3A_118 = arith.constant 0 : i32
      %dma_start3A_119 = arith.constant 0 : i32
      %dma_start3A_120 = tpu.memref_slice %arg9[%dma_start3A, %dma_start3A_118, %dma_start3A_119] : memref<4x64x256xf32, #tpu.memory_space<vmem>> -> memref<1x64x256xf32, #tpu.memory_space<vmem>>
      %dma_start3A_121 = tpu.memref_squeeze %dma_start3A_120 : memref<1x64x256xf32, #tpu.memory_space<vmem>> -> memref<64x256xf32, #tpu.memory_space<vmem>>
      %dma_start3A_122 = arith.constant 0 : i32
      %dma_start3A_123 = tpu.memref_slice %arg2[%dma_start3A_122, %multiple_of3A] : memref<64x1000000xf32, #tpu.memory_space<hbm>> -> memref<64x256xf32, #tpu.memory_space<hbm>>
      %dma_start3A_124 = arith.constant 0 : i32
      %dma_start3A_125 = arith.constant 0 : i32
      %dma_start3A_126 = tpu.memref_slice %arg9[%dma_start3A, %dma_start3A_124, %dma_start3A_125] : memref<4x64x256xf32, #tpu.memory_space<vmem>> -> memref<1x64x256xf32, #tpu.memory_space<vmem>>
      %dma_start3A_127 = tpu.memref_squeeze %dma_start3A_126 : memref<1x64x256xf32, #tpu.memory_space<vmem>> -> memref<64x256xf32, #tpu.memory_space<vmem>>
      %dma_start3A_128 = arith.constant 0 : i32
      %dma_start3A_129 = tpu.memref_slice %arg2[%dma_start3A_128, %multiple_of3A] : memref<64x1000000xf32, #tpu.memory_space<hbm>> -> memref<64x256xf32, #tpu.memory_space<hbm>>
      tpu.enqueue_dma source(%dma_start3A_129 : memref<64x256xf32, #tpu.memory_space<hbm>>) target(%dma_start3A_127 : memref<64x256xf32, #tpu.memory_space<vmem>>) target_semaphore(%arg12 : memref<!tpu.dma_semaphore, #tpu.memory_space<semaphore_mem>>)
    } else {
    }
    %scan3A_95 = arith.constant 0 : i32
    %scan3A_96 = arith.constant 0 : i32
    %scan3A_97 = arith.constant 0 : i32
    %scan3A_98 = arith.constant 0 : i32
    %scan3A_99 = arith.constant 31 : i32
    %scan3A_100 = arith.addi %scan3A_98, %scan3A_99 : i32
    %scan3A_101 = arith.constant 1 : i32
    %scan3A_102:3 = scf.for %scan3A_112 = %scan3A_98 to %scan3A_100 step %scan3A_101 iter_args(%scan3A_113 = %scan3A_95, %scan3A_114 = %scan3A_96, %scan3A_115 = %scan3A_97) -> (i32, i32, i32)  : i32 {
      %mul3A_116 = arith.constant 2 : i32
      %mul3A_117 = arith.muli %scan3A_112, %mul3A_116 : i32
      %add3A_118 = arith.constant 0 : i32
      %add3A_119 = arith.addi %mul3A_117, %add3A_118 : i32
      %mul3A_120 = arith.constant 2 : i32
      %mul3A_121 = arith.muli %add3A_119, %mul3A_120 : i32
      %add3A_122 = arith.addi %mul3A_2, %mul3A_121 : i32
      %add3A_123 = arith.constant 2 : i32
      %add3A_124 = arith.addi %add3A_122, %add3A_123 : i32
      %add3A_125 = arith.constant 0 : i32
      %add3A_126 = arith.addi %add3A_124, %add3A_125 : i32
      %lt3A_127 = arith.cmpi slt, %add3A_126, %min3A_5 : i32
      %convert_element_type3A_128 = arith.extui %lt3A_127 : i1 to i32
      %cond3A_129 = arith.constant 0 : i32
      %cond3A_130 = arith.cmpi ne, %convert_element_type3A_128, %cond3A_129 : i32
      scf.if %cond3A_130 {
        %add3A_196 = arith.constant 2 : i32
        %add3A_197 = arith.addi %add3A_122, %add3A_196 : i32
        %add3A_198 = arith.constant 0 : i32
        %add3A_199 = arith.addi %add3A_197, %add3A_198 : i32
        %mul3A_200 = arith.constant 256 : i32
        %mul3A_201 = arith.muli %add3A_199, %mul3A_200 : i32
        %min3A_202 = arith.constant 999808 : i32
        %min3A_203 = arith.minsi %mul3A_201, %min3A_202 : i32
        %multiple_of3A = tpu.assume_multiple %min3A_203, 128 : i32
        %dma_start3A = arith.constant 2 : i32
        %dma_start3A_204 = arith.constant 0 : i32
        %dma_start3A_205 = arith.constant 0 : i32
        %dma_start3A_206 = tpu.memref_slice %arg9[%dma_start3A, %dma_start3A_204, %dma_start3A_205] : memref<4x64x256xf32, #tpu.memory_space<vmem>> -> memref<1x64x256xf32, #tpu.memory_space<vmem>>
        %dma_start3A_207 = tpu.memref_squeeze %dma_start3A_206 : memref<1x64x256xf32, #tpu.memory_space<vmem>> -> memref<64x256xf32, #tpu.memory_space<vmem>>
        %dma_start3A_208 = arith.constant 0 : i32
        %dma_start3A_209 = tpu.memref_slice %arg2[%dma_start3A_208, %multiple_of3A] : memref<64x1000000xf32, #tpu.memory_space<hbm>> -> memref<64x256xf32, #tpu.memory_space<hbm>>
        %dma_start3A_210 = arith.constant 0 : i32
        %dma_start3A_211 = arith.constant 0 : i32
        %dma_start3A_212 = tpu.memref_slice %arg9[%dma_start3A, %dma_start3A_210, %dma_start3A_211] : memref<4x64x256xf32, #tpu.memory_space<vmem>> -> memref<1x64x256xf32, #tpu.memory_space<vmem>>
        %dma_start3A_213 = tpu.memref_squeeze %dma_start3A_212 : memref<1x64x256xf32, #tpu.memory_space<vmem>> -> memref<64x256xf32, #tpu.memory_space<vmem>>
        %dma_start3A_214 = arith.constant 0 : i32
        %dma_start3A_215 = tpu.memref_slice %arg2[%dma_start3A_214, %multiple_of3A] : memref<64x1000000xf32, #tpu.memory_space<hbm>> -> memref<64x256xf32, #tpu.memory_space<hbm>>
        tpu.enqueue_dma source(%dma_start3A_215 : memref<64x256xf32, #tpu.memory_space<hbm>>) target(%dma_start3A_213 : memref<64x256xf32, #tpu.memory_space<vmem>>) target_semaphore(%arg12 : memref<!tpu.dma_semaphore, #tpu.memory_space<semaphore_mem>>)
      } else {
      }
      %add3A_131 = arith.constant 2 : i32
      %add3A_132 = arith.addi %add3A_122, %add3A_131 : i32
      %add3A_133 = arith.constant 1 : i32
      %add3A_134 = arith.addi %add3A_132, %add3A_133 : i32
      %lt3A_135 = arith.cmpi slt, %add3A_134, %min3A_5 : i32
      %convert_element_type3A_136 = arith.extui %lt3A_135 : i1 to i32
      %cond3A_137 = arith.constant 0 : i32
      %cond3A_138 = arith.cmpi ne, %convert_element_type3A_136, %cond3A_137 : i32
      scf.if %cond3A_138 {
        %add3A_196 = arith.constant 2 : i32
        %add3A_197 = arith.addi %add3A_122, %add3A_196 : i32
        %add3A_198 = arith.constant 1 : i32
        %add3A_199 = arith.addi %add3A_197, %add3A_198 : i32
        %mul3A_200 = arith.constant 256 : i32
        %mul3A_201 = arith.muli %add3A_199, %mul3A_200 : i32
        %min3A_202 = arith.constant 999808 : i32
        %min3A_203 = arith.minsi %mul3A_201, %min3A_202 : i32
        %multiple_of3A = tpu.assume_multiple %min3A_203, 128 : i32
        %dma_start3A = arith.constant 3 : i32
        %dma_start3A_204 = arith.constant 0 : i32
        %dma_start3A_205 = arith.constant 0 : i32
        %dma_start3A_206 = tpu.memref_slice %arg9[%dma_start3A, %dma_start3A_204, %dma_start3A_205] : memref<4x64x256xf32, #tpu.memory_space<vmem>> -> memref<1x64x256xf32, #tpu.memory_space<vmem>>
        %dma_start3A_207 = tpu.memref_squeeze %dma_start3A_206 : memref<1x64x256xf32, #tpu.memory_space<vmem>> -> memref<64x256xf32, #tpu.memory_space<vmem>>
        %dma_start3A_208 = arith.constant 0 : i32
        %dma_start3A_209 = tpu.memref_slice %arg2[%dma_start3A_208, %multiple_of3A] : memref<64x1000000xf32, #tpu.memory_space<hbm>> -> memref<64x256xf32, #tpu.memory_space<hbm>>
        %dma_start3A_210 = arith.constant 0 : i32
        %dma_start3A_211 = arith.constant 0 : i32
        %dma_start3A_212 = tpu.memref_slice %arg9[%dma_start3A, %dma_start3A_210, %dma_start3A_211] : memref<4x64x256xf32, #tpu.memory_space<vmem>> -> memref<1x64x256xf32, #tpu.memory_space<vmem>>
        %dma_start3A_213 = tpu.memref_squeeze %dma_start3A_212 : memref<1x64x256xf32, #tpu.memory_space<vmem>> -> memref<64x256xf32, #tpu.memory_space<vmem>>
        %dma_start3A_214 = arith.constant 0 : i32
        %dma_start3A_215 = tpu.memref_slice %arg2[%dma_start3A_214, %multiple_of3A] : memref<64x1000000xf32, #tpu.memory_space<hbm>> -> memref<64x256xf32, #tpu.memory_space<hbm>>
        tpu.enqueue_dma source(%dma_start3A_215 : memref<64x256xf32, #tpu.memory_space<hbm>>) target(%dma_start3A_213 : memref<64x256xf32, #tpu.memory_space<vmem>>) target_semaphore(%arg12 : memref<!tpu.dma_semaphore, #tpu.memory_space<semaphore_mem>>)
      } else {
      }
      %add3A_139 = arith.constant 0 : i32
      %add3A_140 = arith.addi %add3A_122, %add3A_139 : i32
      %lt3A_141 = arith.cmpi slt, %add3A_140, %min3A_5 : i32
      %convert_element_type3A_142 = arith.extui %lt3A_141 : i1 to i32
      %cond3A_143 = arith.constant 0 : i32
      %cond3A_144 = arith.cmpi ne, %convert_element_type3A_142, %cond3A_143 : i32
      scf.if %cond3A_144 {
        %dma_wait3A = arith.constant 0 : i32
        %dma_wait3A_196 = arith.constant 0 : i32
        %dma_wait3A_197 = arith.constant 0 : i32
        %dma_wait3A_198 = tpu.memref_slice %arg9[%dma_wait3A, %dma_wait3A_196, %dma_wait3A_197] : memref<4x64x256xf32, #tpu.memory_space<vmem>> -> memref<1x64x256xf32, #tpu.memory_space<vmem>>
        %dma_wait3A_199 = tpu.memref_squeeze %dma_wait3A_198 : memref<1x64x256xf32, #tpu.memory_space<vmem>> -> memref<64x256xf32, #tpu.memory_space<vmem>>
        %dma_wait3A_200 = arith.constant 0 : i32
        %dma_wait3A_201 = arith.constant 0 : i32
        %dma_wait3A_202 = tpu.memref_slice %arg2[%dma_wait3A_200, %dma_wait3A_201] : memref<64x1000000xf32, #tpu.memory_space<hbm>> -> memref<64x256xf32, #tpu.memory_space<hbm>>
        %dma_wait3A_203 = arith.constant 0 : i32
        %dma_wait3A_204 = arith.constant 0 : i32
        %dma_wait3A_205 = tpu.memref_slice %arg9[%dma_wait3A, %dma_wait3A_203, %dma_wait3A_204] : memref<4x64x256xf32, #tpu.memory_space<vmem>> -> memref<1x64x256xf32, #tpu.memory_space<vmem>>
        %dma_wait3A_206 = tpu.memref_squeeze %dma_wait3A_205 : memref<1x64x256xf32, #tpu.memory_space<vmem>> -> memref<64x256xf32, #tpu.memory_space<vmem>>
        %dma_wait3A_207 = arith.constant 0 : i32
        %dma_wait3A_208 = arith.constant 0 : i32
        %dma_wait3A_209 = tpu.memref_slice %arg2[%dma_wait3A_207, %dma_wait3A_208] : memref<64x1000000xf32, #tpu.memory_space<hbm>> -> memref<64x256xf32, #tpu.memory_space<hbm>>
        tpu.wait_dma2 semaphore(%arg12 : memref<!tpu.dma_semaphore, #tpu.memory_space<semaphore_mem>>) src(%dma_wait3A_209 : memref<64x256xf32, #tpu.memory_space<hbm>>) dst(%dma_wait3A_206 : memref<64x256xf32, #tpu.memory_space<vmem>>)
      } else {
      }
      %add3A_145 = arith.constant 1 : i32
      %add3A_146 = arith.addi %add3A_122, %add3A_145 : i32
      %lt3A_147 = arith.cmpi slt, %add3A_146, %min3A_5 : i32
      %convert_element_type3A_148 = arith.extui %lt3A_147 : i1 to i32
      %cond3A_149 = arith.constant 0 : i32
      %cond3A_150 = arith.cmpi ne, %convert_element_type3A_148, %cond3A_149 : i32
      scf.if %cond3A_150 {
        %dma_wait3A = arith.constant 1 : i32
        %dma_wait3A_196 = arith.constant 0 : i32
        %dma_wait3A_197 = arith.constant 0 : i32
        %dma_wait3A_198 = tpu.memref_slice %arg9[%dma_wait3A, %dma_wait3A_196, %dma_wait3A_197] : memref<4x64x256xf32, #tpu.memory_space<vmem>> -> memref<1x64x256xf32, #tpu.memory_space<vmem>>
        %dma_wait3A_199 = tpu.memref_squeeze %dma_wait3A_198 : memref<1x64x256xf32, #tpu.memory_space<vmem>> -> memref<64x256xf32, #tpu.memory_space<vmem>>
        %dma_wait3A_200 = arith.constant 0 : i32
        %dma_wait3A_201 = arith.constant 0 : i32
        %dma_wait3A_202 = tpu.memref_slice %arg2[%dma_wait3A_200, %dma_wait3A_201] : memref<64x1000000xf32, #tpu.memory_space<hbm>> -> memref<64x256xf32, #tpu.memory_space<hbm>>
        %dma_wait3A_203 = arith.constant 0 : i32
        %dma_wait3A_204 = arith.constant 0 : i32
        %dma_wait3A_205 = tpu.memref_slice %arg9[%dma_wait3A, %dma_wait3A_203, %dma_wait3A_204] : memref<4x64x256xf32, #tpu.memory_space<vmem>> -> memref<1x64x256xf32, #tpu.memory_space<vmem>>
        %dma_wait3A_206 = tpu.memref_squeeze %dma_wait3A_205 : memref<1x64x256xf32, #tpu.memory_space<vmem>> -> memref<64x256xf32, #tpu.memory_space<vmem>>
        %dma_wait3A_207 = arith.constant 0 : i32
        %dma_wait3A_208 = arith.constant 0 : i32
        %dma_wait3A_209 = tpu.memref_slice %arg2[%dma_wait3A_207, %dma_wait3A_208] : memref<64x1000000xf32, #tpu.memory_space<hbm>> -> memref<64x256xf32, #tpu.memory_space<hbm>>
        tpu.wait_dma2 semaphore(%arg12 : memref<!tpu.dma_semaphore, #tpu.memory_space<semaphore_mem>>) src(%dma_wait3A_209 : memref<64x256xf32, #tpu.memory_space<hbm>>) dst(%dma_wait3A_206 : memref<64x256xf32, #tpu.memory_space<vmem>>)
      } else {
      }
      %lt3A_151 = arith.cmpi slt, %add3A_122, %min3A_5 : i32
      %convert_element_type3A_152 = arith.extui %lt3A_151 : i1 to i32
      %cond3A_153 = arith.constant 0 : i32
      %cond3A_154 = arith.cmpi ne, %convert_element_type3A_152, %cond3A_153 : i32
      %cond3A_155:3 = scf.if %cond3A_154 -> (i32, i32, i32) {
        %sub3A_196 = arith.subi %add3A_122, %mul3A_2 : i32
        %shift_right_arithmetic3A = arith.constant 1 : i32
        %shift_right_arithmetic3A_197 = arith.shrsi %sub3A_196, %shift_right_arithmetic3A : i32
        %broadcast_in_dim3A_198 = vector.broadcast %shift_right_arithmetic3A_197 : i32 to vector<16xi32>
        %gather3A = tpu.vector_load_idx %arg7[%broadcast_in_dim3A_198] : memref<62xi32, #tpu.memory_space<vmem>>[vector<16xi32>], vector<16xi32>,
        %slice3A = vector.extract_strided_slice %gather3A {offsets = [0], sizes = [1], strides = [1]} : vector<16xi32> to vector<1xi32>
        %squeeze3A = vector.extract %slice3A[0] : i32 from vector<1xi32>
        %gather3A_199 = tpu.vector_load_idx %arg8[%broadcast_in_dim3A_198] : memref<62xi32, #tpu.memory_space<vmem>>[vector<16xi32>], vector<16xi32>,
        %slice3A_200 = vector.extract_strided_slice %gather3A_199 {offsets = [0], sizes = [1], strides = [1]} : vector<16xi32> to vector<1xi32>
        %squeeze3A_201 = vector.extract %slice3A_200[0] : i32 from vector<1xi32>
        %add3A_202 = arith.constant 16 : i32
        %add3A_203 = arith.addi %squeeze3A_201, %add3A_202 : i32
        %sub3A_204 = arith.constant 1 : i32
        %sub3A_205 = arith.subi %add3A_203, %sub3A_204 : i32
        %shift_right_arithmetic3A_206 = arith.constant 4 : i32
        %shift_right_arithmetic3A_207 = arith.shrsi %sub3A_205, %shift_right_arithmetic3A_206 : i32
        %while3A = arith.constant 0 : i32
        %while3A_208 = arith.subi %shift_right_arithmetic3A_207, %while3A : i32
        %while3A_209 = arith.addi %while3A, %while3A_208 : i32
        %while3A_210 = arith.constant 1 : i32
        %while3A_211 = arith.divsi %while3A_208, %while3A_210 : i32
        %while3A_212 = arith.muli %while3A_211, %while3A_210 : i32
        %while3A_213 = arith.addi %while3A, %while3A_212 : i32
        %while3A_214 = arith.constant 1 : i32
        %while3A_215:3 = scf.for %while3A_218 = %while3A to %while3A_213 step %while3A_214 iter_args(%while3A_219 = %scan3A_113, %while3A_220 = %scan3A_114, %while3A_221 = %scan3A_115) -> (i32, i32, i32)  : i32 {
          %mul3A_222 = arith.constant 16 : i32
          %mul3A_223 = arith.muli %while3A_218, %mul3A_222 : i32
          %add3A_224 = arith.addi %squeeze3A, %mul3A_223 : i32
          %get3A = arith.index_cast %add3A_224 : i32 to index
          %get3A_225 = tpu.vector_load %arg6[%get3A] {strides = array<i32>} : memref<17376xi32, #tpu.memory_space<vmem>>, vector<16xi32>,
          %mul3A_226 = arith.constant 16 : i32
          %mul3A_227 = arith.muli %while3A_218, %mul3A_226 : i32
          %sub3A_228 = arith.subi %squeeze3A_201, %mul3A_227 : i32
          %min3A_229 = arith.constant 16 : i32
          %min3A_230 = arith.minsi %sub3A_228, %min3A_229 : i32
          %while3A_231 = arith.constant 0 : i32
          %while3A_232 = arith.subi %min3A_230, %while3A_231 : i32
          %while3A_233 = arith.addi %while3A_231, %while3A_232 : i32
          %while3A_234 = arith.constant 1 : i32
          %while3A_235 = arith.divsi %while3A_232, %while3A_234 : i32
          %while3A_236 = arith.muli %while3A_235, %while3A_234 : i32
          %while3A_237 = arith.addi %while3A_231, %while3A_236 : i32
          %while3A_238 = arith.constant 1 : i32
          %while3A_239:3 = scf.for %while3A_242 = %while3A_231 to %while3A_237 step %while3A_238 iter_args(%while3A_243 = %while3A_219, %while3A_244 = %while3A_220, %while3A_245 = %while3A_221) -> (i32, i32, i32)  : i32 {
            %broadcast_in_dim3A_246 = vector.broadcast %while3A_242 : i32 to vector<16xi32>
            %lt3A_247 = arith.constant 0 : i32
            %lt3A_248 = vector.broadcast %lt3A_247 : i32 to vector<16xi32>
            %lt3A_249 = arith.cmpi slt, %broadcast_in_dim3A_246, %lt3A_248 : vector<16xi32>
            %add3A_250 = arith.constant 16 : i32
            %add3A_251 = vector.broadcast %add3A_250 : i32 to vector<16xi32>
            %add3A_252 = arith.addi %broadcast_in_dim3A_246, %add3A_251 : vector<16xi32>
            %select_n3A_253 = arith.select %lt3A_249, %add3A_252, %broadcast_in_dim3A_246 : vector<16xi1>, vector<16xi32>
            %broadcast_in_dim3A_254 = vector.shape_cast %select_n3A_253 : vector<16xi32> to vector<16x1xi32>
            %gather3A_255 = vector.shape_cast %broadcast_in_dim3A_254 : vector<16x1xi32> to vector<16xi32>
            %gather3A_256 = tpu.dynamic_gather %get3A_225[%gather3A_255] in [0] : vector<16xi32>, vector<16xi32> -> vector<16xi32>
            %and3A_257 = arith.constant 16383 : i32
            %and3A_258 = vector.broadcast %and3A_257 : i32 to vector<16xi32>
            %and3A_259 = arith.andi %gather3A_256, %and3A_258 : vector<16xi32>
            %shift_right_arithmetic3A_260 = arith.constant 14 : i32
            %shift_right_arithmetic3A_261 = vector.broadcast %shift_right_arithmetic3A_260 : i32 to vector<16xi32>
            %shift_right_arithmetic3A_262 = arith.shrsi %gather3A_256, %shift_right_arithmetic3A_261 : vector<16xi32>
            %add3A_263 = vector.broadcast %mul3A_7 : i32 to vector<16xi32>
            %add3A_264 = arith.addi %add3A_263, %shift_right_arithmetic3A_262 : vector<16xi32>
            %shift_right_arithmetic3A_265 = arith.constant 8 : i32
            %shift_right_arithmetic3A_266 = vector.broadcast %shift_right_arithmetic3A_265 : i32 to vector<16xi32>
            %shift_right_arithmetic3A_267 = arith.shrsi %add3A_264, %shift_right_arithmetic3A_266 : vector<16xi32>
            %and3A_268 = arith.constant 3 : i32
            %and3A_269 = vector.broadcast %and3A_268 : i32 to vector<16xi32>
            %and3A_270 = arith.andi %shift_right_arithmetic3A_267, %and3A_269 : vector<16xi32>
            %and3A_271 = arith.constant 255 : i32
            %and3A_272 = vector.broadcast %and3A_271 : i32 to vector<16xi32>
            %and3A_273 = arith.andi %add3A_264, %and3A_272 : vector<16xi32>
            %eq3A_274 = arith.constant 3906 : i32
            %eq3A_275 = vector.broadcast %eq3A_274 : i32 to vector<16xi32>
            %eq3A_276 = arith.cmpi eq, %shift_right_arithmetic3A_267, %eq3A_275 : vector<16xi32>
            %jit3A_277 = arith.constant 128 : i32
            %jit3A_278 = arith.constant 0 : i32
            %broadcast_in_dim3A_279 = vector.broadcast %jit3A_277 : i32 to vector<16xi32>
            %broadcast_in_dim3A_280 = vector.broadcast %jit3A_278 : i32 to vector<16xi32>
            %select_n3A_281 = arith.select %eq3A_276, %broadcast_in_dim3A_279, %broadcast_in_dim3A_280 : vector<16xi1>, vector<16xi32>
            %add3A_282 = arith.addi %and3A_273, %select_n3A_281 : vector<16xi32>
            %broadcast_in_dim3A_283 = vector.broadcast %while3A_244 : i32 to vector<16xi32>
            %broadcast_in_dim3A_284 = vector.broadcast %while3A_243 : i32 to vector<16xi32>
            %add3A_285 = arith.constant 0 : i32
            %add3A_286 = vector.broadcast %add3A_285 : i32 to vector<16xi32>
            %add3A_287 = arith.addi %iota3A, %add3A_286 : vector<16xi32>
            %gather3A_288 = tpu.vector_load_idx %arg9[%and3A_270, %add3A_287, %add3A_282] : memref<4x64x256xf32, #tpu.memory_space<vmem>>[vector<16xi32>, vector<16xi32>, vector<16xi32>], vector<16xf32>,
            %add3A_289 = arith.constant 0 : i32
            %add3A_290 = vector.broadcast %add3A_289 : i32 to vector<16xi32>
            %add3A_291 = arith.addi %add3A_290, %iota3A : vector<16xi32>
            tpu.vector_store_idx %arg10[%broadcast_in_dim3A_283, %broadcast_in_dim3A_284, %add3A_291], %gather3A_288 : memref<2x64x128xf32, #tpu.memory_space<vmem>>[vector<16xi32>, vector<16xi32>, vector<16xi32>], vector<16xf32>,
            %add3A_292 = arith.constant 16 : i32
            %add3A_293 = vector.broadcast %add3A_292 : i32 to vector<16xi32>
            %add3A_294 = arith.addi %iota3A, %add3A_293 : vector<16xi32>
            %gather3A_295 = tpu.vector_load_idx %arg9[%and3A_270, %add3A_294, %add3A_282] : memref<4x64x256xf32, #tpu.memory_space<vmem>>[vector<16xi32>, vector<16xi32>, vector<16xi32>], vector<16xf32>,
            %add3A_296 = arith.constant 16 : i32
            %add3A_297 = vector.broadcast %add3A_296 : i32 to vector<16xi32>
            %add3A_298 = arith.addi %add3A_297, %iota3A : vector<16xi32>
            tpu.vector_store_idx %arg10[%broadcast_in_dim3A_283, %broadcast_in_dim3A_284, %add3A_298], %gather3A_295 : memref<2x64x128xf32, #tpu.memory_space<vmem>>[vector<16xi32>, vector<16xi32>, vector<16xi32>], vector<16xf32>,
            %add3A_299 = arith.constant 32 : i32
            %add3A_300 = vector.broadcast %add3A_299 : i32 to vector<16xi32>
            %add3A_301 = arith.addi %iota3A, %add3A_300 : vector<16xi32>
            %gather3A_302 = tpu.vector_load_idx %arg9[%and3A_270, %add3A_301, %add3A_282] : memref<4x64x256xf32, #tpu.memory_space<vmem>>[vector<16xi32>, vector<16xi32>, vector<16xi32>], vector<16xf32>,
            %add3A_303 = arith.constant 32 : i32
            %add3A_304 = vector.broadcast %add3A_303 : i32 to vector<16xi32>
            %add3A_305 = arith.addi %add3A_304, %iota3A : vector<16xi32>
            tpu.vector_store_idx %arg10[%broadcast_in_dim3A_283, %broadcast_in_dim3A_284, %add3A_305], %gather3A_302 : memref<2x64x128xf32, #tpu.memory_space<vmem>>[vector<16xi32>, vector<16xi32>, vector<16xi32>], vector<16xf32>,
            %add3A_306 = arith.constant 48 : i32
            %add3A_307 = vector.broadcast %add3A_306 : i32 to vector<16xi32>
            %add3A_308 = arith.addi %iota3A, %add3A_307 : vector<16xi32>
            %gather3A_309 = tpu.vector_load_idx %arg9[%and3A_270, %add3A_308, %add3A_282] : memref<4x64x256xf32, #tpu.memory_space<vmem>>[vector<16xi32>, vector<16xi32>, vector<16xi32>], vector<16xf32>,
            %add3A_310 = arith.constant 48 : i32
            %add3A_311 = vector.broadcast %add3A_310 : i32 to vector<16xi32>
            %add3A_312 = arith.addi %add3A_311, %iota3A : vector<16xi32>
            tpu.vector_store_idx %arg10[%broadcast_in_dim3A_283, %broadcast_in_dim3A_284, %add3A_312], %gather3A_309 : memref<2x64x128xf32, #tpu.memory_space<vmem>>[vector<16xi32>, vector<16xi32>, vector<16xi32>], vector<16xf32>,
            %eq3A_313 = arith.constant 0 : i32
            %eq3A_314 = vector.broadcast %eq3A_313 : i32 to vector<16xi32>
            %eq3A_315 = arith.cmpi eq, %iota3A, %eq3A_314 : vector<16xi32>
            tpu.vector_store_idx %arg11[%broadcast_in_dim3A_283, %broadcast_in_dim3A_284], %and3A_259 masked %eq3A_315 : memref<2x64xi32, #tpu.memory_space<vmem>>[vector<16xi32>, vector<16xi32>], vector<16xi32>, vector<16xi1>
            %add3A_316 = arith.constant 1 : i32
            %add3A_317 = arith.addi %while3A_243, %add3A_316 : i32
            %eq3A_318 = arith.constant 64 : i32
            %eq3A_319 = arith.cmpi eq, %add3A_317, %eq3A_318 : i32
            %convert_element_type3A_320 = arith.extui %eq3A_319 : i1 to i32
            %cond3A_321 = arith.constant 0 : i32
            %cond3A_322 = arith.cmpi ne, %convert_element_type3A_320, %cond3A_321 : i32
            scf.if %cond3A_322 {
              %eq3A_332 = arith.constant 1 : i32
              %eq3A_333 = arith.cmpi eq, %while3A_245, %eq3A_332 : i32
              %convert_element_type3A_334 = arith.extui %eq3A_333 : i1 to i32
              %cond3A_335 = arith.constant 0 : i32
              %cond3A_336 = arith.cmpi ne, %convert_element_type3A_334, %cond3A_335 : i32
              scf.if %cond3A_336 {
                %dma_wait3A = arith.constant 0 : i32
                %dma_wait3A_361 = arith.constant 0 : i32
                %dma_wait3A_362 = arith.constant 0 : i32
                %dma_wait3A_363 = arith.constant 0 : i32
                %dma_wait3A_364 = tpu.memref_slice %arg10[%dma_wait3A, %dma_wait3A_362, %dma_wait3A_363] : memref<2x64x128xf32, #tpu.memory_space<vmem>> -> memref<1x64x128xf32, #tpu.memory_space<vmem>>
                %dma_wait3A_365 = tpu.memref_squeeze %dma_wait3A_364 : memref<1x64x128xf32, #tpu.memory_space<vmem>> -> memref<64x128xf32, #tpu.memory_space<vmem>>
                %dma_wait3A_366 = arith.constant 0 : i32
                %dma_wait3A_367 = tpu.memref_slice %arg11[%dma_wait3A_361, %dma_wait3A_366] : memref<2x64xi32, #tpu.memory_space<vmem>> -> memref<1x64xi32, #tpu.memory_space<vmem>>
                %dma_wait3A_368 = tpu.memref_squeeze %dma_wait3A_367 : memref<1x64xi32, #tpu.memory_space<vmem>> -> memref<64xi32, #tpu.memory_space<vmem>>
                %dma_wait3A_369 = arith.constant 0 : i32
                %dma_wait3A_370 = arith.constant 0 : i32
                %dma_wait3A_371 = tpu.memref_slice %arg4[%dma_wait3A_369, %dma_wait3A_370] : memref<16385x128xf32, #tpu.memory_space<hbm>> -> memref<16385x128xf32, #tpu.memory_space<hbm>>
                tpu.wait_indirect_dma semaphore(%arg13 : memref<!tpu.dma_semaphore, #tpu.memory_space<semaphore_mem>>) src(%dma_wait3A_365 : memref<64x128xf32, #tpu.memory_space<vmem>>) dst(%dma_wait3A_371 : memref<16385x128xf32, #tpu.memory_space<hbm>>)
              } else {
              }
              %dma_start3A = arith.constant 0 : i32
              %dma_start3A_337 = arith.constant 0 : i32
              %dma_start3A_338 = tpu.memref_slice %arg10[%while3A_244, %dma_start3A, %dma_start3A_337] : memref<2x64x128xf32, #tpu.memory_space<vmem>> -> memref<1x64x128xf32, #tpu.memory_space<vmem>>
              %dma_start3A_339 = tpu.memref_squeeze %dma_start3A_338 : memref<1x64x128xf32, #tpu.memory_space<vmem>> -> memref<64x128xf32, #tpu.memory_space<vmem>>
              %dma_start3A_340 = arith.constant 0 : i32
              %dma_start3A_341 = tpu.memref_slice %arg11[%while3A_244, %dma_start3A_340] : memref<2x64xi32, #tpu.memory_space<vmem>> -> memref<1x64xi32, #tpu.memory_space<vmem>>
              %dma_start3A_342 = tpu.memref_squeeze %dma_start3A_341 : memref<1x64xi32, #tpu.memory_space<vmem>> -> memref<64xi32, #tpu.memory_space<vmem>>
              %dma_start3A_343 = arith.constant 0 : i32
              %dma_start3A_344 = arith.constant 0 : i32
              %dma_start3A_345 = tpu.memref_slice %arg4[%dma_start3A_343, %dma_start3A_344] : memref<16385x128xf32, #tpu.memory_space<hbm>> -> memref<16385x128xf32, #tpu.memory_space<hbm>>
              tpu.enqueue_indirect_dma source(%dma_start3A_339 : memref<64x128xf32, #tpu.memory_space<vmem>>) target(%dma_start3A_345 : memref<16385x128xf32, #tpu.memory_space<hbm>>) offsets(%dma_start3A_342 : memref<64xi32, #tpu.memory_space<vmem>>) semaphore(%arg13 : memref<!tpu.dma_semaphore, #tpu.memory_space<semaphore_mem>>)
              %sub3A_346 = arith.constant 1 : i32
              %sub3A_347 = arith.subi %sub3A_346, %while3A_244 : i32
              %broadcast_in_dim3A_348 = vector.broadcast %sub3A_347 : i32 to vector<16xi32>
              %add3A_349 = arith.constant 0 : i32
              %add3A_350 = vector.broadcast %add3A_349 : i32 to vector<16xi32>
              %add3A_351 = arith.addi %add3A_350, %iota3A : vector<16xi32>
              tpu.vector_store_idx %arg11[%broadcast_in_dim3A_348, %add3A_351], %broadcast_in_dim3A_12 : memref<2x64xi32, #tpu.memory_space<vmem>>[vector<16xi32>, vector<16xi32>], vector<16xi32>,
              %add3A_352 = arith.constant 16 : i32
              %add3A_353 = vector.broadcast %add3A_352 : i32 to vector<16xi32>
              %add3A_354 = arith.addi %add3A_353, %iota3A : vector<16xi32>
              tpu.vector_store_idx %arg11[%broadcast_in_dim3A_348, %add3A_354], %broadcast_in_dim3A_12 : memref<2x64xi32, #tpu.memory_space<vmem>>[vector<16xi32>, vector<16xi32>], vector<16xi32>,
              %add3A_355 = arith.constant 32 : i32
              %add3A_356 = vector.broadcast %add3A_355 : i32 to vector<16xi32>
              %add3A_357 = arith.addi %add3A_356, %iota3A : vector<16xi32>
              tpu.vector_store_idx %arg11[%broadcast_in_dim3A_348, %add3A_357], %broadcast_in_dim3A_12 : memref<2x64xi32, #tpu.memory_space<vmem>>[vector<16xi32>, vector<16xi32>], vector<16xi32>,
              %add3A_358 = arith.constant 48 : i32
              %add3A_359 = vector.broadcast %add3A_358 : i32 to vector<16xi32>
              %add3A_360 = arith.addi %add3A_359, %iota3A : vector<16xi32>
              tpu.vector_store_idx %arg11[%broadcast_in_dim3A_348, %add3A_360], %broadcast_in_dim3A_12 : memref<2x64xi32, #tpu.memory_space<vmem>>[vector<16xi32>, vector<16xi32>], vector<16xi32>,
            } else {
            }
            %add3A_323 = arith.constant 1 : i32
            %add3A_324 = arith.addi %while3A_243, %add3A_323 : i32
            %jit3A_325 = arith.constant 0 : i32
            %select_n3A_326 = arith.select %eq3A_319, %jit3A_325, %add3A_324 : i32
            %sub3A_327 = arith.constant 1 : i32
            %sub3A_328 = arith.subi %sub3A_327, %while3A_244 : i32
            %select_n3A_329 = arith.select %eq3A_319, %sub3A_328, %while3A_244 : i32
            %jit3A_330 = arith.constant 1 : i32
            %select_n3A_331 = arith.select %eq3A_319, %jit3A_330, %while3A_245 : i32
            scf.yield %select_n3A_326, %select_n3A_329, %select_n3A_331 : i32, i32, i32
          }
          %while3A_240 = arith.constant 1 : i32
          %while3A_241:3 = scf.for %while3A_242 = %while3A_237 to %while3A_233 step %while3A_240 iter_args(%while3A_243 = %while3A_239#0, %while3A_244 = %while3A_239#1, %while3A_245 = %while3A_239#2) -> (i32, i32, i32)  : i32 {
            %broadcast_in_dim3A_246 = vector.broadcast %while3A_242 : i32 to vector<16xi32>
            %lt3A_247 = arith.constant 0 : i32
            %lt3A_248 = vector.broadcast %lt3A_247 : i32 to vector<16xi32>
            %lt3A_249 = arith.cmpi slt, %broadcast_in_dim3A_246, %lt3A_248 : vector<16xi32>
            %add3A_250 = arith.constant 16 : i32
            %add3A_251 = vector.broadcast %add3A_250 : i32 to vector<16xi32>
            %add3A_252 = arith.addi %broadcast_in_dim3A_246, %add3A_251 : vector<16xi32>
            %select_n3A_253 = arith.select %lt3A_249, %add3A_252, %broadcast_in_dim3A_246 : vector<16xi1>, vector<16xi32>
            %broadcast_in_dim3A_254 = vector.shape_cast %select_n3A_253 : vector<16xi32> to vector<16x1xi32>
            %gather3A_255 = vector.shape_cast %broadcast_in_dim3A_254 : vector<16x1xi32> to vector<16xi32>
            %gather3A_256 = tpu.dynamic_gather %get3A_225[%gather3A_255] in [0] : vector<16xi32>, vector<16xi32> -> vector<16xi32>
            %and3A_257 = arith.constant 16383 : i32
            %and3A_258 = vector.broadcast %and3A_257 : i32 to vector<16xi32>
            %and3A_259 = arith.andi %gather3A_256, %and3A_258 : vector<16xi32>
            %shift_right_arithmetic3A_260 = arith.constant 14 : i32
            %shift_right_arithmetic3A_261 = vector.broadcast %shift_right_arithmetic3A_260 : i32 to vector<16xi32>
            %shift_right_arithmetic3A_262 = arith.shrsi %gather3A_256, %shift_right_arithmetic3A_261 : vector<16xi32>
            %add3A_263 = vector.broadcast %mul3A_7 : i32 to vector<16xi32>
            %add3A_264 = arith.addi %add3A_263, %shift_right_arithmetic3A_262 : vector<16xi32>
            %shift_right_arithmetic3A_265 = arith.constant 8 : i32
            %shift_right_arithmetic3A_266 = vector.broadcast %shift_right_arithmetic3A_265 : i32 to vector<16xi32>
            %shift_right_arithmetic3A_267 = arith.shrsi %add3A_264, %shift_right_arithmetic3A_266 : vector<16xi32>
            %and3A_268 = arith.constant 3 : i32
            %and3A_269 = vector.broadcast %and3A_268 : i32 to vector<16xi32>
            %and3A_270 = arith.andi %shift_right_arithmetic3A_267, %and3A_269 : vector<16xi32>
            %and3A_271 = arith.constant 255 : i32
            %and3A_272 = vector.broadcast %and3A_271 : i32 to vector<16xi32>
            %and3A_273 = arith.andi %add3A_264, %and3A_272 : vector<16xi32>
            %eq3A_274 = arith.constant 3906 : i32
            %eq3A_275 = vector.broadcast %eq3A_274 : i32 to vector<16xi32>
            %eq3A_276 = arith.cmpi eq, %shift_right_arithmetic3A_267, %eq3A_275 : vector<16xi32>
            %jit3A_277 = arith.constant 128 : i32
            %jit3A_278 = arith.constant 0 : i32
            %broadcast_in_dim3A_279 = vector.broadcast %jit3A_277 : i32 to vector<16xi32>
            %broadcast_in_dim3A_280 = vector.broadcast %jit3A_278 : i32 to vector<16xi32>
            %select_n3A_281 = arith.select %eq3A_276, %broadcast_in_dim3A_279, %broadcast_in_dim3A_280 : vector<16xi1>, vector<16xi32>
            %add3A_282 = arith.addi %and3A_273, %select_n3A_281 : vector<16xi32>
            %broadcast_in_dim3A_283 = vector.broadcast %while3A_244 : i32 to vector<16xi32>
            %broadcast_in_dim3A_284 = vector.broadcast %while3A_243 : i32 to vector<16xi32>
            %add3A_285 = arith.constant 0 : i32
            %add3A_286 = vector.broadcast %add3A_285 : i32 to vector<16xi32>
            %add3A_287 = arith.addi %iota3A, %add3A_286 : vector<16xi32>
            %gather3A_288 = tpu.vector_load_idx %arg9[%and3A_270, %add3A_287, %add3A_282] : memref<4x64x256xf32, #tpu.memory_space<vmem>>[vector<16xi32>, vector<16xi32>, vector<16xi32>], vector<16xf32>,
            %add3A_289 = arith.constant 0 : i32
            %add3A_290 = vector.broadcast %add3A_289 : i32 to vector<16xi32>
            %add3A_291 = arith.addi %add3A_290, %iota3A : vector<16xi32>
            tpu.vector_store_idx %arg10[%broadcast_in_dim3A_283, %broadcast_in_dim3A_284, %add3A_291], %gather3A_288 : memref<2x64x128xf32, #tpu.memory_space<vmem>>[vector<16xi32>, vector<16xi32>, vector<16xi32>], vector<16xf32>,
            %add3A_292 = arith.constant 16 : i32
            %add3A_293 = vector.broadcast %add3A_292 : i32 to vector<16xi32>
            %add3A_294 = arith.addi %iota3A, %add3A_293 : vector<16xi32>
            %gather3A_295 = tpu.vector_load_idx %arg9[%and3A_270, %add3A_294, %add3A_282] : memref<4x64x256xf32, #tpu.memory_space<vmem>>[vector<16xi32>, vector<16xi32>, vector<16xi32>], vector<16xf32>,
            %add3A_296 = arith.constant 16 : i32
            %add3A_297 = vector.broadcast %add3A_296 : i32 to vector<16xi32>
            %add3A_298 = arith.addi %add3A_297, %iota3A : vector<16xi32>
            tpu.vector_store_idx %arg10[%broadcast_in_dim3A_283, %broadcast_in_dim3A_284, %add3A_298], %gather3A_295 : memref<2x64x128xf32, #tpu.memory_space<vmem>>[vector<16xi32>, vector<16xi32>, vector<16xi32>], vector<16xf32>,
            %add3A_299 = arith.constant 32 : i32
            %add3A_300 = vector.broadcast %add3A_299 : i32 to vector<16xi32>
            %add3A_301 = arith.addi %iota3A, %add3A_300 : vector<16xi32>
            %gather3A_302 = tpu.vector_load_idx %arg9[%and3A_270, %add3A_301, %add3A_282] : memref<4x64x256xf32, #tpu.memory_space<vmem>>[vector<16xi32>, vector<16xi32>, vector<16xi32>], vector<16xf32>,
            %add3A_303 = arith.constant 32 : i32
            %add3A_304 = vector.broadcast %add3A_303 : i32 to vector<16xi32>
            %add3A_305 = arith.addi %add3A_304, %iota3A : vector<16xi32>
            tpu.vector_store_idx %arg10[%broadcast_in_dim3A_283, %broadcast_in_dim3A_284, %add3A_305], %gather3A_302 : memref<2x64x128xf32, #tpu.memory_space<vmem>>[vector<16xi32>, vector<16xi32>, vector<16xi32>], vector<16xf32>,
            %add3A_306 = arith.constant 48 : i32
            %add3A_307 = vector.broadcast %add3A_306 : i32 to vector<16xi32>
            %add3A_308 = arith.addi %iota3A, %add3A_307 : vector<16xi32>
            %gather3A_309 = tpu.vector_load_idx %arg9[%and3A_270, %add3A_308, %add3A_282] : memref<4x64x256xf32, #tpu.memory_space<vmem>>[vector<16xi32>, vector<16xi32>, vector<16xi32>], vector<16xf32>,
            %add3A_310 = arith.constant 48 : i32
            %add3A_311 = vector.broadcast %add3A_310 : i32 to vector<16xi32>
            %add3A_312 = arith.addi %add3A_311, %iota3A : vector<16xi32>
            tpu.vector_store_idx %arg10[%broadcast_in_dim3A_283, %broadcast_in_dim3A_284, %add3A_312], %gather3A_309 : memref<2x64x128xf32, #tpu.memory_space<vmem>>[vector<16xi32>, vector<16xi32>, vector<16xi32>], vector<16xf32>,
            %eq3A_313 = arith.constant 0 : i32
            %eq3A_314 = vector.broadcast %eq3A_313 : i32 to vector<16xi32>
            %eq3A_315 = arith.cmpi eq, %iota3A, %eq3A_314 : vector<16xi32>
            tpu.vector_store_idx %arg11[%broadcast_in_dim3A_283, %broadcast_in_dim3A_284], %and3A_259 masked %eq3A_315 : memref<2x64xi32, #tpu.memory_space<vmem>>[vector<16xi32>, vector<16xi32>], vector<16xi32>, vector<16xi1>
            %add3A_316 = arith.constant 1 : i32
            %add3A_317 = arith.addi %while3A_243, %add3A_316 : i32
            %eq3A_318 = arith.constant 64 : i32
            %eq3A_319 = arith.cmpi eq, %add3A_317, %eq3A_318 : i32
            %convert_element_type3A_320 = arith.extui %eq3A_319 : i1 to i32
            %cond3A_321 = arith.constant 0 : i32
            %cond3A_322 = arith.cmpi ne, %convert_element_type3A_320, %cond3A_321 : i32
            scf.if %cond3A_322 {
              %eq3A_332 = arith.constant 1 : i32
              %eq3A_333 = arith.cmpi eq, %while3A_245, %eq3A_332 : i32
              %convert_element_type3A_334 = arith.extui %eq3A_333 : i1 to i32
              %cond3A_335 = arith.constant 0 : i32
              %cond3A_336 = arith.cmpi ne, %convert_element_type3A_334, %cond3A_335 : i32
              scf.if %cond3A_336 {
                %dma_wait3A = arith.constant 0 : i32
                %dma_wait3A_361 = arith.constant 0 : i32
                %dma_wait3A_362 = arith.constant 0 : i32
                %dma_wait3A_363 = arith.constant 0 : i32
                %dma_wait3A_364 = tpu.memref_slice %arg10[%dma_wait3A, %dma_wait3A_362, %dma_wait3A_363] : memref<2x64x128xf32, #tpu.memory_space<vmem>> -> memref<1x64x128xf32, #tpu.memory_space<vmem>>
                %dma_wait3A_365 = tpu.memref_squeeze %dma_wait3A_364 : memref<1x64x128xf32, #tpu.memory_space<vmem>> -> memref<64x128xf32, #tpu.memory_space<vmem>>
                %dma_wait3A_366 = arith.constant 0 : i32
                %dma_wait3A_367 = tpu.memref_slice %arg11[%dma_wait3A_361, %dma_wait3A_366] : memref<2x64xi32, #tpu.memory_space<vmem>> -> memref<1x64xi32, #tpu.memory_space<vmem>>
                %dma_wait3A_368 = tpu.memref_squeeze %dma_wait3A_367 : memref<1x64xi32, #tpu.memory_space<vmem>> -> memref<64xi32, #tpu.memory_space<vmem>>
                %dma_wait3A_369 = arith.constant 0 : i32
                %dma_wait3A_370 = arith.constant 0 : i32
                %dma_wait3A_371 = tpu.memref_slice %arg4[%dma_wait3A_369, %dma_wait3A_370] : memref<16385x128xf32, #tpu.memory_space<hbm>> -> memref<16385x128xf32, #tpu.memory_space<hbm>>
                tpu.wait_indirect_dma semaphore(%arg13 : memref<!tpu.dma_semaphore, #tpu.memory_space<semaphore_mem>>) src(%dma_wait3A_365 : memref<64x128xf32, #tpu.memory_space<vmem>>) dst(%dma_wait3A_371 : memref<16385x128xf32, #tpu.memory_space<hbm>>)
              } else {
              }
              %dma_start3A = arith.constant 0 : i32
              %dma_start3A_337 = arith.constant 0 : i32
              %dma_start3A_338 = tpu.memref_slice %arg10[%while3A_244, %dma_start3A, %dma_start3A_337] : memref<2x64x128xf32, #tpu.memory_space<vmem>> -> memref<1x64x128xf32, #tpu.memory_space<vmem>>
              %dma_start3A_339 = tpu.memref_squeeze %dma_start3A_338 : memref<1x64x128xf32, #tpu.memory_space<vmem>> -> memref<64x128xf32, #tpu.memory_space<vmem>>
              %dma_start3A_340 = arith.constant 0 : i32
              %dma_start3A_341 = tpu.memref_slice %arg11[%while3A_244, %dma_start3A_340] : memref<2x64xi32, #tpu.memory_space<vmem>> -> memref<1x64xi32, #tpu.memory_space<vmem>>
              %dma_start3A_342 = tpu.memref_squeeze %dma_start3A_341 : memref<1x64xi32, #tpu.memory_space<vmem>> -> memref<64xi32, #tpu.memory_space<vmem>>
              %dma_start3A_343 = arith.constant 0 : i32
              %dma_start3A_344 = arith.constant 0 : i32
              %dma_start3A_345 = tpu.memref_slice %arg4[%dma_start3A_343, %dma_start3A_344] : memref<16385x128xf32, #tpu.memory_space<hbm>> -> memref<16385x128xf32, #tpu.memory_space<hbm>>
              tpu.enqueue_indirect_dma source(%dma_start3A_339 : memref<64x128xf32, #tpu.memory_space<vmem>>) target(%dma_start3A_345 : memref<16385x128xf32, #tpu.memory_space<hbm>>) offsets(%dma_start3A_342 : memref<64xi32, #tpu.memory_space<vmem>>) semaphore(%arg13 : memref<!tpu.dma_semaphore, #tpu.memory_space<semaphore_mem>>)
              %sub3A_346 = arith.constant 1 : i32
              %sub3A_347 = arith.subi %sub3A_346, %while3A_244 : i32
              %broadcast_in_dim3A_348 = vector.broadcast %sub3A_347 : i32 to vector<16xi32>
              %add3A_349 = arith.constant 0 : i32
              %add3A_350 = vector.broadcast %add3A_349 : i32 to vector<16xi32>
              %add3A_351 = arith.addi %add3A_350, %iota3A : vector<16xi32>
              tpu.vector_store_idx %arg11[%broadcast_in_dim3A_348, %add3A_351], %broadcast_in_dim3A_12 : memref<2x64xi32, #tpu.memory_space<vmem>>[vector<16xi32>, vector<16xi32>], vector<16xi32>,
              %add3A_352 = arith.constant 16 : i32
              %add3A_353 = vector.broadcast %add3A_352 : i32 to vector<16xi32>
              %add3A_354 = arith.addi %add3A_353, %iota3A : vector<16xi32>
              tpu.vector_store_idx %arg11[%broadcast_in_dim3A_348, %add3A_354], %broadcast_in_dim3A_12 : memref<2x64xi32, #tpu.memory_space<vmem>>[vector<16xi32>, vector<16xi32>], vector<16xi32>,
              %add3A_355 = arith.constant 32 : i32
              %add3A_356 = vector.broadcast %add3A_355 : i32 to vector<16xi32>
              %add3A_357 = arith.addi %add3A_356, %iota3A : vector<16xi32>
              tpu.vector_store_idx %arg11[%broadcast_in_dim3A_348, %add3A_357], %broadcast_in_dim3A_12 : memref<2x64xi32, #tpu.memory_space<vmem>>[vector<16xi32>, vector<16xi32>], vector<16xi32>,
              %add3A_358 = arith.constant 48 : i32
              %add3A_359 = vector.broadcast %add3A_358 : i32 to vector<16xi32>
              %add3A_360 = arith.addi %add3A_359, %iota3A : vector<16xi32>
              tpu.vector_store_idx %arg11[%broadcast_in_dim3A_348, %add3A_360], %broadcast_in_dim3A_12 : memref<2x64xi32, #tpu.memory_space<vmem>>[vector<16xi32>, vector<16xi32>], vector<16xi32>,
            } else {
            }
            %add3A_323 = arith.constant 1 : i32
            %add3A_324 = arith.addi %while3A_243, %add3A_323 : i32
            %jit3A_325 = arith.constant 0 : i32
            %select_n3A_326 = arith.select %eq3A_319, %jit3A_325, %add3A_324 : i32
            %sub3A_327 = arith.constant 1 : i32
            %sub3A_328 = arith.subi %sub3A_327, %while3A_244 : i32
            %select_n3A_329 = arith.select %eq3A_319, %sub3A_328, %while3A_244 : i32
            %jit3A_330 = arith.constant 1 : i32
            %select_n3A_331 = arith.select %eq3A_319, %jit3A_330, %while3A_245 : i32
            scf.yield %select_n3A_326, %select_n3A_329, %select_n3A_331 : i32, i32, i32
          }
          scf.yield %while3A_241#0, %while3A_241#1, %while3A_241#2 : i32, i32, i32
        }
        %while3A_216 = arith.constant 1 : i32
        %while3A_217:3 = scf.for %while3A_218 = %while3A_213 to %while3A_209 step %while3A_216 iter_args(%while3A_219 = %while3A_215#0, %while3A_220 = %while3A_215#1, %while3A_221 = %while3A_215#2) -> (i32, i32, i32)  : i32 {
          %mul3A_222 = arith.constant 16 : i32
          %mul3A_223 = arith.muli %while3A_218, %mul3A_222 : i32
          %add3A_224 = arith.addi %squeeze3A, %mul3A_223 : i32
          %get3A = arith.index_cast %add3A_224 : i32 to index
          %get3A_225 = tpu.vector_load %arg6[%get3A] {strides = array<i32>} : memref<17376xi32, #tpu.memory_space<vmem>>, vector<16xi32>,
          %mul3A_226 = arith.constant 16 : i32
          %mul3A_227 = arith.muli %while3A_218, %mul3A_226 : i32
          %sub3A_228 = arith.subi %squeeze3A_201, %mul3A_227 : i32
          %min3A_229 = arith.constant 16 : i32
          %min3A_230 = arith.minsi %sub3A_228, %min3A_229 : i32
          %while3A_231 = arith.constant 0 : i32
          %while3A_232 = arith.subi %min3A_230, %while3A_231 : i32
          %while3A_233 = arith.addi %while3A_231, %while3A_232 : i32
          %while3A_234 = arith.constant 1 : i32
          %while3A_235 = arith.divsi %while3A_232, %while3A_234 : i32
          %while3A_236 = arith.muli %while3A_235, %while3A_234 : i32
          %while3A_237 = arith.addi %while3A_231, %while3A_236 : i32
          %while3A_238 = arith.constant 1 : i32
          %while3A_239:3 = scf.for %while3A_242 = %while3A_231 to %while3A_237 step %while3A_238 iter_args(%while3A_243 = %while3A_219, %while3A_244 = %while3A_220, %while3A_245 = %while3A_221) -> (i32, i32, i32)  : i32 {
            %broadcast_in_dim3A_246 = vector.broadcast %while3A_242 : i32 to vector<16xi32>
            %lt3A_247 = arith.constant 0 : i32
            %lt3A_248 = vector.broadcast %lt3A_247 : i32 to vector<16xi32>
            %lt3A_249 = arith.cmpi slt, %broadcast_in_dim3A_246, %lt3A_248 : vector<16xi32>
            %add3A_250 = arith.constant 16 : i32
            %add3A_251 = vector.broadcast %add3A_250 : i32 to vector<16xi32>
            %add3A_252 = arith.addi %broadcast_in_dim3A_246, %add3A_251 : vector<16xi32>
            %select_n3A_253 = arith.select %lt3A_249, %add3A_252, %broadcast_in_dim3A_246 : vector<16xi1>, vector<16xi32>
            %broadcast_in_dim3A_254 = vector.shape_cast %select_n3A_253 : vector<16xi32> to vector<16x1xi32>
            %gather3A_255 = vector.shape_cast %broadcast_in_dim3A_254 : vector<16x1xi32> to vector<16xi32>
            %gather3A_256 = tpu.dynamic_gather %get3A_225[%gather3A_255] in [0] : vector<16xi32>, vector<16xi32> -> vector<16xi32>
            %and3A_257 = arith.constant 16383 : i32
            %and3A_258 = vector.broadcast %and3A_257 : i32 to vector<16xi32>
            %and3A_259 = arith.andi %gather3A_256, %and3A_258 : vector<16xi32>
            %shift_right_arithmetic3A_260 = arith.constant 14 : i32
            %shift_right_arithmetic3A_261 = vector.broadcast %shift_right_arithmetic3A_260 : i32 to vector<16xi32>
            %shift_right_arithmetic3A_262 = arith.shrsi %gather3A_256, %shift_right_arithmetic3A_261 : vector<16xi32>
            %add3A_263 = vector.broadcast %mul3A_7 : i32 to vector<16xi32>
            %add3A_264 = arith.addi %add3A_263, %shift_right_arithmetic3A_262 : vector<16xi32>
            %shift_right_arithmetic3A_265 = arith.constant 8 : i32
            %shift_right_arithmetic3A_266 = vector.broadcast %shift_right_arithmetic3A_265 : i32 to vector<16xi32>
            %shift_right_arithmetic3A_267 = arith.shrsi %add3A_264, %shift_right_arithmetic3A_266 : vector<16xi32>
            %and3A_268 = arith.constant 3 : i32
            %and3A_269 = vector.broadcast %and3A_268 : i32 to vector<16xi32>
            %and3A_270 = arith.andi %shift_right_arithmetic3A_267, %and3A_269 : vector<16xi32>
            %and3A_271 = arith.constant 255 : i32
            %and3A_272 = vector.broadcast %and3A_271 : i32 to vector<16xi32>
            %and3A_273 = arith.andi %add3A_264, %and3A_272 : vector<16xi32>
            %eq3A_274 = arith.constant 3906 : i32
            %eq3A_275 = vector.broadcast %eq3A_274 : i32 to vector<16xi32>
            %eq3A_276 = arith.cmpi eq, %shift_right_arithmetic3A_267, %eq3A_275 : vector<16xi32>
            %jit3A_277 = arith.constant 128 : i32
            %jit3A_278 = arith.constant 0 : i32
            %broadcast_in_dim3A_279 = vector.broadcast %jit3A_277 : i32 to vector<16xi32>
            %broadcast_in_dim3A_280 = vector.broadcast %jit3A_278 : i32 to vector<16xi32>
            %select_n3A_281 = arith.select %eq3A_276, %broadcast_in_dim3A_279, %broadcast_in_dim3A_280 : vector<16xi1>, vector<16xi32>
            %add3A_282 = arith.addi %and3A_273, %select_n3A_281 : vector<16xi32>
            %broadcast_in_dim3A_283 = vector.broadcast %while3A_244 : i32 to vector<16xi32>
            %broadcast_in_dim3A_284 = vector.broadcast %while3A_243 : i32 to vector<16xi32>
            %add3A_285 = arith.constant 0 : i32
            %add3A_286 = vector.broadcast %add3A_285 : i32 to vector<16xi32>
            %add3A_287 = arith.addi %iota3A, %add3A_286 : vector<16xi32>
            %gather3A_288 = tpu.vector_load_idx %arg9[%and3A_270, %add3A_287, %add3A_282] : memref<4x64x256xf32, #tpu.memory_space<vmem>>[vector<16xi32>, vector<16xi32>, vector<16xi32>], vector<16xf32>,
            %add3A_289 = arith.constant 0 : i32
            %add3A_290 = vector.broadcast %add3A_289 : i32 to vector<16xi32>
            %add3A_291 = arith.addi %add3A_290, %iota3A : vector<16xi32>
            tpu.vector_store_idx %arg10[%broadcast_in_dim3A_283, %broadcast_in_dim3A_284, %add3A_291], %gather3A_288 : memref<2x64x128xf32, #tpu.memory_space<vmem>>[vector<16xi32>, vector<16xi32>, vector<16xi32>], vector<16xf32>,
            %add3A_292 = arith.constant 16 : i32
            %add3A_293 = vector.broadcast %add3A_292 : i32 to vector<16xi32>
            %add3A_294 = arith.addi %iota3A, %add3A_293 : vector<16xi32>
            %gather3A_295 = tpu.vector_load_idx %arg9[%and3A_270, %add3A_294, %add3A_282] : memref<4x64x256xf32, #tpu.memory_space<vmem>>[vector<16xi32>, vector<16xi32>, vector<16xi32>], vector<16xf32>,
            %add3A_296 = arith.constant 16 : i32
            %add3A_297 = vector.broadcast %add3A_296 : i32 to vector<16xi32>
            %add3A_298 = arith.addi %add3A_297, %iota3A : vector<16xi32>
            tpu.vector_store_idx %arg10[%broadcast_in_dim3A_283, %broadcast_in_dim3A_284, %add3A_298], %gather3A_295 : memref<2x64x128xf32, #tpu.memory_space<vmem>>[vector<16xi32>, vector<16xi32>, vector<16xi32>], vector<16xf32>,
            %add3A_299 = arith.constant 32 : i32
            %add3A_300 = vector.broadcast %add3A_299 : i32 to vector<16xi32>
            %add3A_301 = arith.addi %iota3A, %add3A_300 : vector<16xi32>
            %gather3A_302 = tpu.vector_load_idx %arg9[%and3A_270, %add3A_301, %add3A_282] : memref<4x64x256xf32, #tpu.memory_space<vmem>>[vector<16xi32>, vector<16xi32>, vector<16xi32>], vector<16xf32>,
            %add3A_303 = arith.constant 32 : i32
            %add3A_304 = vector.broadcast %add3A_303 : i32 to vector<16xi32>
            %add3A_305 = arith.addi %add3A_304, %iota3A : vector<16xi32>
            tpu.vector_store_idx %arg10[%broadcast_in_dim3A_283, %broadcast_in_dim3A_284, %add3A_305], %gather3A_302 : memref<2x64x128xf32, #tpu.memory_space<vmem>>[vector<16xi32>, vector<16xi32>, vector<16xi32>], vector<16xf32>,
            %add3A_306 = arith.constant 48 : i32
            %add3A_307 = vector.broadcast %add3A_306 : i32 to vector<16xi32>
            %add3A_308 = arith.addi %iota3A, %add3A_307 : vector<16xi32>
            %gather3A_309 = tpu.vector_load_idx %arg9[%and3A_270, %add3A_308, %add3A_282] : memref<4x64x256xf32, #tpu.memory_space<vmem>>[vector<16xi32>, vector<16xi32>, vector<16xi32>], vector<16xf32>,
            %add3A_310 = arith.constant 48 : i32
            %add3A_311 = vector.broadcast %add3A_310 : i32 to vector<16xi32>
            %add3A_312 = arith.addi %add3A_311, %iota3A : vector<16xi32>
            tpu.vector_store_idx %arg10[%broadcast_in_dim3A_283, %broadcast_in_dim3A_284, %add3A_312], %gather3A_309 : memref<2x64x128xf32, #tpu.memory_space<vmem>>[vector<16xi32>, vector<16xi32>, vector<16xi32>], vector<16xf32>,
            %eq3A_313 = arith.constant 0 : i32
            %eq3A_314 = vector.broadcast %eq3A_313 : i32 to vector<16xi32>
            %eq3A_315 = arith.cmpi eq, %iota3A, %eq3A_314 : vector<16xi32>
            tpu.vector_store_idx %arg11[%broadcast_in_dim3A_283, %broadcast_in_dim3A_284], %and3A_259 masked %eq3A_315 : memref<2x64xi32, #tpu.memory_space<vmem>>[vector<16xi32>, vector<16xi32>], vector<16xi32>, vector<16xi1>
            %add3A_316 = arith.constant 1 : i32
            %add3A_317 = arith.addi %while3A_243, %add3A_316 : i32
            %eq3A_318 = arith.constant 64 : i32
            %eq3A_319 = arith.cmpi eq, %add3A_317, %eq3A_318 : i32
            %convert_element_type3A_320 = arith.extui %eq3A_319 : i1 to i32
            %cond3A_321 = arith.constant 0 : i32
            %cond3A_322 = arith.cmpi ne, %convert_element_type3A_320, %cond3A_321 : i32
            scf.if %cond3A_322 {
              %eq3A_332 = arith.constant 1 : i32
              %eq3A_333 = arith.cmpi eq, %while3A_245, %eq3A_332 : i32
              %convert_element_type3A_334 = arith.extui %eq3A_333 : i1 to i32
              %cond3A_335 = arith.constant 0 : i32
              %cond3A_336 = arith.cmpi ne, %convert_element_type3A_334, %cond3A_335 : i32
              scf.if %cond3A_336 {
                %dma_wait3A = arith.constant 0 : i32
                %dma_wait3A_361 = arith.constant 0 : i32
                %dma_wait3A_362 = arith.constant 0 : i32
                %dma_wait3A_363 = arith.constant 0 : i32
                %dma_wait3A_364 = tpu.memref_slice %arg10[%dma_wait3A, %dma_wait3A_362, %dma_wait3A_363] : memref<2x64x128xf32, #tpu.memory_space<vmem>> -> memref<1x64x128xf32, #tpu.memory_space<vmem>>
                %dma_wait3A_365 = tpu.memref_squeeze %dma_wait3A_364 : memref<1x64x128xf32, #tpu.memory_space<vmem>> -> memref<64x128xf32, #tpu.memory_space<vmem>>
                %dma_wait3A_366 = arith.constant 0 : i32
                %dma_wait3A_367 = tpu.memref_slice %arg11[%dma_wait3A_361, %dma_wait3A_366] : memref<2x64xi32, #tpu.memory_space<vmem>> -> memref<1x64xi32, #tpu.memory_space<vmem>>
                %dma_wait3A_368 = tpu.memref_squeeze %dma_wait3A_367 : memref<1x64xi32, #tpu.memory_space<vmem>> -> memref<64xi32, #tpu.memory_space<vmem>>
                %dma_wait3A_369 = arith.constant 0 : i32
                %dma_wait3A_370 = arith.constant 0 : i32
                %dma_wait3A_371 = tpu.memref_slice %arg4[%dma_wait3A_369, %dma_wait3A_370] : memref<16385x128xf32, #tpu.memory_space<hbm>> -> memref<16385x128xf32, #tpu.memory_space<hbm>>
                tpu.wait_indirect_dma semaphore(%arg13 : memref<!tpu.dma_semaphore, #tpu.memory_space<semaphore_mem>>) src(%dma_wait3A_365 : memref<64x128xf32, #tpu.memory_space<vmem>>) dst(%dma_wait3A_371 : memref<16385x128xf32, #tpu.memory_space<hbm>>)
              } else {
              }
              %dma_start3A = arith.constant 0 : i32
              %dma_start3A_337 = arith.constant 0 : i32
              %dma_start3A_338 = tpu.memref_slice %arg10[%while3A_244, %dma_start3A, %dma_start3A_337] : memref<2x64x128xf32, #tpu.memory_space<vmem>> -> memref<1x64x128xf32, #tpu.memory_space<vmem>>
              %dma_start3A_339 = tpu.memref_squeeze %dma_start3A_338 : memref<1x64x128xf32, #tpu.memory_space<vmem>> -> memref<64x128xf32, #tpu.memory_space<vmem>>
              %dma_start3A_340 = arith.constant 0 : i32
              %dma_start3A_341 = tpu.memref_slice %arg11[%while3A_244, %dma_start3A_340] : memref<2x64xi32, #tpu.memory_space<vmem>> -> memref<1x64xi32, #tpu.memory_space<vmem>>
              %dma_start3A_342 = tpu.memref_squeeze %dma_start3A_341 : memref<1x64xi32, #tpu.memory_space<vmem>> -> memref<64xi32, #tpu.memory_space<vmem>>
              %dma_start3A_343 = arith.constant 0 : i32
              %dma_start3A_344 = arith.constant 0 : i32
              %dma_start3A_345 = tpu.memref_slice %arg4[%dma_start3A_343, %dma_start3A_344] : memref<16385x128xf32, #tpu.memory_space<hbm>> -> memref<16385x128xf32, #tpu.memory_space<hbm>>
              tpu.enqueue_indirect_dma source(%dma_start3A_339 : memref<64x128xf32, #tpu.memory_space<vmem>>) target(%dma_start3A_345 : memref<16385x128xf32, #tpu.memory_space<hbm>>) offsets(%dma_start3A_342 : memref<64xi32, #tpu.memory_space<vmem>>) semaphore(%arg13 : memref<!tpu.dma_semaphore, #tpu.memory_space<semaphore_mem>>)
              %sub3A_346 = arith.constant 1 : i32
              %sub3A_347 = arith.subi %sub3A_346, %while3A_244 : i32
              %broadcast_in_dim3A_348 = vector.broadcast %sub3A_347 : i32 to vector<16xi32>
              %add3A_349 = arith.constant 0 : i32
              %add3A_350 = vector.broadcast %add3A_349 : i32 to vector<16xi32>
              %add3A_351 = arith.addi %add3A_350, %iota3A : vector<16xi32>
              tpu.vector_store_idx %arg11[%broadcast_in_dim3A_348, %add3A_351], %broadcast_in_dim3A_12 : memref<2x64xi32, #tpu.memory_space<vmem>>[vector<16xi32>, vector<16xi32>], vector<16xi32>,
              %add3A_352 = arith.constant 16 : i32
              %add3A_353 = vector.broadcast %add3A_352 : i32 to vector<16xi32>
              %add3A_354 = arith.addi %add3A_353, %iota3A : vector<16xi32>
              tpu.vector_store_idx %arg11[%broadcast_in_dim3A_348, %add3A_354], %broadcast_in_dim3A_12 : memref<2x64xi32, #tpu.memory_space<vmem>>[vector<16xi32>, vector<16xi32>], vector<16xi32>,
              %add3A_355 = arith.constant 32 : i32
              %add3A_356 = vector.broadcast %add3A_355 : i32 to vector<16xi32>
              %add3A_357 = arith.addi %add3A_356, %iota3A : vector<16xi32>
              tpu.vector_store_idx %arg11[%broadcast_in_dim3A_348, %add3A_357], %broadcast_in_dim3A_12 : memref<2x64xi32, #tpu.memory_space<vmem>>[vector<16xi32>, vector<16xi32>], vector<16xi32>,
              %add3A_358 = arith.constant 48 : i32
              %add3A_359 = vector.broadcast %add3A_358 : i32 to vector<16xi32>
              %add3A_360 = arith.addi %add3A_359, %iota3A : vector<16xi32>
              tpu.vector_store_idx %arg11[%broadcast_in_dim3A_348, %add3A_360], %broadcast_in_dim3A_12 : memref<2x64xi32, #tpu.memory_space<vmem>>[vector<16xi32>, vector<16xi32>], vector<16xi32>,
            } else {
            }
            %add3A_323 = arith.constant 1 : i32
            %add3A_324 = arith.addi %while3A_243, %add3A_323 : i32
            %jit3A_325 = arith.constant 0 : i32
            %select_n3A_326 = arith.select %eq3A_319, %jit3A_325, %add3A_324 : i32
            %sub3A_327 = arith.constant 1 : i32
            %sub3A_328 = arith.subi %sub3A_327, %while3A_244 : i32
            %select_n3A_329 = arith.select %eq3A_319, %sub3A_328, %while3A_244 : i32
            %jit3A_330 = arith.constant 1 : i32
            %select_n3A_331 = arith.select %eq3A_319, %jit3A_330, %while3A_245 : i32
            scf.yield %select_n3A_326, %select_n3A_329, %select_n3A_331 : i32, i32, i32
          }
          %while3A_240 = arith.constant 1 : i32
          %while3A_241:3 = scf.for %while3A_242 = %while3A_237 to %while3A_233 step %while3A_240 iter_args(%while3A_243 = %while3A_239#0, %while3A_244 = %while3A_239#1, %while3A_245 = %while3A_239#2) -> (i32, i32, i32)  : i32 {
            %broadcast_in_dim3A_246 = vector.broadcast %while3A_242 : i32 to vector<16xi32>
            %lt3A_247 = arith.constant 0 : i32
            %lt3A_248 = vector.broadcast %lt3A_247 : i32 to vector<16xi32>
            %lt3A_249 = arith.cmpi slt, %broadcast_in_dim3A_246, %lt3A_248 : vector<16xi32>
            %add3A_250 = arith.constant 16 : i32
            %add3A_251 = vector.broadcast %add3A_250 : i32 to vector<16xi32>
            %add3A_252 = arith.addi %broadcast_in_dim3A_246, %add3A_251 : vector<16xi32>
            %select_n3A_253 = arith.select %lt3A_249, %add3A_252, %broadcast_in_dim3A_246 : vector<16xi1>, vector<16xi32>
            %broadcast_in_dim3A_254 = vector.shape_cast %select_n3A_253 : vector<16xi32> to vector<16x1xi32>
            %gather3A_255 = vector.shape_cast %broadcast_in_dim3A_254 : vector<16x1xi32> to vector<16xi32>
            %gather3A_256 = tpu.dynamic_gather %get3A_225[%gather3A_255] in [0] : vector<16xi32>, vector<16xi32> -> vector<16xi32>
            %and3A_257 = arith.constant 16383 : i32
            %and3A_258 = vector.broadcast %and3A_257 : i32 to vector<16xi32>
            %and3A_259 = arith.andi %gather3A_256, %and3A_258 : vector<16xi32>
            %shift_right_arithmetic3A_260 = arith.constant 14 : i32
            %shift_right_arithmetic3A_261 = vector.broadcast %shift_right_arithmetic3A_260 : i32 to vector<16xi32>
            %shift_right_arithmetic3A_262 = arith.shrsi %gather3A_256, %shift_right_arithmetic3A_261 : vector<16xi32>
            %add3A_263 = vector.broadcast %mul3A_7 : i32 to vector<16xi32>
            %add3A_264 = arith.addi %add3A_263, %shift_right_arithmetic3A_262 : vector<16xi32>
            %shift_right_arithmetic3A_265 = arith.constant 8 : i32
            %shift_right_arithmetic3A_266 = vector.broadcast %shift_right_arithmetic3A_265 : i32 to vector<16xi32>
            %shift_right_arithmetic3A_267 = arith.shrsi %add3A_264, %shift_right_arithmetic3A_266 : vector<16xi32>
            %and3A_268 = arith.constant 3 : i32
            %and3A_269 = vector.broadcast %and3A_268 : i32 to vector<16xi32>
            %and3A_270 = arith.andi %shift_right_arithmetic3A_267, %and3A_269 : vector<16xi32>
            %and3A_271 = arith.constant 255 : i32
            %and3A_272 = vector.broadcast %and3A_271 : i32 to vector<16xi32>
            %and3A_273 = arith.andi %add3A_264, %and3A_272 : vector<16xi32>
            %eq3A_274 = arith.constant 3906 : i32
            %eq3A_275 = vector.broadcast %eq3A_274 : i32 to vector<16xi32>
            %eq3A_276 = arith.cmpi eq, %shift_right_arithmetic3A_267, %eq3A_275 : vector<16xi32>
            %jit3A_277 = arith.constant 128 : i32
            %jit3A_278 = arith.constant 0 : i32
            %broadcast_in_dim3A_279 = vector.broadcast %jit3A_277 : i32 to vector<16xi32>
            %broadcast_in_dim3A_280 = vector.broadcast %jit3A_278 : i32 to vector<16xi32>
            %select_n3A_281 = arith.select %eq3A_276, %broadcast_in_dim3A_279, %broadcast_in_dim3A_280 : vector<16xi1>, vector<16xi32>
            %add3A_282 = arith.addi %and3A_273, %select_n3A_281 : vector<16xi32>
            %broadcast_in_dim3A_283 = vector.broadcast %while3A_244 : i32 to vector<16xi32>
            %broadcast_in_dim3A_284 = vector.broadcast %while3A_243 : i32 to vector<16xi32>
            %add3A_285 = arith.constant 0 : i32
            %add3A_286 = vector.broadcast %add3A_285 : i32 to vector<16xi32>
            %add3A_287 = arith.addi %iota3A, %add3A_286 : vector<16xi32>
            %gather3A_288 = tpu.vector_load_idx %arg9[%and3A_270, %add3A_287, %add3A_282] : memref<4x64x256xf32, #tpu.memory_space<vmem>>[vector<16xi32>, vector<16xi32>, vector<16xi32>], vector<16xf32>,
            %add3A_289 = arith.constant 0 : i32
            %add3A_290 = vector.broadcast %add3A_289 : i32 to vector<16xi32>
            %add3A_291 = arith.addi %add3A_290, %iota3A : vector<16xi32>
            tpu.vector_store_idx %arg10[%broadcast_in_dim3A_283, %broadcast_in_dim3A_284, %add3A_291], %gather3A_288 : memref<2x64x128xf32, #tpu.memory_space<vmem>>[vector<16xi32>, vector<16xi32>, vector<16xi32>], vector<16xf32>,
            %add3A_292 = arith.constant 16 : i32
            %add3A_293 = vector.broadcast %add3A_292 : i32 to vector<16xi32>
            %add3A_294 = arith.addi %iota3A, %add3A_293 : vector<16xi32>
            %gather3A_295 = tpu.vector_load_idx %arg9[%and3A_270, %add3A_294, %add3A_282] : memref<4x64x256xf32, #tpu.memory_space<vmem>>[vector<16xi32>, vector<16xi32>, vector<16xi32>], vector<16xf32>,
            %add3A_296 = arith.constant 16 : i32
            %add3A_297 = vector.broadcast %add3A_296 : i32 to vector<16xi32>
            %add3A_298 = arith.addi %add3A_297, %iota3A : vector<16xi32>
            tpu.vector_store_idx %arg10[%broadcast_in_dim3A_283, %broadcast_in_dim3A_284, %add3A_298], %gather3A_295 : memref<2x64x128xf32, #tpu.memory_space<vmem>>[vector<16xi32>, vector<16xi32>, vector<16xi32>], vector<16xf32>,
            %add3A_299 = arith.constant 32 : i32
            %add3A_300 = vector.broadcast %add3A_299 : i32 to vector<16xi32>
            %add3A_301 = arith.addi %iota3A, %add3A_300 : vector<16xi32>
            %gather3A_302 = tpu.vector_load_idx %arg9[%and3A_270, %add3A_301, %add3A_282] : memref<4x64x256xf32, #tpu.memory_space<vmem>>[vector<16xi32>, vector<16xi32>, vector<16xi32>], vector<16xf32>,
            %add3A_303 = arith.constant 32 : i32
            %add3A_304 = vector.broadcast %add3A_303 : i32 to vector<16xi32>
            %add3A_305 = arith.addi %add3A_304, %iota3A : vector<16xi32>
            tpu.vector_store_idx %arg10[%broadcast_in_dim3A_283, %broadcast_in_dim3A_284, %add3A_305], %gather3A_302 : memref<2x64x128xf32, #tpu.memory_space<vmem>>[vector<16xi32>, vector<16xi32>, vector<16xi32>], vector<16xf32>,
            %add3A_306 = arith.constant 48 : i32
            %add3A_307 = vector.broadcast %add3A_306 : i32 to vector<16xi32>
            %add3A_308 = arith.addi %iota3A, %add3A_307 : vector<16xi32>
            %gather3A_309 = tpu.vector_load_idx %arg9[%and3A_270, %add3A_308, %add3A_282] : memref<4x64x256xf32, #tpu.memory_space<vmem>>[vector<16xi32>, vector<16xi32>, vector<16xi32>], vector<16xf32>,
            %add3A_310 = arith.constant 48 : i32
            %add3A_311 = vector.broadcast %add3A_310 : i32 to vector<16xi32>
            %add3A_312 = arith.addi %add3A_311, %iota3A : vector<16xi32>
            tpu.vector_store_idx %arg10[%broadcast_in_dim3A_283, %broadcast_in_dim3A_284, %add3A_312], %gather3A_309 : memref<2x64x128xf32, #tpu.memory_space<vmem>>[vector<16xi32>, vector<16xi32>, vector<16xi32>], vector<16xf32>,
            %eq3A_313 = arith.constant 0 : i32
            %eq3A_314 = vector.broadcast %eq3A_313 : i32 to vector<16xi32>
            %eq3A_315 = arith.cmpi eq, %iota3A, %eq3A_314 : vector<16xi32>
            tpu.vector_store_idx %arg11[%broadcast_in_dim3A_283, %broadcast_in_dim3A_284], %and3A_259 masked %eq3A_315 : memref<2x64xi32, #tpu.memory_space<vmem>>[vector<16xi32>, vector<16xi32>], vector<16xi32>, vector<16xi1>
            %add3A_316 = arith.constant 1 : i32
            %add3A_317 = arith.addi %while3A_243, %add3A_316 : i32
            %eq3A_318 = arith.constant 64 : i32
            %eq3A_319 = arith.cmpi eq, %add3A_317, %eq3A_318 : i32
            %convert_element_type3A_320 = arith.extui %eq3A_319 : i1 to i32
            %cond3A_321 = arith.constant 0 : i32
            %cond3A_322 = arith.cmpi ne, %convert_element_type3A_320, %cond3A_321 : i32
            scf.if %cond3A_322 {
              %eq3A_332 = arith.constant 1 : i32
              %eq3A_333 = arith.cmpi eq, %while3A_245, %eq3A_332 : i32
              %convert_element_type3A_334 = arith.extui %eq3A_333 : i1 to i32
              %cond3A_335 = arith.constant 0 : i32
              %cond3A_336 = arith.cmpi ne, %convert_element_type3A_334, %cond3A_335 : i32
              scf.if %cond3A_336 {
                %dma_wait3A = arith.constant 0 : i32
                %dma_wait3A_361 = arith.constant 0 : i32
                %dma_wait3A_362 = arith.constant 0 : i32
                %dma_wait3A_363 = arith.constant 0 : i32
                %dma_wait3A_364 = tpu.memref_slice %arg10[%dma_wait3A, %dma_wait3A_362, %dma_wait3A_363] : memref<2x64x128xf32, #tpu.memory_space<vmem>> -> memref<1x64x128xf32, #tpu.memory_space<vmem>>
                %dma_wait3A_365 = tpu.memref_squeeze %dma_wait3A_364 : memref<1x64x128xf32, #tpu.memory_space<vmem>> -> memref<64x128xf32, #tpu.memory_space<vmem>>
                %dma_wait3A_366 = arith.constant 0 : i32
                %dma_wait3A_367 = tpu.memref_slice %arg11[%dma_wait3A_361, %dma_wait3A_366] : memref<2x64xi32, #tpu.memory_space<vmem>> -> memref<1x64xi32, #tpu.memory_space<vmem>>
                %dma_wait3A_368 = tpu.memref_squeeze %dma_wait3A_367 : memref<1x64xi32, #tpu.memory_space<vmem>> -> memref<64xi32, #tpu.memory_space<vmem>>
                %dma_wait3A_369 = arith.constant 0 : i32
                %dma_wait3A_370 = arith.constant 0 : i32
                %dma_wait3A_371 = tpu.memref_slice %arg4[%dma_wait3A_369, %dma_wait3A_370] : memref<16385x128xf32, #tpu.memory_space<hbm>> -> memref<16385x128xf32, #tpu.memory_space<hbm>>
                tpu.wait_indirect_dma semaphore(%arg13 : memref<!tpu.dma_semaphore, #tpu.memory_space<semaphore_mem>>) src(%dma_wait3A_365 : memref<64x128xf32, #tpu.memory_space<vmem>>) dst(%dma_wait3A_371 : memref<16385x128xf32, #tpu.memory_space<hbm>>)
              } else {
              }
              %dma_start3A = arith.constant 0 : i32
              %dma_start3A_337 = arith.constant 0 : i32
              %dma_start3A_338 = tpu.memref_slice %arg10[%while3A_244, %dma_start3A, %dma_start3A_337] : memref<2x64x128xf32, #tpu.memory_space<vmem>> -> memref<1x64x128xf32, #tpu.memory_space<vmem>>
              %dma_start3A_339 = tpu.memref_squeeze %dma_start3A_338 : memref<1x64x128xf32, #tpu.memory_space<vmem>> -> memref<64x128xf32, #tpu.memory_space<vmem>>
              %dma_start3A_340 = arith.constant 0 : i32
              %dma_start3A_341 = tpu.memref_slice %arg11[%while3A_244, %dma_start3A_340] : memref<2x64xi32, #tpu.memory_space<vmem>> -> memref<1x64xi32, #tpu.memory_space<vmem>>
              %dma_start3A_342 = tpu.memref_squeeze %dma_start3A_341 : memref<1x64xi32, #tpu.memory_space<vmem>> -> memref<64xi32, #tpu.memory_space<vmem>>
              %dma_start3A_343 = arith.constant 0 : i32
              %dma_start3A_344 = arith.constant 0 : i32
              %dma_start3A_345 = tpu.memref_slice %arg4[%dma_start3A_343, %dma_start3A_344] : memref<16385x128xf32, #tpu.memory_space<hbm>> -> memref<16385x128xf32, #tpu.memory_space<hbm>>
              tpu.enqueue_indirect_dma source(%dma_start3A_339 : memref<64x128xf32, #tpu.memory_space<vmem>>) target(%dma_start3A_345 : memref<16385x128xf32, #tpu.memory_space<hbm>>) offsets(%dma_start3A_342 : memref<64xi32, #tpu.memory_space<vmem>>) semaphore(%arg13 : memref<!tpu.dma_semaphore, #tpu.memory_space<semaphore_mem>>)
              %sub3A_346 = arith.constant 1 : i32
              %sub3A_347 = arith.subi %sub3A_346, %while3A_244 : i32
              %broadcast_in_dim3A_348 = vector.broadcast %sub3A_347 : i32 to vector<16xi32>
              %add3A_349 = arith.constant 0 : i32
              %add3A_350 = vector.broadcast %add3A_349 : i32 to vector<16xi32>
              %add3A_351 = arith.addi %add3A_350, %iota3A : vector<16xi32>
              tpu.vector_store_idx %arg11[%broadcast_in_dim3A_348, %add3A_351], %broadcast_in_dim3A_12 : memref<2x64xi32, #tpu.memory_space<vmem>>[vector<16xi32>, vector<16xi32>], vector<16xi32>,
              %add3A_352 = arith.constant 16 : i32
              %add3A_353 = vector.broadcast %add3A_352 : i32 to vector<16xi32>
              %add3A_354 = arith.addi %add3A_353, %iota3A : vector<16xi32>
              tpu.vector_store_idx %arg11[%broadcast_in_dim3A_348, %add3A_354], %broadcast_in_dim3A_12 : memref<2x64xi32, #tpu.memory_space<vmem>>[vector<16xi32>, vector<16xi32>], vector<16xi32>,
              %add3A_355 = arith.constant 32 : i32
              %add3A_356 = vector.broadcast %add3A_355 : i32 to vector<16xi32>
              %add3A_357 = arith.addi %add3A_356, %iota3A : vector<16xi32>
              tpu.vector_store_idx %arg11[%broadcast_in_dim3A_348, %add3A_357], %broadcast_in_dim3A_12 : memref<2x64xi32, #tpu.memory_space<vmem>>[vector<16xi32>, vector<16xi32>], vector<16xi32>,
              %add3A_358 = arith.constant 48 : i32
              %add3A_359 = vector.broadcast %add3A_358 : i32 to vector<16xi32>
              %add3A_360 = arith.addi %add3A_359, %iota3A : vector<16xi32>
              tpu.vector_store_idx %arg11[%broadcast_in_dim3A_348, %add3A_360], %broadcast_in_dim3A_12 : memref<2x64xi32, #tpu.memory_space<vmem>>[vector<16xi32>, vector<16xi32>], vector<16xi32>,
            } else {
            }
            %add3A_323 = arith.constant 1 : i32
            %add3A_324 = arith.addi %while3A_243, %add3A_323 : i32
            %jit3A_325 = arith.constant 0 : i32
            %select_n3A_326 = arith.select %eq3A_319, %jit3A_325, %add3A_324 : i32
            %sub3A_327 = arith.constant 1 : i32
            %sub3A_328 = arith.subi %sub3A_327, %while3A_244 : i32
            %select_n3A_329 = arith.select %eq3A_319, %sub3A_328, %while3A_244 : i32
            %jit3A_330 = arith.constant 1 : i32
            %select_n3A_331 = arith.select %eq3A_319, %jit3A_330, %while3A_245 : i32
            scf.yield %select_n3A_326, %select_n3A_329, %select_n3A_331 : i32, i32, i32
          }
          scf.yield %while3A_241#0, %while3A_241#1, %while3A_241#2 : i32, i32, i32
        }
        scf.yield %while3A_217#0, %while3A_217#1, %while3A_217#2 : i32, i32, i32
      } else {
        scf.yield %scan3A_113, %scan3A_114, %scan3A_115 : i32, i32, i32
      }
      %mul3A_156 = arith.constant 2 : i32
      %mul3A_157 = arith.muli %scan3A_112, %mul3A_156 : i32
      %add3A_158 = arith.constant 1 : i32
      %add3A_159 = arith.addi %mul3A_157, %add3A_158 : i32
      %mul3A_160 = arith.constant 2 : i32
      %mul3A_161 = arith.muli %add3A_159, %mul3A_160 : i32
      %add3A_162 = arith.addi %mul3A_2, %mul3A_161 : i32
      %add3A_163 = arith.constant 2 : i32
      %add3A_164 = arith.addi %add3A_162, %add3A_163 : i32
      %add3A_165 = arith.constant 0 : i32
      %add3A_166 = arith.addi %add3A_164, %add3A_165 : i32
      %lt3A_167 = arith.cmpi slt, %add3A_166, %min3A_5 : i32
      %convert_element_type3A_168 = arith.extui %lt3A_167 : i1 to i32
      %cond3A_169 = arith.constant 0 : i32
      %cond3A_170 = arith.cmpi ne, %convert_element_type3A_168, %cond3A_169 : i32
      scf.if %cond3A_170 {
        %add3A_196 = arith.constant 2 : i32
        %add3A_197 = arith.addi %add3A_162, %add3A_196 : i32
        %add3A_198 = arith.constant 0 : i32
        %add3A_199 = arith.addi %add3A_197, %add3A_198 : i32
        %mul3A_200 = arith.constant 256 : i32
        %mul3A_201 = arith.muli %add3A_199, %mul3A_200 : i32
        %min3A_202 = arith.constant 999808 : i32
        %min3A_203 = arith.minsi %mul3A_201, %min3A_202 : i32
        %multiple_of3A = tpu.assume_multiple %min3A_203, 128 : i32
        %dma_start3A = arith.constant 0 : i32
        %dma_start3A_204 = arith.constant 0 : i32
        %dma_start3A_205 = arith.constant 0 : i32
        %dma_start3A_206 = tpu.memref_slice %arg9[%dma_start3A, %dma_start3A_204, %dma_start3A_205] : memref<4x64x256xf32, #tpu.memory_space<vmem>> -> memref<1x64x256xf32, #tpu.memory_space<vmem>>
        %dma_start3A_207 = tpu.memref_squeeze %dma_start3A_206 : memref<1x64x256xf32, #tpu.memory_space<vmem>> -> memref<64x256xf32, #tpu.memory_space<vmem>>
        %dma_start3A_208 = arith.constant 0 : i32
        %dma_start3A_209 = tpu.memref_slice %arg2[%dma_start3A_208, %multiple_of3A] : memref<64x1000000xf32, #tpu.memory_space<hbm>> -> memref<64x256xf32, #tpu.memory_space<hbm>>
        %dma_start3A_210 = arith.constant 0 : i32
        %dma_start3A_211 = arith.constant 0 : i32
        %dma_start3A_212 = tpu.memref_slice %arg9[%dma_start3A, %dma_start3A_210, %dma_start3A_211] : memref<4x64x256xf32, #tpu.memory_space<vmem>> -> memref<1x64x256xf32, #tpu.memory_space<vmem>>
        %dma_start3A_213 = tpu.memref_squeeze %dma_start3A_212 : memref<1x64x256xf32, #tpu.memory_space<vmem>> -> memref<64x256xf32, #tpu.memory_space<vmem>>
        %dma_start3A_214 = arith.constant 0 : i32
        %dma_start3A_215 = tpu.memref_slice %arg2[%dma_start3A_214, %multiple_of3A] : memref<64x1000000xf32, #tpu.memory_space<hbm>> -> memref<64x256xf32, #tpu.memory_space<hbm>>
        tpu.enqueue_dma source(%dma_start3A_215 : memref<64x256xf32, #tpu.memory_space<hbm>>) target(%dma_start3A_213 : memref<64x256xf32, #tpu.memory_space<vmem>>) target_semaphore(%arg12 : memref<!tpu.dma_semaphore, #tpu.memory_space<semaphore_mem>>)
      } else {
      }
      %add3A_171 = arith.constant 2 : i32
      %add3A_172 = arith.addi %add3A_162, %add3A_171 : i32
      %add3A_173 = arith.constant 1 : i32
      %add3A_174 = arith.addi %add3A_172, %add3A_173 : i32
      %lt3A_175 = arith.cmpi slt, %add3A_174, %min3A_5 : i32
      %convert_element_type3A_176 = arith.extui %lt3A_175 : i1 to i32
      %cond3A_177 = arith.constant 0 : i32
      %cond3A_178 = arith.cmpi ne, %convert_element_type3A_176, %cond3A_177 : i32
      scf.if %cond3A_178 {
        %add3A_196 = arith.constant 2 : i32
        %add3A_197 = arith.addi %add3A_162, %add3A_196 : i32
        %add3A_198 = arith.constant 1 : i32
        %add3A_199 = arith.addi %add3A_197, %add3A_198 : i32
        %mul3A_200 = arith.constant 256 : i32
        %mul3A_201 = arith.muli %add3A_199, %mul3A_200 : i32
        %min3A_202 = arith.constant 999808 : i32
        %min3A_203 = arith.minsi %mul3A_201, %min3A_202 : i32
        %multiple_of3A = tpu.assume_multiple %min3A_203, 128 : i32
        %dma_start3A = arith.constant 1 : i32
        %dma_start3A_204 = arith.constant 0 : i32
        %dma_start3A_205 = arith.constant 0 : i32
        %dma_start3A_206 = tpu.memref_slice %arg9[%dma_start3A, %dma_start3A_204, %dma_start3A_205] : memref<4x64x256xf32, #tpu.memory_space<vmem>> -> memref<1x64x256xf32, #tpu.memory_space<vmem>>
        %dma_start3A_207 = tpu.memref_squeeze %dma_start3A_206 : memref<1x64x256xf32, #tpu.memory_space<vmem>> -> memref<64x256xf32, #tpu.memory_space<vmem>>
        %dma_start3A_208 = arith.constant 0 : i32
        %dma_start3A_209 = tpu.memref_slice %arg2[%dma_start3A_208, %multiple_of3A] : memref<64x1000000xf32, #tpu.memory_space<hbm>> -> memref<64x256xf32, #tpu.memory_space<hbm>>
        %dma_start3A_210 = arith.constant 0 : i32
        %dma_start3A_211 = arith.constant 0 : i32
        %dma_start3A_212 = tpu.memref_slice %arg9[%dma_start3A, %dma_start3A_210, %dma_start3A_211] : memref<4x64x256xf32, #tpu.memory_space<vmem>> -> memref<1x64x256xf32, #tpu.memory_space<vmem>>
        %dma_start3A_213 = tpu.memref_squeeze %dma_start3A_212 : memref<1x64x256xf32, #tpu.memory_space<vmem>> -> memref<64x256xf32, #tpu.memory_space<vmem>>
        %dma_start3A_214 = arith.constant 0 : i32
        %dma_start3A_215 = tpu.memref_slice %arg2[%dma_start3A_214, %multiple_of3A] : memref<64x1000000xf32, #tpu.memory_space<hbm>> -> memref<64x256xf32, #tpu.memory_space<hbm>>
        tpu.enqueue_dma source(%dma_start3A_215 : memref<64x256xf32, #tpu.memory_space<hbm>>) target(%dma_start3A_213 : memref<64x256xf32, #tpu.memory_space<vmem>>) target_semaphore(%arg12 : memref<!tpu.dma_semaphore, #tpu.memory_space<semaphore_mem>>)
      } else {
      }
      %add3A_179 = arith.constant 0 : i32
      %add3A_180 = arith.addi %add3A_162, %add3A_179 : i32
      %lt3A_181 = arith.cmpi slt, %add3A_180, %min3A_5 : i32
      %convert_element_type3A_182 = arith.extui %lt3A_181 : i1 to i32
      %cond3A_183 = arith.constant 0 : i32
      %cond3A_184 = arith.cmpi ne, %convert_element_type3A_182, %cond3A_183 : i32
      scf.if %cond3A_184 {
        %dma_wait3A = arith.constant 2 : i32
        %dma_wait3A_196 = arith.constant 0 : i32
        %dma_wait3A_197 = arith.constant 0 : i32
        %dma_wait3A_198 = tpu.memref_slice %arg9[%dma_wait3A, %dma_wait3A_196, %dma_wait3A_197] : memref<4x64x256xf32, #tpu.memory_space<vmem>> -> memref<1x64x256xf32, #tpu.memory_space<vmem>>
        %dma_wait3A_199 = tpu.memref_squeeze %dma_wait3A_198 : memref<1x64x256xf32, #tpu.memory_space<vmem>> -> memref<64x256xf32, #tpu.memory_space<vmem>>
        %dma_wait3A_200 = arith.constant 0 : i32
        %dma_wait3A_201 = arith.constant 0 : i32
        %dma_wait3A_202 = tpu.memref_slice %arg2[%dma_wait3A_200, %dma_wait3A_201] : memref<64x1000000xf32, #tpu.memory_space<hbm>> -> memref<64x256xf32, #tpu.memory_space<hbm>>
        %dma_wait3A_203 = arith.constant 0 : i32
        %dma_wait3A_204 = arith.constant 0 : i32
        %dma_wait3A_205 = tpu.memref_slice %arg9[%dma_wait3A, %dma_wait3A_203, %dma_wait3A_204] : memref<4x64x256xf32, #tpu.memory_space<vmem>> -> memref<1x64x256xf32, #tpu.memory_space<vmem>>
        %dma_wait3A_206 = tpu.memref_squeeze %dma_wait3A_205 : memref<1x64x256xf32, #tpu.memory_space<vmem>> -> memref<64x256xf32, #tpu.memory_space<vmem>>
        %dma_wait3A_207 = arith.constant 0 : i32
        %dma_wait3A_208 = arith.constant 0 : i32
        %dma_wait3A_209 = tpu.memref_slice %arg2[%dma_wait3A_207, %dma_wait3A_208] : memref<64x1000000xf32, #tpu.memory_space<hbm>> -> memref<64x256xf32, #tpu.memory_space<hbm>>
        tpu.wait_dma2 semaphore(%arg12 : memref<!tpu.dma_semaphore, #tpu.memory_space<semaphore_mem>>) src(%dma_wait3A_209 : memref<64x256xf32, #tpu.memory_space<hbm>>) dst(%dma_wait3A_206 : memref<64x256xf32, #tpu.memory_space<vmem>>)
      } else {
      }
      %add3A_185 = arith.constant 1 : i32
      %add3A_186 = arith.addi %add3A_162, %add3A_185 : i32
      %lt3A_187 = arith.cmpi slt, %add3A_186, %min3A_5 : i32
      %convert_element_type3A_188 = arith.extui %lt3A_187 : i1 to i32
      %cond3A_189 = arith.constant 0 : i32
      %cond3A_190 = arith.cmpi ne, %convert_element_type3A_188, %cond3A_189 : i32
      scf.if %cond3A_190 {
        %dma_wait3A = arith.constant 3 : i32
        %dma_wait3A_196 = arith.constant 0 : i32
        %dma_wait3A_197 = arith.constant 0 : i32
        %dma_wait3A_198 = tpu.memref_slice %arg9[%dma_wait3A, %dma_wait3A_196, %dma_wait3A_197] : memref<4x64x256xf32, #tpu.memory_space<vmem>> -> memref<1x64x256xf32, #tpu.memory_space<vmem>>
        %dma_wait3A_199 = tpu.memref_squeeze %dma_wait3A_198 : memref<1x64x256xf32, #tpu.memory_space<vmem>> -> memref<64x256xf32, #tpu.memory_space<vmem>>
        %dma_wait3A_200 = arith.constant 0 : i32
        %dma_wait3A_201 = arith.constant 0 : i32
        %dma_wait3A_202 = tpu.memref_slice %arg2[%dma_wait3A_200, %dma_wait3A_201] : memref<64x1000000xf32, #tpu.memory_space<hbm>> -> memref<64x256xf32, #tpu.memory_space<hbm>>
        %dma_wait3A_203 = arith.constant 0 : i32
        %dma_wait3A_204 = arith.constant 0 : i32
        %dma_wait3A_205 = tpu.memref_slice %arg9[%dma_wait3A, %dma_wait3A_203, %dma_wait3A_204] : memref<4x64x256xf32, #tpu.memory_space<vmem>> -> memref<1x64x256xf32, #tpu.memory_space<vmem>>
        %dma_wait3A_206 = tpu.memref_squeeze %dma_wait3A_205 : memref<1x64x256xf32, #tpu.memory_space<vmem>> -> memref<64x256xf32, #tpu.memory_space<vmem>>
        %dma_wait3A_207 = arith.constant 0 : i32
        %dma_wait3A_208 = arith.constant 0 : i32
        %dma_wait3A_209 = tpu.memref_slice %arg2[%dma_wait3A_207, %dma_wait3A_208] : memref<64x1000000xf32, #tpu.memory_space<hbm>> -> memref<64x256xf32, #tpu.memory_space<hbm>>
        tpu.wait_dma2 semaphore(%arg12 : memref<!tpu.dma_semaphore, #tpu.memory_space<semaphore_mem>>) src(%dma_wait3A_209 : memref<64x256xf32, #tpu.memory_space<hbm>>) dst(%dma_wait3A_206 : memref<64x256xf32, #tpu.memory_space<vmem>>)
      } else {
      }
      %lt3A_191 = arith.cmpi slt, %add3A_162, %min3A_5 : i32
      %convert_element_type3A_192 = arith.extui %lt3A_191 : i1 to i32
      %cond3A_193 = arith.constant 0 : i32
      %cond3A_194 = arith.cmpi ne, %convert_element_type3A_192, %cond3A_193 : i32
      %cond3A_195:3 = scf.if %cond3A_194 -> (i32, i32, i32) {
        %sub3A_196 = arith.subi %add3A_162, %mul3A_2 : i32
        %shift_right_arithmetic3A = arith.constant 1 : i32
        %shift_right_arithmetic3A_197 = arith.shrsi %sub3A_196, %shift_right_arithmetic3A : i32
        %broadcast_in_dim3A_198 = vector.broadcast %shift_right_arithmetic3A_197 : i32 to vector<16xi32>
        %gather3A = tpu.vector_load_idx %arg7[%broadcast_in_dim3A_198] : memref<62xi32, #tpu.memory_space<vmem>>[vector<16xi32>], vector<16xi32>,
        %slice3A = vector.extract_strided_slice %gather3A {offsets = [0], sizes = [1], strides = [1]} : vector<16xi32> to vector<1xi32>
        %squeeze3A = vector.extract %slice3A[0] : i32 from vector<1xi32>
        %gather3A_199 = tpu.vector_load_idx %arg8[%broadcast_in_dim3A_198] : memref<62xi32, #tpu.memory_space<vmem>>[vector<16xi32>], vector<16xi32>,
        %slice3A_200 = vector.extract_strided_slice %gather3A_199 {offsets = [0], sizes = [1], strides = [1]} : vector<16xi32> to vector<1xi32>
        %squeeze3A_201 = vector.extract %slice3A_200[0] : i32 from vector<1xi32>
        %add3A_202 = arith.constant 16 : i32
        %add3A_203 = arith.addi %squeeze3A_201, %add3A_202 : i32
        %sub3A_204 = arith.constant 1 : i32
        %sub3A_205 = arith.subi %add3A_203, %sub3A_204 : i32
        %shift_right_arithmetic3A_206 = arith.constant 4 : i32
        %shift_right_arithmetic3A_207 = arith.shrsi %sub3A_205, %shift_right_arithmetic3A_206 : i32
        %while3A = arith.constant 0 : i32
        %while3A_208 = arith.subi %shift_right_arithmetic3A_207, %while3A : i32
        %while3A_209 = arith.addi %while3A, %while3A_208 : i32
        %while3A_210 = arith.constant 1 : i32
        %while3A_211 = arith.divsi %while3A_208, %while3A_210 : i32
        %while3A_212 = arith.muli %while3A_211, %while3A_210 : i32
        %while3A_213 = arith.addi %while3A, %while3A_212 : i32
        %while3A_214 = arith.constant 1 : i32
        %while3A_215:3 = scf.for %while3A_218 = %while3A to %while3A_213 step %while3A_214 iter_args(%while3A_219 = %cond3A_155#0, %while3A_220 = %cond3A_155#1, %while3A_221 = %cond3A_155#2) -> (i32, i32, i32)  : i32 {
          %mul3A_222 = arith.constant 16 : i32
          %mul3A_223 = arith.muli %while3A_218, %mul3A_222 : i32
          %add3A_224 = arith.addi %squeeze3A, %mul3A_223 : i32
          %get3A = arith.index_cast %add3A_224 : i32 to index
          %get3A_225 = tpu.vector_load %arg6[%get3A] {strides = array<i32>} : memref<17376xi32, #tpu.memory_space<vmem>>, vector<16xi32>,
          %mul3A_226 = arith.constant 16 : i32
          %mul3A_227 = arith.muli %while3A_218, %mul3A_226 : i32
          %sub3A_228 = arith.subi %squeeze3A_201, %mul3A_227 : i32
          %min3A_229 = arith.constant 16 : i32
          %min3A_230 = arith.minsi %sub3A_228, %min3A_229 : i32
          %while3A_231 = arith.constant 0 : i32
          %while3A_232 = arith.subi %min3A_230, %while3A_231 : i32
          %while3A_233 = arith.addi %while3A_231, %while3A_232 : i32
          %while3A_234 = arith.constant 1 : i32
          %while3A_235 = arith.divsi %while3A_232, %while3A_234 : i32
          %while3A_236 = arith.muli %while3A_235, %while3A_234 : i32
          %while3A_237 = arith.addi %while3A_231, %while3A_236 : i32
          %while3A_238 = arith.constant 1 : i32
          %while3A_239:3 = scf.for %while3A_242 = %while3A_231 to %while3A_237 step %while3A_238 iter_args(%while3A_243 = %while3A_219, %while3A_244 = %while3A_220, %while3A_245 = %while3A_221) -> (i32, i32, i32)  : i32 {
            %broadcast_in_dim3A_246 = vector.broadcast %while3A_242 : i32 to vector<16xi32>
            %lt3A_247 = arith.constant 0 : i32
            %lt3A_248 = vector.broadcast %lt3A_247 : i32 to vector<16xi32>
            %lt3A_249 = arith.cmpi slt, %broadcast_in_dim3A_246, %lt3A_248 : vector<16xi32>
            %add3A_250 = arith.constant 16 : i32
            %add3A_251 = vector.broadcast %add3A_250 : i32 to vector<16xi32>
            %add3A_252 = arith.addi %broadcast_in_dim3A_246, %add3A_251 : vector<16xi32>
            %select_n3A_253 = arith.select %lt3A_249, %add3A_252, %broadcast_in_dim3A_246 : vector<16xi1>, vector<16xi32>
            %broadcast_in_dim3A_254 = vector.shape_cast %select_n3A_253 : vector<16xi32> to vector<16x1xi32>
            %gather3A_255 = vector.shape_cast %broadcast_in_dim3A_254 : vector<16x1xi32> to vector<16xi32>
            %gather3A_256 = tpu.dynamic_gather %get3A_225[%gather3A_255] in [0] : vector<16xi32>, vector<16xi32> -> vector<16xi32>
            %and3A_257 = arith.constant 16383 : i32
            %and3A_258 = vector.broadcast %and3A_257 : i32 to vector<16xi32>
            %and3A_259 = arith.andi %gather3A_256, %and3A_258 : vector<16xi32>
            %shift_right_arithmetic3A_260 = arith.constant 14 : i32
            %shift_right_arithmetic3A_261 = vector.broadcast %shift_right_arithmetic3A_260 : i32 to vector<16xi32>
            %shift_right_arithmetic3A_262 = arith.shrsi %gather3A_256, %shift_right_arithmetic3A_261 : vector<16xi32>
            %add3A_263 = vector.broadcast %mul3A_7 : i32 to vector<16xi32>
            %add3A_264 = arith.addi %add3A_263, %shift_right_arithmetic3A_262 : vector<16xi32>
            %shift_right_arithmetic3A_265 = arith.constant 8 : i32
            %shift_right_arithmetic3A_266 = vector.broadcast %shift_right_arithmetic3A_265 : i32 to vector<16xi32>
            %shift_right_arithmetic3A_267 = arith.shrsi %add3A_264, %shift_right_arithmetic3A_266 : vector<16xi32>
            %and3A_268 = arith.constant 3 : i32
            %and3A_269 = vector.broadcast %and3A_268 : i32 to vector<16xi32>
            %and3A_270 = arith.andi %shift_right_arithmetic3A_267, %and3A_269 : vector<16xi32>
            %and3A_271 = arith.constant 255 : i32
            %and3A_272 = vector.broadcast %and3A_271 : i32 to vector<16xi32>
            %and3A_273 = arith.andi %add3A_264, %and3A_272 : vector<16xi32>
            %eq3A_274 = arith.constant 3906 : i32
            %eq3A_275 = vector.broadcast %eq3A_274 : i32 to vector<16xi32>
            %eq3A_276 = arith.cmpi eq, %shift_right_arithmetic3A_267, %eq3A_275 : vector<16xi32>
            %jit3A_277 = arith.constant 128 : i32
            %jit3A_278 = arith.constant 0 : i32
            %broadcast_in_dim3A_279 = vector.broadcast %jit3A_277 : i32 to vector<16xi32>
            %broadcast_in_dim3A_280 = vector.broadcast %jit3A_278 : i32 to vector<16xi32>
            %select_n3A_281 = arith.select %eq3A_276, %broadcast_in_dim3A_279, %broadcast_in_dim3A_280 : vector<16xi1>, vector<16xi32>
            %add3A_282 = arith.addi %and3A_273, %select_n3A_281 : vector<16xi32>
            %broadcast_in_dim3A_283 = vector.broadcast %while3A_244 : i32 to vector<16xi32>
            %broadcast_in_dim3A_284 = vector.broadcast %while3A_243 : i32 to vector<16xi32>
            %add3A_285 = arith.constant 0 : i32
            %add3A_286 = vector.broadcast %add3A_285 : i32 to vector<16xi32>
            %add3A_287 = arith.addi %iota3A, %add3A_286 : vector<16xi32>
            %gather3A_288 = tpu.vector_load_idx %arg9[%and3A_270, %add3A_287, %add3A_282] : memref<4x64x256xf32, #tpu.memory_space<vmem>>[vector<16xi32>, vector<16xi32>, vector<16xi32>], vector<16xf32>,
            %add3A_289 = arith.constant 0 : i32
            %add3A_290 = vector.broadcast %add3A_289 : i32 to vector<16xi32>
            %add3A_291 = arith.addi %add3A_290, %iota3A : vector<16xi32>
            tpu.vector_store_idx %arg10[%broadcast_in_dim3A_283, %broadcast_in_dim3A_284, %add3A_291], %gather3A_288 : memref<2x64x128xf32, #tpu.memory_space<vmem>>[vector<16xi32>, vector<16xi32>, vector<16xi32>], vector<16xf32>,
            %add3A_292 = arith.constant 16 : i32
            %add3A_293 = vector.broadcast %add3A_292 : i32 to vector<16xi32>
            %add3A_294 = arith.addi %iota3A, %add3A_293 : vector<16xi32>
            %gather3A_295 = tpu.vector_load_idx %arg9[%and3A_270, %add3A_294, %add3A_282] : memref<4x64x256xf32, #tpu.memory_space<vmem>>[vector<16xi32>, vector<16xi32>, vector<16xi32>], vector<16xf32>,
            %add3A_296 = arith.constant 16 : i32
            %add3A_297 = vector.broadcast %add3A_296 : i32 to vector<16xi32>
            %add3A_298 = arith.addi %add3A_297, %iota3A : vector<16xi32>
            tpu.vector_store_idx %arg10[%broadcast_in_dim3A_283, %broadcast_in_dim3A_284, %add3A_298], %gather3A_295 : memref<2x64x128xf32, #tpu.memory_space<vmem>>[vector<16xi32>, vector<16xi32>, vector<16xi32>], vector<16xf32>,
            %add3A_299 = arith.constant 32 : i32
            %add3A_300 = vector.broadcast %add3A_299 : i32 to vector<16xi32>
            %add3A_301 = arith.addi %iota3A, %add3A_300 : vector<16xi32>
            %gather3A_302 = tpu.vector_load_idx %arg9[%and3A_270, %add3A_301, %add3A_282] : memref<4x64x256xf32, #tpu.memory_space<vmem>>[vector<16xi32>, vector<16xi32>, vector<16xi32>], vector<16xf32>,
            %add3A_303 = arith.constant 32 : i32
            %add3A_304 = vector.broadcast %add3A_303 : i32 to vector<16xi32>
            %add3A_305 = arith.addi %add3A_304, %iota3A : vector<16xi32>
            tpu.vector_store_idx %arg10[%broadcast_in_dim3A_283, %broadcast_in_dim3A_284, %add3A_305], %gather3A_302 : memref<2x64x128xf32, #tpu.memory_space<vmem>>[vector<16xi32>, vector<16xi32>, vector<16xi32>], vector<16xf32>,
            %add3A_306 = arith.constant 48 : i32
            %add3A_307 = vector.broadcast %add3A_306 : i32 to vector<16xi32>
            %add3A_308 = arith.addi %iota3A, %add3A_307 : vector<16xi32>
            %gather3A_309 = tpu.vector_load_idx %arg9[%and3A_270, %add3A_308, %add3A_282] : memref<4x64x256xf32, #tpu.memory_space<vmem>>[vector<16xi32>, vector<16xi32>, vector<16xi32>], vector<16xf32>,
            %add3A_310 = arith.constant 48 : i32
            %add3A_311 = vector.broadcast %add3A_310 : i32 to vector<16xi32>
            %add3A_312 = arith.addi %add3A_311, %iota3A : vector<16xi32>
            tpu.vector_store_idx %arg10[%broadcast_in_dim3A_283, %broadcast_in_dim3A_284, %add3A_312], %gather3A_309 : memref<2x64x128xf32, #tpu.memory_space<vmem>>[vector<16xi32>, vector<16xi32>, vector<16xi32>], vector<16xf32>,
            %eq3A_313 = arith.constant 0 : i32
            %eq3A_314 = vector.broadcast %eq3A_313 : i32 to vector<16xi32>
            %eq3A_315 = arith.cmpi eq, %iota3A, %eq3A_314 : vector<16xi32>
            tpu.vector_store_idx %arg11[%broadcast_in_dim3A_283, %broadcast_in_dim3A_284], %and3A_259 masked %eq3A_315 : memref<2x64xi32, #tpu.memory_space<vmem>>[vector<16xi32>, vector<16xi32>], vector<16xi32>, vector<16xi1>
            %add3A_316 = arith.constant 1 : i32
            %add3A_317 = arith.addi %while3A_243, %add3A_316 : i32
            %eq3A_318 = arith.constant 64 : i32
            %eq3A_319 = arith.cmpi eq, %add3A_317, %eq3A_318 : i32
            %convert_element_type3A_320 = arith.extui %eq3A_319 : i1 to i32
            %cond3A_321 = arith.constant 0 : i32
            %cond3A_322 = arith.cmpi ne, %convert_element_type3A_320, %cond3A_321 : i32
            scf.if %cond3A_322 {
              %eq3A_332 = arith.constant 1 : i32
              %eq3A_333 = arith.cmpi eq, %while3A_245, %eq3A_332 : i32
              %convert_element_type3A_334 = arith.extui %eq3A_333 : i1 to i32
              %cond3A_335 = arith.constant 0 : i32
              %cond3A_336 = arith.cmpi ne, %convert_element_type3A_334, %cond3A_335 : i32
              scf.if %cond3A_336 {
                %dma_wait3A = arith.constant 0 : i32
                %dma_wait3A_361 = arith.constant 0 : i32
                %dma_wait3A_362 = arith.constant 0 : i32
                %dma_wait3A_363 = arith.constant 0 : i32
                %dma_wait3A_364 = tpu.memref_slice %arg10[%dma_wait3A, %dma_wait3A_362, %dma_wait3A_363] : memref<2x64x128xf32, #tpu.memory_space<vmem>> -> memref<1x64x128xf32, #tpu.memory_space<vmem>>
                %dma_wait3A_365 = tpu.memref_squeeze %dma_wait3A_364 : memref<1x64x128xf32, #tpu.memory_space<vmem>> -> memref<64x128xf32, #tpu.memory_space<vmem>>
                %dma_wait3A_366 = arith.constant 0 : i32
                %dma_wait3A_367 = tpu.memref_slice %arg11[%dma_wait3A_361, %dma_wait3A_366] : memref<2x64xi32, #tpu.memory_space<vmem>> -> memref<1x64xi32, #tpu.memory_space<vmem>>
                %dma_wait3A_368 = tpu.memref_squeeze %dma_wait3A_367 : memref<1x64xi32, #tpu.memory_space<vmem>> -> memref<64xi32, #tpu.memory_space<vmem>>
                %dma_wait3A_369 = arith.constant 0 : i32
                %dma_wait3A_370 = arith.constant 0 : i32
                %dma_wait3A_371 = tpu.memref_slice %arg4[%dma_wait3A_369, %dma_wait3A_370] : memref<16385x128xf32, #tpu.memory_space<hbm>> -> memref<16385x128xf32, #tpu.memory_space<hbm>>
                tpu.wait_indirect_dma semaphore(%arg13 : memref<!tpu.dma_semaphore, #tpu.memory_space<semaphore_mem>>) src(%dma_wait3A_365 : memref<64x128xf32, #tpu.memory_space<vmem>>) dst(%dma_wait3A_371 : memref<16385x128xf32, #tpu.memory_space<hbm>>)
              } else {
              }
              %dma_start3A = arith.constant 0 : i32
              %dma_start3A_337 = arith.constant 0 : i32
              %dma_start3A_338 = tpu.memref_slice %arg10[%while3A_244, %dma_start3A, %dma_start3A_337] : memref<2x64x128xf32, #tpu.memory_space<vmem>> -> memref<1x64x128xf32, #tpu.memory_space<vmem>>
              %dma_start3A_339 = tpu.memref_squeeze %dma_start3A_338 : memref<1x64x128xf32, #tpu.memory_space<vmem>> -> memref<64x128xf32, #tpu.memory_space<vmem>>
              %dma_start3A_340 = arith.constant 0 : i32
              %dma_start3A_341 = tpu.memref_slice %arg11[%while3A_244, %dma_start3A_340] : memref<2x64xi32, #tpu.memory_space<vmem>> -> memref<1x64xi32, #tpu.memory_space<vmem>>
              %dma_start3A_342 = tpu.memref_squeeze %dma_start3A_341 : memref<1x64xi32, #tpu.memory_space<vmem>> -> memref<64xi32, #tpu.memory_space<vmem>>
              %dma_start3A_343 = arith.constant 0 : i32
              %dma_start3A_344 = arith.constant 0 : i32
              %dma_start3A_345 = tpu.memref_slice %arg4[%dma_start3A_343, %dma_start3A_344] : memref<16385x128xf32, #tpu.memory_space<hbm>> -> memref<16385x128xf32, #tpu.memory_space<hbm>>
              tpu.enqueue_indirect_dma source(%dma_start3A_339 : memref<64x128xf32, #tpu.memory_space<vmem>>) target(%dma_start3A_345 : memref<16385x128xf32, #tpu.memory_space<hbm>>) offsets(%dma_start3A_342 : memref<64xi32, #tpu.memory_space<vmem>>) semaphore(%arg13 : memref<!tpu.dma_semaphore, #tpu.memory_space<semaphore_mem>>)
              %sub3A_346 = arith.constant 1 : i32
              %sub3A_347 = arith.subi %sub3A_346, %while3A_244 : i32
              %broadcast_in_dim3A_348 = vector.broadcast %sub3A_347 : i32 to vector<16xi32>
              %add3A_349 = arith.constant 0 : i32
              %add3A_350 = vector.broadcast %add3A_349 : i32 to vector<16xi32>
              %add3A_351 = arith.addi %add3A_350, %iota3A : vector<16xi32>
              tpu.vector_store_idx %arg11[%broadcast_in_dim3A_348, %add3A_351], %broadcast_in_dim3A_12 : memref<2x64xi32, #tpu.memory_space<vmem>>[vector<16xi32>, vector<16xi32>], vector<16xi32>,
              %add3A_352 = arith.constant 16 : i32
              %add3A_353 = vector.broadcast %add3A_352 : i32 to vector<16xi32>
              %add3A_354 = arith.addi %add3A_353, %iota3A : vector<16xi32>
              tpu.vector_store_idx %arg11[%broadcast_in_dim3A_348, %add3A_354], %broadcast_in_dim3A_12 : memref<2x64xi32, #tpu.memory_space<vmem>>[vector<16xi32>, vector<16xi32>], vector<16xi32>,
              %add3A_355 = arith.constant 32 : i32
              %add3A_356 = vector.broadcast %add3A_355 : i32 to vector<16xi32>
              %add3A_357 = arith.addi %add3A_356, %iota3A : vector<16xi32>
              tpu.vector_store_idx %arg11[%broadcast_in_dim3A_348, %add3A_357], %broadcast_in_dim3A_12 : memref<2x64xi32, #tpu.memory_space<vmem>>[vector<16xi32>, vector<16xi32>], vector<16xi32>,
              %add3A_358 = arith.constant 48 : i32
              %add3A_359 = vector.broadcast %add3A_358 : i32 to vector<16xi32>
              %add3A_360 = arith.addi %add3A_359, %iota3A : vector<16xi32>
              tpu.vector_store_idx %arg11[%broadcast_in_dim3A_348, %add3A_360], %broadcast_in_dim3A_12 : memref<2x64xi32, #tpu.memory_space<vmem>>[vector<16xi32>, vector<16xi32>], vector<16xi32>,
            } else {
            }
            %add3A_323 = arith.constant 1 : i32
            %add3A_324 = arith.addi %while3A_243, %add3A_323 : i32
            %jit3A_325 = arith.constant 0 : i32
            %select_n3A_326 = arith.select %eq3A_319, %jit3A_325, %add3A_324 : i32
            %sub3A_327 = arith.constant 1 : i32
            %sub3A_328 = arith.subi %sub3A_327, %while3A_244 : i32
            %select_n3A_329 = arith.select %eq3A_319, %sub3A_328, %while3A_244 : i32
            %jit3A_330 = arith.constant 1 : i32
            %select_n3A_331 = arith.select %eq3A_319, %jit3A_330, %while3A_245 : i32
            scf.yield %select_n3A_326, %select_n3A_329, %select_n3A_331 : i32, i32, i32
          }
          %while3A_240 = arith.constant 1 : i32
          %while3A_241:3 = scf.for %while3A_242 = %while3A_237 to %while3A_233 step %while3A_240 iter_args(%while3A_243 = %while3A_239#0, %while3A_244 = %while3A_239#1, %while3A_245 = %while3A_239#2) -> (i32, i32, i32)  : i32 {
            %broadcast_in_dim3A_246 = vector.broadcast %while3A_242 : i32 to vector<16xi32>
            %lt3A_247 = arith.constant 0 : i32
            %lt3A_248 = vector.broadcast %lt3A_247 : i32 to vector<16xi32>
            %lt3A_249 = arith.cmpi slt, %broadcast_in_dim3A_246, %lt3A_248 : vector<16xi32>
            %add3A_250 = arith.constant 16 : i32
            %add3A_251 = vector.broadcast %add3A_250 : i32 to vector<16xi32>
            %add3A_252 = arith.addi %broadcast_in_dim3A_246, %add3A_251 : vector<16xi32>
            %select_n3A_253 = arith.select %lt3A_249, %add3A_252, %broadcast_in_dim3A_246 : vector<16xi1>, vector<16xi32>
            %broadcast_in_dim3A_254 = vector.shape_cast %select_n3A_253 : vector<16xi32> to vector<16x1xi32>
            %gather3A_255 = vector.shape_cast %broadcast_in_dim3A_254 : vector<16x1xi32> to vector<16xi32>
            %gather3A_256 = tpu.dynamic_gather %get3A_225[%gather3A_255] in [0] : vector<16xi32>, vector<16xi32> -> vector<16xi32>
            %and3A_257 = arith.constant 16383 : i32
            %and3A_258 = vector.broadcast %and3A_257 : i32 to vector<16xi32>
            %and3A_259 = arith.andi %gather3A_256, %and3A_258 : vector<16xi32>
            %shift_right_arithmetic3A_260 = arith.constant 14 : i32
            %shift_right_arithmetic3A_261 = vector.broadcast %shift_right_arithmetic3A_260 : i32 to vector<16xi32>
            %shift_right_arithmetic3A_262 = arith.shrsi %gather3A_256, %shift_right_arithmetic3A_261 : vector<16xi32>
            %add3A_263 = vector.broadcast %mul3A_7 : i32 to vector<16xi32>
            %add3A_264 = arith.addi %add3A_263, %shift_right_arithmetic3A_262 : vector<16xi32>
            %shift_right_arithmetic3A_265 = arith.constant 8 : i32
            %shift_right_arithmetic3A_266 = vector.broadcast %shift_right_arithmetic3A_265 : i32 to vector<16xi32>
            %shift_right_arithmetic3A_267 = arith.shrsi %add3A_264, %shift_right_arithmetic3A_266 : vector<16xi32>
            %and3A_268 = arith.constant 3 : i32
            %and3A_269 = vector.broadcast %and3A_268 : i32 to vector<16xi32>
            %and3A_270 = arith.andi %shift_right_arithmetic3A_267, %and3A_269 : vector<16xi32>
            %and3A_271 = arith.constant 255 : i32
            %and3A_272 = vector.broadcast %and3A_271 : i32 to vector<16xi32>
            %and3A_273 = arith.andi %add3A_264, %and3A_272 : vector<16xi32>
            %eq3A_274 = arith.constant 3906 : i32
            %eq3A_275 = vector.broadcast %eq3A_274 : i32 to vector<16xi32>
            %eq3A_276 = arith.cmpi eq, %shift_right_arithmetic3A_267, %eq3A_275 : vector<16xi32>
            %jit3A_277 = arith.constant 128 : i32
            %jit3A_278 = arith.constant 0 : i32
            %broadcast_in_dim3A_279 = vector.broadcast %jit3A_277 : i32 to vector<16xi32>
            %broadcast_in_dim3A_280 = vector.broadcast %jit3A_278 : i32 to vector<16xi32>
            %select_n3A_281 = arith.select %eq3A_276, %broadcast_in_dim3A_279, %broadcast_in_dim3A_280 : vector<16xi1>, vector<16xi32>
            %add3A_282 = arith.addi %and3A_273, %select_n3A_281 : vector<16xi32>
            %broadcast_in_dim3A_283 = vector.broadcast %while3A_244 : i32 to vector<16xi32>
            %broadcast_in_dim3A_284 = vector.broadcast %while3A_243 : i32 to vector<16xi32>
            %add3A_285 = arith.constant 0 : i32
            %add3A_286 = vector.broadcast %add3A_285 : i32 to vector<16xi32>
            %add3A_287 = arith.addi %iota3A, %add3A_286 : vector<16xi32>
            %gather3A_288 = tpu.vector_load_idx %arg9[%and3A_270, %add3A_287, %add3A_282] : memref<4x64x256xf32, #tpu.memory_space<vmem>>[vector<16xi32>, vector<16xi32>, vector<16xi32>], vector<16xf32>,
            %add3A_289 = arith.constant 0 : i32
            %add3A_290 = vector.broadcast %add3A_289 : i32 to vector<16xi32>
            %add3A_291 = arith.addi %add3A_290, %iota3A : vector<16xi32>
            tpu.vector_store_idx %arg10[%broadcast_in_dim3A_283, %broadcast_in_dim3A_284, %add3A_291], %gather3A_288 : memref<2x64x128xf32, #tpu.memory_space<vmem>>[vector<16xi32>, vector<16xi32>, vector<16xi32>], vector<16xf32>,
            %add3A_292 = arith.constant 16 : i32
            %add3A_293 = vector.broadcast %add3A_292 : i32 to vector<16xi32>
            %add3A_294 = arith.addi %iota3A, %add3A_293 : vector<16xi32>
            %gather3A_295 = tpu.vector_load_idx %arg9[%and3A_270, %add3A_294, %add3A_282] : memref<4x64x256xf32, #tpu.memory_space<vmem>>[vector<16xi32>, vector<16xi32>, vector<16xi32>], vector<16xf32>,
            %add3A_296 = arith.constant 16 : i32
            %add3A_297 = vector.broadcast %add3A_296 : i32 to vector<16xi32>
            %add3A_298 = arith.addi %add3A_297, %iota3A : vector<16xi32>
            tpu.vector_store_idx %arg10[%broadcast_in_dim3A_283, %broadcast_in_dim3A_284, %add3A_298], %gather3A_295 : memref<2x64x128xf32, #tpu.memory_space<vmem>>[vector<16xi32>, vector<16xi32>, vector<16xi32>], vector<16xf32>,
            %add3A_299 = arith.constant 32 : i32
            %add3A_300 = vector.broadcast %add3A_299 : i32 to vector<16xi32>
            %add3A_301 = arith.addi %iota3A, %add3A_300 : vector<16xi32>
            %gather3A_302 = tpu.vector_load_idx %arg9[%and3A_270, %add3A_301, %add3A_282] : memref<4x64x256xf32, #tpu.memory_space<vmem>>[vector<16xi32>, vector<16xi32>, vector<16xi32>], vector<16xf32>,
            %add3A_303 = arith.constant 32 : i32
            %add3A_304 = vector.broadcast %add3A_303 : i32 to vector<16xi32>
            %add3A_305 = arith.addi %add3A_304, %iota3A : vector<16xi32>
            tpu.vector_store_idx %arg10[%broadcast_in_dim3A_283, %broadcast_in_dim3A_284, %add3A_305], %gather3A_302 : memref<2x64x128xf32, #tpu.memory_space<vmem>>[vector<16xi32>, vector<16xi32>, vector<16xi32>], vector<16xf32>,
            %add3A_306 = arith.constant 48 : i32
            %add3A_307 = vector.broadcast %add3A_306 : i32 to vector<16xi32>
            %add3A_308 = arith.addi %iota3A, %add3A_307 : vector<16xi32>
            %gather3A_309 = tpu.vector_load_idx %arg9[%and3A_270, %add3A_308, %add3A_282] : memref<4x64x256xf32, #tpu.memory_space<vmem>>[vector<16xi32>, vector<16xi32>, vector<16xi32>], vector<16xf32>,
            %add3A_310 = arith.constant 48 : i32
            %add3A_311 = vector.broadcast %add3A_310 : i32 to vector<16xi32>
            %add3A_312 = arith.addi %add3A_311, %iota3A : vector<16xi32>
            tpu.vector_store_idx %arg10[%broadcast_in_dim3A_283, %broadcast_in_dim3A_284, %add3A_312], %gather3A_309 : memref<2x64x128xf32, #tpu.memory_space<vmem>>[vector<16xi32>, vector<16xi32>, vector<16xi32>], vector<16xf32>,
            %eq3A_313 = arith.constant 0 : i32
            %eq3A_314 = vector.broadcast %eq3A_313 : i32 to vector<16xi32>
            %eq3A_315 = arith.cmpi eq, %iota3A, %eq3A_314 : vector<16xi32>
            tpu.vector_store_idx %arg11[%broadcast_in_dim3A_283, %broadcast_in_dim3A_284], %and3A_259 masked %eq3A_315 : memref<2x64xi32, #tpu.memory_space<vmem>>[vector<16xi32>, vector<16xi32>], vector<16xi32>, vector<16xi1>
            %add3A_316 = arith.constant 1 : i32
            %add3A_317 = arith.addi %while3A_243, %add3A_316 : i32
            %eq3A_318 = arith.constant 64 : i32
            %eq3A_319 = arith.cmpi eq, %add3A_317, %eq3A_318 : i32
            %convert_element_type3A_320 = arith.extui %eq3A_319 : i1 to i32
            %cond3A_321 = arith.constant 0 : i32
            %cond3A_322 = arith.cmpi ne, %convert_element_type3A_320, %cond3A_321 : i32
            scf.if %cond3A_322 {
              %eq3A_332 = arith.constant 1 : i32
              %eq3A_333 = arith.cmpi eq, %while3A_245, %eq3A_332 : i32
              %convert_element_type3A_334 = arith.extui %eq3A_333 : i1 to i32
              %cond3A_335 = arith.constant 0 : i32
              %cond3A_336 = arith.cmpi ne, %convert_element_type3A_334, %cond3A_335 : i32
              scf.if %cond3A_336 {
                %dma_wait3A = arith.constant 0 : i32
                %dma_wait3A_361 = arith.constant 0 : i32
                %dma_wait3A_362 = arith.constant 0 : i32
                %dma_wait3A_363 = arith.constant 0 : i32
                %dma_wait3A_364 = tpu.memref_slice %arg10[%dma_wait3A, %dma_wait3A_362, %dma_wait3A_363] : memref<2x64x128xf32, #tpu.memory_space<vmem>> -> memref<1x64x128xf32, #tpu.memory_space<vmem>>
                %dma_wait3A_365 = tpu.memref_squeeze %dma_wait3A_364 : memref<1x64x128xf32, #tpu.memory_space<vmem>> -> memref<64x128xf32, #tpu.memory_space<vmem>>
                %dma_wait3A_366 = arith.constant 0 : i32
                %dma_wait3A_367 = tpu.memref_slice %arg11[%dma_wait3A_361, %dma_wait3A_366] : memref<2x64xi32, #tpu.memory_space<vmem>> -> memref<1x64xi32, #tpu.memory_space<vmem>>
                %dma_wait3A_368 = tpu.memref_squeeze %dma_wait3A_367 : memref<1x64xi32, #tpu.memory_space<vmem>> -> memref<64xi32, #tpu.memory_space<vmem>>
                %dma_wait3A_369 = arith.constant 0 : i32
                %dma_wait3A_370 = arith.constant 0 : i32
                %dma_wait3A_371 = tpu.memref_slice %arg4[%dma_wait3A_369, %dma_wait3A_370] : memref<16385x128xf32, #tpu.memory_space<hbm>> -> memref<16385x128xf32, #tpu.memory_space<hbm>>
                tpu.wait_indirect_dma semaphore(%arg13 : memref<!tpu.dma_semaphore, #tpu.memory_space<semaphore_mem>>) src(%dma_wait3A_365 : memref<64x128xf32, #tpu.memory_space<vmem>>) dst(%dma_wait3A_371 : memref<16385x128xf32, #tpu.memory_space<hbm>>)
              } else {
              }
              %dma_start3A = arith.constant 0 : i32
              %dma_start3A_337 = arith.constant 0 : i32
              %dma_start3A_338 = tpu.memref_slice %arg10[%while3A_244, %dma_start3A, %dma_start3A_337] : memref<2x64x128xf32, #tpu.memory_space<vmem>> -> memref<1x64x128xf32, #tpu.memory_space<vmem>>
              %dma_start3A_339 = tpu.memref_squeeze %dma_start3A_338 : memref<1x64x128xf32, #tpu.memory_space<vmem>> -> memref<64x128xf32, #tpu.memory_space<vmem>>
              %dma_start3A_340 = arith.constant 0 : i32
              %dma_start3A_341 = tpu.memref_slice %arg11[%while3A_244, %dma_start3A_340] : memref<2x64xi32, #tpu.memory_space<vmem>> -> memref<1x64xi32, #tpu.memory_space<vmem>>
              %dma_start3A_342 = tpu.memref_squeeze %dma_start3A_341 : memref<1x64xi32, #tpu.memory_space<vmem>> -> memref<64xi32, #tpu.memory_space<vmem>>
              %dma_start3A_343 = arith.constant 0 : i32
              %dma_start3A_344 = arith.constant 0 : i32
              %dma_start3A_345 = tpu.memref_slice %arg4[%dma_start3A_343, %dma_start3A_344] : memref<16385x128xf32, #tpu.memory_space<hbm>> -> memref<16385x128xf32, #tpu.memory_space<hbm>>
              tpu.enqueue_indirect_dma source(%dma_start3A_339 : memref<64x128xf32, #tpu.memory_space<vmem>>) target(%dma_start3A_345 : memref<16385x128xf32, #tpu.memory_space<hbm>>) offsets(%dma_start3A_342 : memref<64xi32, #tpu.memory_space<vmem>>) semaphore(%arg13 : memref<!tpu.dma_semaphore, #tpu.memory_space<semaphore_mem>>)
              %sub3A_346 = arith.constant 1 : i32
              %sub3A_347 = arith.subi %sub3A_346, %while3A_244 : i32
              %broadcast_in_dim3A_348 = vector.broadcast %sub3A_347 : i32 to vector<16xi32>
              %add3A_349 = arith.constant 0 : i32
              %add3A_350 = vector.broadcast %add3A_349 : i32 to vector<16xi32>
              %add3A_351 = arith.addi %add3A_350, %iota3A : vector<16xi32>
              tpu.vector_store_idx %arg11[%broadcast_in_dim3A_348, %add3A_351], %broadcast_in_dim3A_12 : memref<2x64xi32, #tpu.memory_space<vmem>>[vector<16xi32>, vector<16xi32>], vector<16xi32>,
              %add3A_352 = arith.constant 16 : i32
              %add3A_353 = vector.broadcast %add3A_352 : i32 to vector<16xi32>
              %add3A_354 = arith.addi %add3A_353, %iota3A : vector<16xi32>
              tpu.vector_store_idx %arg11[%broadcast_in_dim3A_348, %add3A_354], %broadcast_in_dim3A_12 : memref<2x64xi32, #tpu.memory_space<vmem>>[vector<16xi32>, vector<16xi32>], vector<16xi32>,
              %add3A_355 = arith.constant 32 : i32
              %add3A_356 = vector.broadcast %add3A_355 : i32 to vector<16xi32>
              %add3A_357 = arith.addi %add3A_356, %iota3A : vector<16xi32>
              tpu.vector_store_idx %arg11[%broadcast_in_dim3A_348, %add3A_357], %broadcast_in_dim3A_12 : memref<2x64xi32, #tpu.memory_space<vmem>>[vector<16xi32>, vector<16xi32>], vector<16xi32>,
              %add3A_358 = arith.constant 48 : i32
              %add3A_359 = vector.broadcast %add3A_358 : i32 to vector<16xi32>
              %add3A_360 = arith.addi %add3A_359, %iota3A : vector<16xi32>
              tpu.vector_store_idx %arg11[%broadcast_in_dim3A_348, %add3A_360], %broadcast_in_dim3A_12 : memref<2x64xi32, #tpu.memory_space<vmem>>[vector<16xi32>, vector<16xi32>], vector<16xi32>,
            } else {
            }
            %add3A_323 = arith.constant 1 : i32
            %add3A_324 = arith.addi %while3A_243, %add3A_323 : i32
            %jit3A_325 = arith.constant 0 : i32
            %select_n3A_326 = arith.select %eq3A_319, %jit3A_325, %add3A_324 : i32
            %sub3A_327 = arith.constant 1 : i32
            %sub3A_328 = arith.subi %sub3A_327, %while3A_244 : i32
            %select_n3A_329 = arith.select %eq3A_319, %sub3A_328, %while3A_244 : i32
            %jit3A_330 = arith.constant 1 : i32
            %select_n3A_331 = arith.select %eq3A_319, %jit3A_330, %while3A_245 : i32
            scf.yield %select_n3A_326, %select_n3A_329, %select_n3A_331 : i32, i32, i32
          }
          scf.yield %while3A_241#0, %while3A_241#1, %while3A_241#2 : i32, i32, i32
        }
        %while3A_216 = arith.constant 1 : i32
        %while3A_217:3 = scf.for %while3A_218 = %while3A_213 to %while3A_209 step %while3A_216 iter_args(%while3A_219 = %while3A_215#0, %while3A_220 = %while3A_215#1, %while3A_221 = %while3A_215#2) -> (i32, i32, i32)  : i32 {
          %mul3A_222 = arith.constant 16 : i32
          %mul3A_223 = arith.muli %while3A_218, %mul3A_222 : i32
          %add3A_224 = arith.addi %squeeze3A, %mul3A_223 : i32
          %get3A = arith.index_cast %add3A_224 : i32 to index
          %get3A_225 = tpu.vector_load %arg6[%get3A] {strides = array<i32>} : memref<17376xi32, #tpu.memory_space<vmem>>, vector<16xi32>,
          %mul3A_226 = arith.constant 16 : i32
          %mul3A_227 = arith.muli %while3A_218, %mul3A_226 : i32
          %sub3A_228 = arith.subi %squeeze3A_201, %mul3A_227 : i32
          %min3A_229 = arith.constant 16 : i32
          %min3A_230 = arith.minsi %sub3A_228, %min3A_229 : i32
          %while3A_231 = arith.constant 0 : i32
          %while3A_232 = arith.subi %min3A_230, %while3A_231 : i32
          %while3A_233 = arith.addi %while3A_231, %while3A_232 : i32
          %while3A_234 = arith.constant 1 : i32
          %while3A_235 = arith.divsi %while3A_232, %while3A_234 : i32
          %while3A_236 = arith.muli %while3A_235, %while3A_234 : i32
          %while3A_237 = arith.addi %while3A_231, %while3A_236 : i32
          %while3A_238 = arith.constant 1 : i32
          %while3A_239:3 = scf.for %while3A_242 = %while3A_231 to %while3A_237 step %while3A_238 iter_args(%while3A_243 = %while3A_219, %while3A_244 = %while3A_220, %while3A_245 = %while3A_221) -> (i32, i32, i32)  : i32 {
            %broadcast_in_dim3A_246 = vector.broadcast %while3A_242 : i32 to vector<16xi32>
            %lt3A_247 = arith.constant 0 : i32
            %lt3A_248 = vector.broadcast %lt3A_247 : i32 to vector<16xi32>
            %lt3A_249 = arith.cmpi slt, %broadcast_in_dim3A_246, %lt3A_248 : vector<16xi32>
            %add3A_250 = arith.constant 16 : i32
            %add3A_251 = vector.broadcast %add3A_250 : i32 to vector<16xi32>
            %add3A_252 = arith.addi %broadcast_in_dim3A_246, %add3A_251 : vector<16xi32>
            %select_n3A_253 = arith.select %lt3A_249, %add3A_252, %broadcast_in_dim3A_246 : vector<16xi1>, vector<16xi32>
            %broadcast_in_dim3A_254 = vector.shape_cast %select_n3A_253 : vector<16xi32> to vector<16x1xi32>
            %gather3A_255 = vector.shape_cast %broadcast_in_dim3A_254 : vector<16x1xi32> to vector<16xi32>
            %gather3A_256 = tpu.dynamic_gather %get3A_225[%gather3A_255] in [0] : vector<16xi32>, vector<16xi32> -> vector<16xi32>
            %and3A_257 = arith.constant 16383 : i32
            %and3A_258 = vector.broadcast %and3A_257 : i32 to vector<16xi32>
            %and3A_259 = arith.andi %gather3A_256, %and3A_258 : vector<16xi32>
            %shift_right_arithmetic3A_260 = arith.constant 14 : i32
            %shift_right_arithmetic3A_261 = vector.broadcast %shift_right_arithmetic3A_260 : i32 to vector<16xi32>
            %shift_right_arithmetic3A_262 = arith.shrsi %gather3A_256, %shift_right_arithmetic3A_261 : vector<16xi32>
            %add3A_263 = vector.broadcast %mul3A_7 : i32 to vector<16xi32>
            %add3A_264 = arith.addi %add3A_263, %shift_right_arithmetic3A_262 : vector<16xi32>
            %shift_right_arithmetic3A_265 = arith.constant 8 : i32
            %shift_right_arithmetic3A_266 = vector.broadcast %shift_right_arithmetic3A_265 : i32 to vector<16xi32>
            %shift_right_arithmetic3A_267 = arith.shrsi %add3A_264, %shift_right_arithmetic3A_266 : vector<16xi32>
            %and3A_268 = arith.constant 3 : i32
            %and3A_269 = vector.broadcast %and3A_268 : i32 to vector<16xi32>
            %and3A_270 = arith.andi %shift_right_arithmetic3A_267, %and3A_269 : vector<16xi32>
            %and3A_271 = arith.constant 255 : i32
            %and3A_272 = vector.broadcast %and3A_271 : i32 to vector<16xi32>
            %and3A_273 = arith.andi %add3A_264, %and3A_272 : vector<16xi32>
            %eq3A_274 = arith.constant 3906 : i32
            %eq3A_275 = vector.broadcast %eq3A_274 : i32 to vector<16xi32>
            %eq3A_276 = arith.cmpi eq, %shift_right_arithmetic3A_267, %eq3A_275 : vector<16xi32>
            %jit3A_277 = arith.constant 128 : i32
            %jit3A_278 = arith.constant 0 : i32
            %broadcast_in_dim3A_279 = vector.broadcast %jit3A_277 : i32 to vector<16xi32>
            %broadcast_in_dim3A_280 = vector.broadcast %jit3A_278 : i32 to vector<16xi32>
            %select_n3A_281 = arith.select %eq3A_276, %broadcast_in_dim3A_279, %broadcast_in_dim3A_280 : vector<16xi1>, vector<16xi32>
            %add3A_282 = arith.addi %and3A_273, %select_n3A_281 : vector<16xi32>
            %broadcast_in_dim3A_283 = vector.broadcast %while3A_244 : i32 to vector<16xi32>
            %broadcast_in_dim3A_284 = vector.broadcast %while3A_243 : i32 to vector<16xi32>
            %add3A_285 = arith.constant 0 : i32
            %add3A_286 = vector.broadcast %add3A_285 : i32 to vector<16xi32>
            %add3A_287 = arith.addi %iota3A, %add3A_286 : vector<16xi32>
            %gather3A_288 = tpu.vector_load_idx %arg9[%and3A_270, %add3A_287, %add3A_282] : memref<4x64x256xf32, #tpu.memory_space<vmem>>[vector<16xi32>, vector<16xi32>, vector<16xi32>], vector<16xf32>,
            %add3A_289 = arith.constant 0 : i32
            %add3A_290 = vector.broadcast %add3A_289 : i32 to vector<16xi32>
            %add3A_291 = arith.addi %add3A_290, %iota3A : vector<16xi32>
            tpu.vector_store_idx %arg10[%broadcast_in_dim3A_283, %broadcast_in_dim3A_284, %add3A_291], %gather3A_288 : memref<2x64x128xf32, #tpu.memory_space<vmem>>[vector<16xi32>, vector<16xi32>, vector<16xi32>], vector<16xf32>,
            %add3A_292 = arith.constant 16 : i32
            %add3A_293 = vector.broadcast %add3A_292 : i32 to vector<16xi32>
            %add3A_294 = arith.addi %iota3A, %add3A_293 : vector<16xi32>
            %gather3A_295 = tpu.vector_load_idx %arg9[%and3A_270, %add3A_294, %add3A_282] : memref<4x64x256xf32, #tpu.memory_space<vmem>>[vector<16xi32>, vector<16xi32>, vector<16xi32>], vector<16xf32>,
            %add3A_296 = arith.constant 16 : i32
            %add3A_297 = vector.broadcast %add3A_296 : i32 to vector<16xi32>
            %add3A_298 = arith.addi %add3A_297, %iota3A : vector<16xi32>
            tpu.vector_store_idx %arg10[%broadcast_in_dim3A_283, %broadcast_in_dim3A_284, %add3A_298], %gather3A_295 : memref<2x64x128xf32, #tpu.memory_space<vmem>>[vector<16xi32>, vector<16xi32>, vector<16xi32>], vector<16xf32>,
            %add3A_299 = arith.constant 32 : i32
            %add3A_300 = vector.broadcast %add3A_299 : i32 to vector<16xi32>
            %add3A_301 = arith.addi %iota3A, %add3A_300 : vector<16xi32>
            %gather3A_302 = tpu.vector_load_idx %arg9[%and3A_270, %add3A_301, %add3A_282] : memref<4x64x256xf32, #tpu.memory_space<vmem>>[vector<16xi32>, vector<16xi32>, vector<16xi32>], vector<16xf32>,
            %add3A_303 = arith.constant 32 : i32
            %add3A_304 = vector.broadcast %add3A_303 : i32 to vector<16xi32>
            %add3A_305 = arith.addi %add3A_304, %iota3A : vector<16xi32>
            tpu.vector_store_idx %arg10[%broadcast_in_dim3A_283, %broadcast_in_dim3A_284, %add3A_305], %gather3A_302 : memref<2x64x128xf32, #tpu.memory_space<vmem>>[vector<16xi32>, vector<16xi32>, vector<16xi32>], vector<16xf32>,
            %add3A_306 = arith.constant 48 : i32
            %add3A_307 = vector.broadcast %add3A_306 : i32 to vector<16xi32>
            %add3A_308 = arith.addi %iota3A, %add3A_307 : vector<16xi32>
            %gather3A_309 = tpu.vector_load_idx %arg9[%and3A_270, %add3A_308, %add3A_282] : memref<4x64x256xf32, #tpu.memory_space<vmem>>[vector<16xi32>, vector<16xi32>, vector<16xi32>], vector<16xf32>,
            %add3A_310 = arith.constant 48 : i32
            %add3A_311 = vector.broadcast %add3A_310 : i32 to vector<16xi32>
            %add3A_312 = arith.addi %add3A_311, %iota3A : vector<16xi32>
            tpu.vector_store_idx %arg10[%broadcast_in_dim3A_283, %broadcast_in_dim3A_284, %add3A_312], %gather3A_309 : memref<2x64x128xf32, #tpu.memory_space<vmem>>[vector<16xi32>, vector<16xi32>, vector<16xi32>], vector<16xf32>,
            %eq3A_313 = arith.constant 0 : i32
            %eq3A_314 = vector.broadcast %eq3A_313 : i32 to vector<16xi32>
            %eq3A_315 = arith.cmpi eq, %iota3A, %eq3A_314 : vector<16xi32>
            tpu.vector_store_idx %arg11[%broadcast_in_dim3A_283, %broadcast_in_dim3A_284], %and3A_259 masked %eq3A_315 : memref<2x64xi32, #tpu.memory_space<vmem>>[vector<16xi32>, vector<16xi32>], vector<16xi32>, vector<16xi1>
            %add3A_316 = arith.constant 1 : i32
            %add3A_317 = arith.addi %while3A_243, %add3A_316 : i32
            %eq3A_318 = arith.constant 64 : i32
            %eq3A_319 = arith.cmpi eq, %add3A_317, %eq3A_318 : i32
            %convert_element_type3A_320 = arith.extui %eq3A_319 : i1 to i32
            %cond3A_321 = arith.constant 0 : i32
            %cond3A_322 = arith.cmpi ne, %convert_element_type3A_320, %cond3A_321 : i32
            scf.if %cond3A_322 {
              %eq3A_332 = arith.constant 1 : i32
              %eq3A_333 = arith.cmpi eq, %while3A_245, %eq3A_332 : i32
              %convert_element_type3A_334 = arith.extui %eq3A_333 : i1 to i32
              %cond3A_335 = arith.constant 0 : i32
              %cond3A_336 = arith.cmpi ne, %convert_element_type3A_334, %cond3A_335 : i32
              scf.if %cond3A_336 {
                %dma_wait3A = arith.constant 0 : i32
                %dma_wait3A_361 = arith.constant 0 : i32
                %dma_wait3A_362 = arith.constant 0 : i32
                %dma_wait3A_363 = arith.constant 0 : i32
                %dma_wait3A_364 = tpu.memref_slice %arg10[%dma_wait3A, %dma_wait3A_362, %dma_wait3A_363] : memref<2x64x128xf32, #tpu.memory_space<vmem>> -> memref<1x64x128xf32, #tpu.memory_space<vmem>>
                %dma_wait3A_365 = tpu.memref_squeeze %dma_wait3A_364 : memref<1x64x128xf32, #tpu.memory_space<vmem>> -> memref<64x128xf32, #tpu.memory_space<vmem>>
                %dma_wait3A_366 = arith.constant 0 : i32
                %dma_wait3A_367 = tpu.memref_slice %arg11[%dma_wait3A_361, %dma_wait3A_366] : memref<2x64xi32, #tpu.memory_space<vmem>> -> memref<1x64xi32, #tpu.memory_space<vmem>>
                %dma_wait3A_368 = tpu.memref_squeeze %dma_wait3A_367 : memref<1x64xi32, #tpu.memory_space<vmem>> -> memref<64xi32, #tpu.memory_space<vmem>>
                %dma_wait3A_369 = arith.constant 0 : i32
                %dma_wait3A_370 = arith.constant 0 : i32
                %dma_wait3A_371 = tpu.memref_slice %arg4[%dma_wait3A_369, %dma_wait3A_370] : memref<16385x128xf32, #tpu.memory_space<hbm>> -> memref<16385x128xf32, #tpu.memory_space<hbm>>
                tpu.wait_indirect_dma semaphore(%arg13 : memref<!tpu.dma_semaphore, #tpu.memory_space<semaphore_mem>>) src(%dma_wait3A_365 : memref<64x128xf32, #tpu.memory_space<vmem>>) dst(%dma_wait3A_371 : memref<16385x128xf32, #tpu.memory_space<hbm>>)
              } else {
              }
              %dma_start3A = arith.constant 0 : i32
              %dma_start3A_337 = arith.constant 0 : i32
              %dma_start3A_338 = tpu.memref_slice %arg10[%while3A_244, %dma_start3A, %dma_start3A_337] : memref<2x64x128xf32, #tpu.memory_space<vmem>> -> memref<1x64x128xf32, #tpu.memory_space<vmem>>
              %dma_start3A_339 = tpu.memref_squeeze %dma_start3A_338 : memref<1x64x128xf32, #tpu.memory_space<vmem>> -> memref<64x128xf32, #tpu.memory_space<vmem>>
              %dma_start3A_340 = arith.constant 0 : i32
              %dma_start3A_341 = tpu.memref_slice %arg11[%while3A_244, %dma_start3A_340] : memref<2x64xi32, #tpu.memory_space<vmem>> -> memref<1x64xi32, #tpu.memory_space<vmem>>
              %dma_start3A_342 = tpu.memref_squeeze %dma_start3A_341 : memref<1x64xi32, #tpu.memory_space<vmem>> -> memref<64xi32, #tpu.memory_space<vmem>>
              %dma_start3A_343 = arith.constant 0 : i32
              %dma_start3A_344 = arith.constant 0 : i32
              %dma_start3A_345 = tpu.memref_slice %arg4[%dma_start3A_343, %dma_start3A_344] : memref<16385x128xf32, #tpu.memory_space<hbm>> -> memref<16385x128xf32, #tpu.memory_space<hbm>>
              tpu.enqueue_indirect_dma source(%dma_start3A_339 : memref<64x128xf32, #tpu.memory_space<vmem>>) target(%dma_start3A_345 : memref<16385x128xf32, #tpu.memory_space<hbm>>) offsets(%dma_start3A_342 : memref<64xi32, #tpu.memory_space<vmem>>) semaphore(%arg13 : memref<!tpu.dma_semaphore, #tpu.memory_space<semaphore_mem>>)
              %sub3A_346 = arith.constant 1 : i32
              %sub3A_347 = arith.subi %sub3A_346, %while3A_244 : i32
              %broadcast_in_dim3A_348 = vector.broadcast %sub3A_347 : i32 to vector<16xi32>
              %add3A_349 = arith.constant 0 : i32
              %add3A_350 = vector.broadcast %add3A_349 : i32 to vector<16xi32>
              %add3A_351 = arith.addi %add3A_350, %iota3A : vector<16xi32>
              tpu.vector_store_idx %arg11[%broadcast_in_dim3A_348, %add3A_351], %broadcast_in_dim3A_12 : memref<2x64xi32, #tpu.memory_space<vmem>>[vector<16xi32>, vector<16xi32>], vector<16xi32>,
              %add3A_352 = arith.constant 16 : i32
              %add3A_353 = vector.broadcast %add3A_352 : i32 to vector<16xi32>
              %add3A_354 = arith.addi %add3A_353, %iota3A : vector<16xi32>
              tpu.vector_store_idx %arg11[%broadcast_in_dim3A_348, %add3A_354], %broadcast_in_dim3A_12 : memref<2x64xi32, #tpu.memory_space<vmem>>[vector<16xi32>, vector<16xi32>], vector<16xi32>,
              %add3A_355 = arith.constant 32 : i32
              %add3A_356 = vector.broadcast %add3A_355 : i32 to vector<16xi32>
              %add3A_357 = arith.addi %add3A_356, %iota3A : vector<16xi32>
              tpu.vector_store_idx %arg11[%broadcast_in_dim3A_348, %add3A_357], %broadcast_in_dim3A_12 : memref<2x64xi32, #tpu.memory_space<vmem>>[vector<16xi32>, vector<16xi32>], vector<16xi32>,
              %add3A_358 = arith.constant 48 : i32
              %add3A_359 = vector.broadcast %add3A_358 : i32 to vector<16xi32>
              %add3A_360 = arith.addi %add3A_359, %iota3A : vector<16xi32>
              tpu.vector_store_idx %arg11[%broadcast_in_dim3A_348, %add3A_360], %broadcast_in_dim3A_12 : memref<2x64xi32, #tpu.memory_space<vmem>>[vector<16xi32>, vector<16xi32>], vector<16xi32>,
            } else {
            }
            %add3A_323 = arith.constant 1 : i32
            %add3A_324 = arith.addi %while3A_243, %add3A_323 : i32
            %jit3A_325 = arith.constant 0 : i32
            %select_n3A_326 = arith.select %eq3A_319, %jit3A_325, %add3A_324 : i32
            %sub3A_327 = arith.constant 1 : i32
            %sub3A_328 = arith.subi %sub3A_327, %while3A_244 : i32
            %select_n3A_329 = arith.select %eq3A_319, %sub3A_328, %while3A_244 : i32
            %jit3A_330 = arith.constant 1 : i32
            %select_n3A_331 = arith.select %eq3A_319, %jit3A_330, %while3A_245 : i32
            scf.yield %select_n3A_326, %select_n3A_329, %select_n3A_331 : i32, i32, i32
          }
          %while3A_240 = arith.constant 1 : i32
          %while3A_241:3 = scf.for %while3A_242 = %while3A_237 to %while3A_233 step %while3A_240 iter_args(%while3A_243 = %while3A_239#0, %while3A_244 = %while3A_239#1, %while3A_245 = %while3A_239#2) -> (i32, i32, i32)  : i32 {
            %broadcast_in_dim3A_246 = vector.broadcast %while3A_242 : i32 to vector<16xi32>
            %lt3A_247 = arith.constant 0 : i32
            %lt3A_248 = vector.broadcast %lt3A_247 : i32 to vector<16xi32>
            %lt3A_249 = arith.cmpi slt, %broadcast_in_dim3A_246, %lt3A_248 : vector<16xi32>
            %add3A_250 = arith.constant 16 : i32
            %add3A_251 = vector.broadcast %add3A_250 : i32 to vector<16xi32>
            %add3A_252 = arith.addi %broadcast_in_dim3A_246, %add3A_251 : vector<16xi32>
            %select_n3A_253 = arith.select %lt3A_249, %add3A_252, %broadcast_in_dim3A_246 : vector<16xi1>, vector<16xi32>
            %broadcast_in_dim3A_254 = vector.shape_cast %select_n3A_253 : vector<16xi32> to vector<16x1xi32>
            %gather3A_255 = vector.shape_cast %broadcast_in_dim3A_254 : vector<16x1xi32> to vector<16xi32>
            %gather3A_256 = tpu.dynamic_gather %get3A_225[%gather3A_255] in [0] : vector<16xi32>, vector<16xi32> -> vector<16xi32>
            %and3A_257 = arith.constant 16383 : i32
            %and3A_258 = vector.broadcast %and3A_257 : i32 to vector<16xi32>
            %and3A_259 = arith.andi %gather3A_256, %and3A_258 : vector<16xi32>
            %shift_right_arithmetic3A_260 = arith.constant 14 : i32
            %shift_right_arithmetic3A_261 = vector.broadcast %shift_right_arithmetic3A_260 : i32 to vector<16xi32>
            %shift_right_arithmetic3A_262 = arith.shrsi %gather3A_256, %shift_right_arithmetic3A_261 : vector<16xi32>
            %add3A_263 = vector.broadcast %mul3A_7 : i32 to vector<16xi32>
            %add3A_264 = arith.addi %add3A_263, %shift_right_arithmetic3A_262 : vector<16xi32>
            %shift_right_arithmetic3A_265 = arith.constant 8 : i32
            %shift_right_arithmetic3A_266 = vector.broadcast %shift_right_arithmetic3A_265 : i32 to vector<16xi32>
            %shift_right_arithmetic3A_267 = arith.shrsi %add3A_264, %shift_right_arithmetic3A_266 : vector<16xi32>
            %and3A_268 = arith.constant 3 : i32
            %and3A_269 = vector.broadcast %and3A_268 : i32 to vector<16xi32>
            %and3A_270 = arith.andi %shift_right_arithmetic3A_267, %and3A_269 : vector<16xi32>
            %and3A_271 = arith.constant 255 : i32
            %and3A_272 = vector.broadcast %and3A_271 : i32 to vector<16xi32>
            %and3A_273 = arith.andi %add3A_264, %and3A_272 : vector<16xi32>
            %eq3A_274 = arith.constant 3906 : i32
            %eq3A_275 = vector.broadcast %eq3A_274 : i32 to vector<16xi32>
            %eq3A_276 = arith.cmpi eq, %shift_right_arithmetic3A_267, %eq3A_275 : vector<16xi32>
            %jit3A_277 = arith.constant 128 : i32
            %jit3A_278 = arith.constant 0 : i32
            %broadcast_in_dim3A_279 = vector.broadcast %jit3A_277 : i32 to vector<16xi32>
            %broadcast_in_dim3A_280 = vector.broadcast %jit3A_278 : i32 to vector<16xi32>
            %select_n3A_281 = arith.select %eq3A_276, %broadcast_in_dim3A_279, %broadcast_in_dim3A_280 : vector<16xi1>, vector<16xi32>
            %add3A_282 = arith.addi %and3A_273, %select_n3A_281 : vector<16xi32>
            %broadcast_in_dim3A_283 = vector.broadcast %while3A_244 : i32 to vector<16xi32>
            %broadcast_in_dim3A_284 = vector.broadcast %while3A_243 : i32 to vector<16xi32>
            %add3A_285 = arith.constant 0 : i32
            %add3A_286 = vector.broadcast %add3A_285 : i32 to vector<16xi32>
            %add3A_287 = arith.addi %iota3A, %add3A_286 : vector<16xi32>
            %gather3A_288 = tpu.vector_load_idx %arg9[%and3A_270, %add3A_287, %add3A_282] : memref<4x64x256xf32, #tpu.memory_space<vmem>>[vector<16xi32>, vector<16xi32>, vector<16xi32>], vector<16xf32>,
            %add3A_289 = arith.constant 0 : i32
            %add3A_290 = vector.broadcast %add3A_289 : i32 to vector<16xi32>
            %add3A_291 = arith.addi %add3A_290, %iota3A : vector<16xi32>
            tpu.vector_store_idx %arg10[%broadcast_in_dim3A_283, %broadcast_in_dim3A_284, %add3A_291], %gather3A_288 : memref<2x64x128xf32, #tpu.memory_space<vmem>>[vector<16xi32>, vector<16xi32>, vector<16xi32>], vector<16xf32>,
            %add3A_292 = arith.constant 16 : i32
            %add3A_293 = vector.broadcast %add3A_292 : i32 to vector<16xi32>
            %add3A_294 = arith.addi %iota3A, %add3A_293 : vector<16xi32>
            %gather3A_295 = tpu.vector_load_idx %arg9[%and3A_270, %add3A_294, %add3A_282] : memref<4x64x256xf32, #tpu.memory_space<vmem>>[vector<16xi32>, vector<16xi32>, vector<16xi32>], vector<16xf32>,
            %add3A_296 = arith.constant 16 : i32
            %add3A_297 = vector.broadcast %add3A_296 : i32 to vector<16xi32>
            %add3A_298 = arith.addi %add3A_297, %iota3A : vector<16xi32>
            tpu.vector_store_idx %arg10[%broadcast_in_dim3A_283, %broadcast_in_dim3A_284, %add3A_298], %gather3A_295 : memref<2x64x128xf32, #tpu.memory_space<vmem>>[vector<16xi32>, vector<16xi32>, vector<16xi32>], vector<16xf32>,
            %add3A_299 = arith.constant 32 : i32
            %add3A_300 = vector.broadcast %add3A_299 : i32 to vector<16xi32>
            %add3A_301 = arith.addi %iota3A, %add3A_300 : vector<16xi32>
            %gather3A_302 = tpu.vector_load_idx %arg9[%and3A_270, %add3A_301, %add3A_282] : memref<4x64x256xf32, #tpu.memory_space<vmem>>[vector<16xi32>, vector<16xi32>, vector<16xi32>], vector<16xf32>,
            %add3A_303 = arith.constant 32 : i32
            %add3A_304 = vector.broadcast %add3A_303 : i32 to vector<16xi32>
            %add3A_305 = arith.addi %add3A_304, %iota3A : vector<16xi32>
            tpu.vector_store_idx %arg10[%broadcast_in_dim3A_283, %broadcast_in_dim3A_284, %add3A_305], %gather3A_302 : memref<2x64x128xf32, #tpu.memory_space<vmem>>[vector<16xi32>, vector<16xi32>, vector<16xi32>], vector<16xf32>,
            %add3A_306 = arith.constant 48 : i32
            %add3A_307 = vector.broadcast %add3A_306 : i32 to vector<16xi32>
            %add3A_308 = arith.addi %iota3A, %add3A_307 : vector<16xi32>
            %gather3A_309 = tpu.vector_load_idx %arg9[%and3A_270, %add3A_308, %add3A_282] : memref<4x64x256xf32, #tpu.memory_space<vmem>>[vector<16xi32>, vector<16xi32>, vector<16xi32>], vector<16xf32>,
            %add3A_310 = arith.constant 48 : i32
            %add3A_311 = vector.broadcast %add3A_310 : i32 to vector<16xi32>
            %add3A_312 = arith.addi %add3A_311, %iota3A : vector<16xi32>
            tpu.vector_store_idx %arg10[%broadcast_in_dim3A_283, %broadcast_in_dim3A_284, %add3A_312], %gather3A_309 : memref<2x64x128xf32, #tpu.memory_space<vmem>>[vector<16xi32>, vector<16xi32>, vector<16xi32>], vector<16xf32>,
            %eq3A_313 = arith.constant 0 : i32
            %eq3A_314 = vector.broadcast %eq3A_313 : i32 to vector<16xi32>
            %eq3A_315 = arith.cmpi eq, %iota3A, %eq3A_314 : vector<16xi32>
            tpu.vector_store_idx %arg11[%broadcast_in_dim3A_283, %broadcast_in_dim3A_284], %and3A_259 masked %eq3A_315 : memref<2x64xi32, #tpu.memory_space<vmem>>[vector<16xi32>, vector<16xi32>], vector<16xi32>, vector<16xi1>
            %add3A_316 = arith.constant 1 : i32
            %add3A_317 = arith.addi %while3A_243, %add3A_316 : i32
            %eq3A_318 = arith.constant 64 : i32
            %eq3A_319 = arith.cmpi eq, %add3A_317, %eq3A_318 : i32
            %convert_element_type3A_320 = arith.extui %eq3A_319 : i1 to i32
            %cond3A_321 = arith.constant 0 : i32
            %cond3A_322 = arith.cmpi ne, %convert_element_type3A_320, %cond3A_321 : i32
            scf.if %cond3A_322 {
              %eq3A_332 = arith.constant 1 : i32
              %eq3A_333 = arith.cmpi eq, %while3A_245, %eq3A_332 : i32
              %convert_element_type3A_334 = arith.extui %eq3A_333 : i1 to i32
              %cond3A_335 = arith.constant 0 : i32
              %cond3A_336 = arith.cmpi ne, %convert_element_type3A_334, %cond3A_335 : i32
              scf.if %cond3A_336 {
                %dma_wait3A = arith.constant 0 : i32
                %dma_wait3A_361 = arith.constant 0 : i32
                %dma_wait3A_362 = arith.constant 0 : i32
                %dma_wait3A_363 = arith.constant 0 : i32
                %dma_wait3A_364 = tpu.memref_slice %arg10[%dma_wait3A, %dma_wait3A_362, %dma_wait3A_363] : memref<2x64x128xf32, #tpu.memory_space<vmem>> -> memref<1x64x128xf32, #tpu.memory_space<vmem>>
                %dma_wait3A_365 = tpu.memref_squeeze %dma_wait3A_364 : memref<1x64x128xf32, #tpu.memory_space<vmem>> -> memref<64x128xf32, #tpu.memory_space<vmem>>
                %dma_wait3A_366 = arith.constant 0 : i32
                %dma_wait3A_367 = tpu.memref_slice %arg11[%dma_wait3A_361, %dma_wait3A_366] : memref<2x64xi32, #tpu.memory_space<vmem>> -> memref<1x64xi32, #tpu.memory_space<vmem>>
                %dma_wait3A_368 = tpu.memref_squeeze %dma_wait3A_367 : memref<1x64xi32, #tpu.memory_space<vmem>> -> memref<64xi32, #tpu.memory_space<vmem>>
                %dma_wait3A_369 = arith.constant 0 : i32
                %dma_wait3A_370 = arith.constant 0 : i32
                %dma_wait3A_371 = tpu.memref_slice %arg4[%dma_wait3A_369, %dma_wait3A_370] : memref<16385x128xf32, #tpu.memory_space<hbm>> -> memref<16385x128xf32, #tpu.memory_space<hbm>>
                tpu.wait_indirect_dma semaphore(%arg13 : memref<!tpu.dma_semaphore, #tpu.memory_space<semaphore_mem>>) src(%dma_wait3A_365 : memref<64x128xf32, #tpu.memory_space<vmem>>) dst(%dma_wait3A_371 : memref<16385x128xf32, #tpu.memory_space<hbm>>)
              } else {
              }
              %dma_start3A = arith.constant 0 : i32
              %dma_start3A_337 = arith.constant 0 : i32
              %dma_start3A_338 = tpu.memref_slice %arg10[%while3A_244, %dma_start3A, %dma_start3A_337] : memref<2x64x128xf32, #tpu.memory_space<vmem>> -> memref<1x64x128xf32, #tpu.memory_space<vmem>>
              %dma_start3A_339 = tpu.memref_squeeze %dma_start3A_338 : memref<1x64x128xf32, #tpu.memory_space<vmem>> -> memref<64x128xf32, #tpu.memory_space<vmem>>
              %dma_start3A_340 = arith.constant 0 : i32
              %dma_start3A_341 = tpu.memref_slice %arg11[%while3A_244, %dma_start3A_340] : memref<2x64xi32, #tpu.memory_space<vmem>> -> memref<1x64xi32, #tpu.memory_space<vmem>>
              %dma_start3A_342 = tpu.memref_squeeze %dma_start3A_341 : memref<1x64xi32, #tpu.memory_space<vmem>> -> memref<64xi32, #tpu.memory_space<vmem>>
              %dma_start3A_343 = arith.constant 0 : i32
              %dma_start3A_344 = arith.constant 0 : i32
              %dma_start3A_345 = tpu.memref_slice %arg4[%dma_start3A_343, %dma_start3A_344] : memref<16385x128xf32, #tpu.memory_space<hbm>> -> memref<16385x128xf32, #tpu.memory_space<hbm>>
              tpu.enqueue_indirect_dma source(%dma_start3A_339 : memref<64x128xf32, #tpu.memory_space<vmem>>) target(%dma_start3A_345 : memref<16385x128xf32, #tpu.memory_space<hbm>>) offsets(%dma_start3A_342 : memref<64xi32, #tpu.memory_space<vmem>>) semaphore(%arg13 : memref<!tpu.dma_semaphore, #tpu.memory_space<semaphore_mem>>)
              %sub3A_346 = arith.constant 1 : i32
              %sub3A_347 = arith.subi %sub3A_346, %while3A_244 : i32
              %broadcast_in_dim3A_348 = vector.broadcast %sub3A_347 : i32 to vector<16xi32>
              %add3A_349 = arith.constant 0 : i32
              %add3A_350 = vector.broadcast %add3A_349 : i32 to vector<16xi32>
              %add3A_351 = arith.addi %add3A_350, %iota3A : vector<16xi32>
              tpu.vector_store_idx %arg11[%broadcast_in_dim3A_348, %add3A_351], %broadcast_in_dim3A_12 : memref<2x64xi32, #tpu.memory_space<vmem>>[vector<16xi32>, vector<16xi32>], vector<16xi32>,
              %add3A_352 = arith.constant 16 : i32
              %add3A_353 = vector.broadcast %add3A_352 : i32 to vector<16xi32>
              %add3A_354 = arith.addi %add3A_353, %iota3A : vector<16xi32>
              tpu.vector_store_idx %arg11[%broadcast_in_dim3A_348, %add3A_354], %broadcast_in_dim3A_12 : memref<2x64xi32, #tpu.memory_space<vmem>>[vector<16xi32>, vector<16xi32>], vector<16xi32>,
              %add3A_355 = arith.constant 32 : i32
              %add3A_356 = vector.broadcast %add3A_355 : i32 to vector<16xi32>
              %add3A_357 = arith.addi %add3A_356, %iota3A : vector<16xi32>
              tpu.vector_store_idx %arg11[%broadcast_in_dim3A_348, %add3A_357], %broadcast_in_dim3A_12 : memref<2x64xi32, #tpu.memory_space<vmem>>[vector<16xi32>, vector<16xi32>], vector<16xi32>,
              %add3A_358 = arith.constant 48 : i32
              %add3A_359 = vector.broadcast %add3A_358 : i32 to vector<16xi32>
              %add3A_360 = arith.addi %add3A_359, %iota3A : vector<16xi32>
              tpu.vector_store_idx %arg11[%broadcast_in_dim3A_348, %add3A_360], %broadcast_in_dim3A_12 : memref<2x64xi32, #tpu.memory_space<vmem>>[vector<16xi32>, vector<16xi32>], vector<16xi32>,
            } else {
            }
            %add3A_323 = arith.constant 1 : i32
            %add3A_324 = arith.addi %while3A_243, %add3A_323 : i32
            %jit3A_325 = arith.constant 0 : i32
            %select_n3A_326 = arith.select %eq3A_319, %jit3A_325, %add3A_324 : i32
            %sub3A_327 = arith.constant 1 : i32
            %sub3A_328 = arith.subi %sub3A_327, %while3A_244 : i32
            %select_n3A_329 = arith.select %eq3A_319, %sub3A_328, %while3A_244 : i32
            %jit3A_330 = arith.constant 1 : i32
            %select_n3A_331 = arith.select %eq3A_319, %jit3A_330, %while3A_245 : i32
            scf.yield %select_n3A_326, %select_n3A_329, %select_n3A_331 : i32, i32, i32
          }
          scf.yield %while3A_241#0, %while3A_241#1, %while3A_241#2 : i32, i32, i32
        }
        scf.yield %while3A_217#0, %while3A_217#1, %while3A_217#2 : i32, i32, i32
      } else {
        scf.yield %cond3A_155#0, %cond3A_155#1, %cond3A_155#2 : i32, i32, i32
      }
      scf.yield %cond3A_195#0, %cond3A_195#1, %cond3A_195#2 : i32, i32, i32
    }
    %scan3A_103 = arith.constant 31 : i32
    %eq3A = arith.constant 1 : i32
    %eq3A_104 = arith.cmpi eq, %scan3A_102#2, %eq3A : i32
    %convert_element_type3A_105 = arith.extui %eq3A_104 : i1 to i32
    %cond3A_106 = arith.constant 0 : i32
    %cond3A_107 = arith.cmpi ne, %convert_element_type3A_105, %cond3A_106 : i32
    scf.if %cond3A_107 {
      %dma_wait3A = arith.constant 0 : i32
      %dma_wait3A_112 = arith.constant 0 : i32
      %dma_wait3A_113 = arith.constant 0 : i32
      %dma_wait3A_114 = arith.constant 0 : i32
      %dma_wait3A_115 = tpu.memref_slice %arg10[%dma_wait3A, %dma_wait3A_113, %dma_wait3A_114] : memref<2x64x128xf32, #tpu.memory_space<vmem>> -> memref<1x64x128xf32, #tpu.memory_space<vmem>>
      %dma_wait3A_116 = tpu.memref_squeeze %dma_wait3A_115 : memref<1x64x128xf32, #tpu.memory_space<vmem>> -> memref<64x128xf32, #tpu.memory_space<vmem>>
      %dma_wait3A_117 = arith.constant 0 : i32
      %dma_wait3A_118 = tpu.memref_slice %arg11[%dma_wait3A_112, %dma_wait3A_117] : memref<2x64xi32, #tpu.memory_space<vmem>> -> memref<1x64xi32, #tpu.memory_space<vmem>>
      %dma_wait3A_119 = tpu.memref_squeeze %dma_wait3A_118 : memref<1x64xi32, #tpu.memory_space<vmem>> -> memref<64xi32, #tpu.memory_space<vmem>>
      %dma_wait3A_120 = arith.constant 0 : i32
      %dma_wait3A_121 = arith.constant 0 : i32
      %dma_wait3A_122 = tpu.memref_slice %arg4[%dma_wait3A_120, %dma_wait3A_121] : memref<16385x128xf32, #tpu.memory_space<hbm>> -> memref<16385x128xf32, #tpu.memory_space<hbm>>
      tpu.wait_indirect_dma semaphore(%arg13 : memref<!tpu.dma_semaphore, #tpu.memory_space<semaphore_mem>>) src(%dma_wait3A_116 : memref<64x128xf32, #tpu.memory_space<vmem>>) dst(%dma_wait3A_122 : memref<16385x128xf32, #tpu.memory_space<hbm>>)
    } else {
    }
    %gt3A = arith.constant 0 : i32
    %gt3A_108 = arith.cmpi sgt, %scan3A_102#0, %gt3A : i32
    %convert_element_type3A_109 = arith.extui %gt3A_108 : i1 to i32
    %cond3A_110 = arith.constant 0 : i32
    %cond3A_111 = arith.cmpi ne, %convert_element_type3A_109, %cond3A_110 : i32
    scf.if %cond3A_111 {
      %dma_start3A = arith.constant 0 : i32
      %dma_start3A_112 = arith.constant 0 : i32
      %dma_start3A_113 = tpu.memref_slice %arg10[%scan3A_102#1, %dma_start3A, %dma_start3A_112] : memref<2x64x128xf32, #tpu.memory_space<vmem>> -> memref<1x64x128xf32, #tpu.memory_space<vmem>>
      %dma_start3A_114 = tpu.memref_squeeze %dma_start3A_113 : memref<1x64x128xf32, #tpu.memory_space<vmem>> -> memref<64x128xf32, #tpu.memory_space<vmem>>
      %dma_start3A_115 = arith.constant 0 : i32
      %dma_start3A_116 = tpu.memref_slice %arg11[%scan3A_102#1, %dma_start3A_115] : memref<2x64xi32, #tpu.memory_space<vmem>> -> memref<1x64xi32, #tpu.memory_space<vmem>>
      %dma_start3A_117 = tpu.memref_squeeze %dma_start3A_116 : memref<1x64xi32, #tpu.memory_space<vmem>> -> memref<64xi32, #tpu.memory_space<vmem>>
      %dma_start3A_118 = arith.constant 0 : i32
      %dma_start3A_119 = arith.constant 0 : i32
      %dma_start3A_120 = tpu.memref_slice %arg4[%dma_start3A_118, %dma_start3A_119] : memref<16385x128xf32, #tpu.memory_space<hbm>> -> memref<16385x128xf32, #tpu.memory_space<hbm>>
      tpu.enqueue_indirect_dma source(%dma_start3A_114 : memref<64x128xf32, #tpu.memory_space<vmem>>) target(%dma_start3A_120 : memref<16385x128xf32, #tpu.memory_space<hbm>>) offsets(%dma_start3A_117 : memref<64xi32, #tpu.memory_space<vmem>>) semaphore(%arg13 : memref<!tpu.dma_semaphore, #tpu.memory_space<semaphore_mem>>)
      %dma_wait3A = arith.constant 0 : i32
      %dma_wait3A_121 = arith.constant 0 : i32
      %dma_wait3A_122 = arith.constant 0 : i32
      %dma_wait3A_123 = arith.constant 0 : i32
      %dma_wait3A_124 = tpu.memref_slice %arg10[%dma_wait3A, %dma_wait3A_122, %dma_wait3A_123] : memref<2x64x128xf32, #tpu.memory_space<vmem>> -> memref<1x64x128xf32, #tpu.memory_space<vmem>>
      %dma_wait3A_125 = tpu.memref_squeeze %dma_wait3A_124 : memref<1x64x128xf32, #tpu.memory_space<vmem>> -> memref<64x128xf32, #tpu.memory_space<vmem>>
      %dma_wait3A_126 = arith.constant 0 : i32
      %dma_wait3A_127 = tpu.memref_slice %arg11[%dma_wait3A_121, %dma_wait3A_126] : memref<2x64xi32, #tpu.memory_space<vmem>> -> memref<1x64xi32, #tpu.memory_space<vmem>>
      %dma_wait3A_128 = tpu.memref_squeeze %dma_wait3A_127 : memref<1x64xi32, #tpu.memory_space<vmem>> -> memref<64xi32, #tpu.memory_space<vmem>>
      %dma_wait3A_129 = arith.constant 0 : i32
      %dma_wait3A_130 = arith.constant 0 : i32
      %dma_wait3A_131 = tpu.memref_slice %arg4[%dma_wait3A_129, %dma_wait3A_130] : memref<16385x128xf32, #tpu.memory_space<hbm>> -> memref<16385x128xf32, #tpu.memory_space<hbm>>
      tpu.wait_indirect_dma semaphore(%arg13 : memref<!tpu.dma_semaphore, #tpu.memory_space<semaphore_mem>>) src(%dma_wait3A_125 : memref<64x128xf32, #tpu.memory_space<vmem>>) dst(%dma_wait3A_131 : memref<16385x128xf32, #tpu.memory_space<hbm>>)
    } else {
    }
    return
  }
}

</mosaic_0001>

<sc_bundles>
// kernel: kernel.3.cloned.1.call-start
scs
__scs_entry_jumppad:
0x0: {  	(pc) =	sbr.rel $0x88, $3  }
0x1: {  	(tag) =	ssettag $0x0;
	lr =	simm.s32 $0x1  }
0x2: {  	[smem:$0x3F9F] =	sst lr;
	_ =	strace $0xD0000000  }
0x3: {  	_ = 	snop  }
0x4: {  	_ = 	snop  }
0x5: {  	_ = 	snop  }
0x6: {  	_ = 	snop  }
0x7: {  	_ = 	snop  }
__scs_overlays_trampoline_lowered:
0x8: {  	[smem:$0x3FAE] =	sst s0  }
0x9: {  	[smem:$0x3FAF] =	sst s1  }
0xa: {  	[smem:$0x3FB0] =	sst s2  }
0xb: {  	[smem:$0x3FB1] =	sst s3  }
0xc: {  	[smem:$0x3FB2] =	sst s4  }
0xd: {  	[smem:$0x3FB3] =	sst s5  }
0xe: {  	[smem:$0x3FB4] =	sst s6  }
0xf: {  	[smem:$0x3FB5] =	sst s7  }
0x10: {  	[smem:$0x3FB6] =	sst s8  }
0x11: {  	[smem:$0x3FB7] =	sst s9;
	s0 =	simm.s32 @!p0 $0x0  }
0x12: {  	s1 =	sld [smem:$0x3F9D];
	s0 =	simm.s32 @p0 $0x1  }
0x13: {  	[smem:$0x3FB8] =	sst s0;
	s0 =	simm.s32 @!p1 $0x0  }
0x14: {  	s2 =	sld [smem:$0x3F9C];
	s0 =	simm.s32 @p1 $0x1  }
0x15: {  	[smem:$0x3FB9] =	sst s0;
	s0 =	simm.s32 @!p2 $0x0  }
0x16: {  	s3 =	sld [smem:$0x3FDB];
	s0 =	simm.s32 @p2 $0x1  }
0x17: {  	s4 =	simm.s32 $0x1BF5;
	[smem:$0x3FBB] =	sst s0  }
0x18: {  	s0 =	sld [smem:$0x3F9E];
	_ =	swait.ge [sflag:s4], $0x0  }
0x19: {  	s7 =	sld [smem:$0x3F9F]  }
0x1a: {  	s8 =	sadd.s32 $0xFFFFE003, lr  }
0x1b: {  	s9 =	sadd.s32 $0xFFFFFEF7, lr;
	s5 =	simm.s32 $0xFFFFFFFF;
	p2 =	slt.u32 s8, $0xFFFFF086  }
0x1c: {  	p1 =	slt.u32 s9, $0xF7A;
	s5 =	simm.s32 @!p2 $0x0  }
0x1d: {  	s5 =	simm.s32 @p1 $0x1;
	p0 =	seq.s32 s7, s2  }
0x1e: {  	s7 =	smul.u32 @!p0 $0xF7A, s2;
	p2 =	seq.s32 @!p0 s5, $0x0  }
0x1f: {  	s9 =	smul.u32 $0xF7A, s1;
	s8 =	simm.s32 @!p0 $0x1BF5;
	p2 =	por !p2, p0  }
0x20: {  	[sflag:s8] =	ssyncset.s32 @!p0 $0xFFFFF086;
	s6 =	sadd.s32 @!p0 s3, s7;
	s7 =	simm.s32 @!p0 $0x108  }
0x21: {  	s3 =	sadd.s32 s3, s9;
	s6 =	sadd.s32 @!p0 $0x88, s6;
	s7 =	simm.s32 @p2 $0x1082  }
0x22: {  	[simem:s7], [sflag:s8] =	dma.local @!p0 [hbm:s6], $0xF7A  }
0x23: {  	s9 =	sor.u32 $0xD0000000, s2;
	s6 =	simm.s32 $0x108;
	_ =	swait.ge @!p0 [sflag:s8], $0x0  }
0x24: {  	s3 =	sadd.s32 $0x88, s3;
	s6 =	simm.s32 @!p1 $0x1082;
	[sflag:s4] =	ssyncset.s32 $0xFFFFF086  }
0x25: {  	[simem:s6], [sflag:s4] =	dma.local [hbm:s3], $0xF7A  }
0x26: {  	[smem:$0x3F9F] =	sst s1;
	(tag) =	ssettag s2;
	_ =	strace s9  }
0x27: {  	s1 =	sld [smem:$0x3FAF]  }
0x28: {  	s2 =	sld [smem:$0x3FB0]  }
0x29: {  	s4 =	sld [smem:$0x3FB2]  }
0x2a: {  	p0 =	seq.s32 s5, $0x0;
	s5 =	sld [smem:$0x3FB3]  }
0x2b: {  	s6 =	sld [smem:$0x3FB4]  }
0x2c: {  	s7 =	sld [smem:$0x3FB5]  }
0x2d: {  	s3 =	simm.s32 $0x108;
	s8 =	sld [smem:$0x3FB6]  }
0x2e: {  	s3 =	simm.s32 @!p0 $0x1082;
	s9 =	sld [smem:$0x3FB7]  }
0x2f: {  	lr =	sadd.s32 s0, s3;
	s0 =	sld [smem:$0x3FAE]  }
0x30: {  	s3 =	sld [smem:$0x3FB1]  }
0x31: {  	[smem:$0x3FBA] =	sst s10  }
0x32: {  	s10 =	sld [smem:$0x3FB8];
	_ =	sdelay $0x3  }
0x33: {  	p0 =	seq.s32 s10, $0x1;
	s10 =	sld [smem:$0x3FBA];
	_ =	sdelay $0x3  }
0x34: {  	[smem:$0x3FBA] =	sst s10  }
0x35: {  	s10 =	sld [smem:$0x3FB9];
	_ =	sdelay $0x3  }
0x36: {  	p1 =	seq.s32 s10, $0x1;
	s10 =	sld [smem:$0x3FBA];
	_ =	sdelay $0x3  }
0x37: {  	[smem:$0x3FBA] =	sst s10  }
0x38: {  	s10 =	sld [smem:$0x3FBB]  }
0x39: {  	_ = 	snop;
	(pc) =	sbr.ind lr, $3  }
0x3a: {  	_ = 	snop  }
0x3b: {  	_ = 	snop  }
0x3c: {  	p2 =	seq.s32 s10, $0x1;
	s10 =	sld [smem:$0x3FBA]  }
0x3d: {  	_ =	shalt  }
0x3e: {  	_ =	shalt  }
0x3f: {  	_ =	shalt  }
0x40: {  	_ =	shalt  }
0x41: {  	_ =	shalt  }
0x42: {  	_ =	shalt  }
0x43: {  	_ =	shalt  }
0x44: {  	_ =	shalt  }
0x45: {  	_ =	shalt  }
0x46: {  	_ =	shalt  }
0x47: {  	_ =	shalt  }
0x48: {  	_ =	shalt  }
0x49: {  	_ =	shalt  }
0x4a: {  	_ =	shalt  }
0x4b: {  	_ =	shalt  }
0x4c: {  	_ =	shalt  }
0x4d: {  	_ =	shalt  }
0x4e: {  	_ =	shalt  }
0x4f: {  	_ =	shalt  }
0x50: {  	_ =	shalt  }
0x51: {  	_ =	shalt  }
0x52: {  	_ =	shalt  }
0x53: {  	_ =	shalt  }
0x54: {  	_ =	shalt  }
0x55: {  	_ =	shalt  }
0x56: {  	_ =	shalt  }
0x57: {  	_ =	shalt  }
0x58: {  	_ =	shalt  }
0x59: {  	_ =	shalt  }
0x5a: {  	_ =	shalt  }
0x5b: {  	_ =	shalt  }
0x5c: {  	_ =	shalt  }
0x5d: {  	_ =	shalt  }
0x5e: {  	_ =	shalt  }
0x5f: {  	_ =	shalt  }
0x60: {  	_ =	shalt  }
0x61: {  	_ =	shalt  }
0x62: {  	_ =	shalt  }
0x63: {  	_ =	shalt  }
0x64: {  	_ =	shalt  }
0x65: {  	_ =	shalt  }
0x66: {  	_ =	shalt  }
0x67: {  	_ =	shalt  }
0x68: {  	_ =	shalt  }
0x69: {  	_ =	shalt  }
0x6a: {  	_ =	shalt  }
0x6b: {  	_ =	shalt  }
0x6c: {  	_ =	shalt  }
0x6d: {  	_ =	shalt  }
0x6e: {  	_ =	shalt  }
0x6f: {  	_ =	shalt  }
0x70: {  	_ =	shalt  }
0x71: {  	_ =	shalt  }
0x72: {  	_ =	shalt  }
0x73: {  	_ =	shalt  }
0x74: {  	_ =	shalt  }
0x75: {  	_ =	shalt  }
0x76: {  	_ =	shalt  }
0x77: {  	_ =	shalt  }
0x78: {  	_ =	shalt  }
0x79: {  	_ =	shalt  }
0x7a: {  	_ =	shalt  }
0x7b: {  	_ =	shalt  }
0x7c: {  	_ =	shalt  }
0x7d: {  	_ =	shalt  }
0x7e: {  	_ =	shalt  }
0x7f: {  	_ =	shalt  }
0x80: {  	_ =	shalt  }
0x81: {  	_ =	shalt  }
0x82: {  	_ =	shalt  }
0x83: {  	_ =	shalt  }
0x84: {  	_ =	shalt  }
0x85: {  	_ =	shalt  }
0x86: {  	_ =	shalt  }
0x87: {  	_ =	shalt  }
.Lfunc_end0:
.L_simem_size_0:
called_computation_lowered:
.L_overlay_start_0:
0x88: {  	s2 =	sld [smem:$0x3FD9]  }
0x89: {  	s3 =	sld [smem:$0x3FFE];
	_ =	sdelay $0x1  }
0x8a: {  	s1 =	srdreg.scid  }
0x8b: {  	s0 =	sand.u32 $0x1, s1  }
0x8c: {  	s17 =	sshll.u32 s0, $0xA;
	s2 =	sadd.s32 s3, s2  }
0x8d: {  	s2 =	sadd.s32 s2, s17  }
0x8e: {  	[smem:$0x3FC6] =	sst s2  }
0x8f: {  	_ = 	snop  }
0x90: {  	s2 =	sld [smem:$0x3FC9]  }
0x91: {  	s18 =	sld [smem:$0x3FC8];
	(tm) =	ssettm $0x1  }
0x92: {  	s4 =	sld [smem:$0x3FFB];
	_ =	sdelay $0x3  }
0x93: {  	_ =	strace s4  }
0x94: {  	s4 =	sld [smem:$0x3FFC];
	_ =	sdelay $0x3  }
0x95: {  	_ =	strace s4  }
0x96: {  	s4 =	sld [smem:$0x3FFD];
	_ =	sdelay $0x3  }
0x97: {  	_ =	strace s4  }
0x98: {  	_ =	strace $0x8FFFFFFF  }
0x99: {  	s19 =	sld [smem:$0x3FDB];
	_ =	sdelay $0x1  }
0x9a: {  	s5 =	simm.s32 $_scs_section_size  }
0x9b: {  	s6 =	simm.s32 $_size__tile_overlayer_lowered;
	s7 =	simm.s32 $_tile_overlayer_lowered  }
0x9c: {  	s22 =	simm.s32 $0x1BFF;
	s21 =	sshll.u32 s7, $0x1;
	s4 =	sadd.s32 s5, s19  }
0x9d: {  	s8 =	simm.s32 $0x0;
	s20 =	sshll.u32 s6, $0x1;
	s6 =	sadd.s32 s21, s4  }
0x9e: {  	[timem:s8], [sflag:s22] =	dma.local [hbm:s6], s20  }
0x9f: {  	_ =	swait.ge [sflag:s22], s20  }
0xa0: {  	s5 =	ssub.s32 $0x0, s20;
	[sflag:s22] =	ssyncset.done $0x0  }
0xa1: {  	[sflag:s22] =	ssyncadd.s32 s5;
	_ =	sdelay $0x1  }
0xa2: {  	s23 =	simm.s32 $0x1B8B  }
0xa3: {  	_ =	swait.ge [sflag:s23], $0x1  }
0xa4: {  	[sflag:s23] =	ssyncset.done $0x0  }
0xa5: {  	s25 =	simm.s32 $0x1B8E;
	s24 =	sld [smem:$0x3FFE];
	[sflag:s23] =	ssyncadd.s32 $0xFFFFFFFF  }
0xa6: {  	s26 =	simm.s32 $execute0_lowered;
	[smem:$0x3FD2] =	sst s25  }
0xa7: {  	s6 =	sshll.u32 s26, $0x1;
	_ =	strace $0x80000046;
	[dreg:$0x1] =	wrdreg $0xFFFFFFFF  }
0xa8: {  	s28 =	simm.s32 $_size_execute0_lowered;
	s4 =	sadd.s32 s4, s6;
	[dreg:$0x0] =	wrdreg $0x0  }
0xa9: {  	s6 =	sshll.u32 s28, $0x1;
	[dreg:$0x2] =	wrdreg s4  }
0xaa: {  	[dreg:$0x3] =	wrdreg s6  }
0xab: {  	[dreg:$0x4] =	wrdreg $0xC0  }
0xac: {  	_ =	task [dreg:s8], $0x5FFFF  }
0xad: {  	[dreg:$0x1] =	wrdreg $0xFFFFFFFF  }
0xae: {  	[dreg:$0x0] =	wrdreg $0x60  }
0xaf: {  	[dreg:$0x2] =	wrdreg s18  }
0xb0: {  	[dreg:$0x3] =	wrdreg s2  }
0xb1: {  	[dreg:$0x4] =	wrdreg s24  }
0xb2: {  	[dreg:$0x5] =	wrdreg $0x9  }
0xb3: {  	_ =	task.clear_ibuf [dreg:s8], $0x6FFFF;
	_ =	strace $0x90000046  }
0xb4: {  	s29 =	simm.s32 $0x9;
	_ =	strace $0x80000048  }
0xb5: {  	_ =	swait.ge [sflag:s29], $0x1  }
0xb6: {  	[sflag:s29] =	ssyncadd.s32 $0xFFFFFFFF  }
0xb7: {  	_ =	strace $0x90000048  }
0xb8: {  	_ =	sfence  }
0xb9: {  	s30 =	sld [smem:$0x0];
	_ =	sdelay $0x2  }
0xba: {  	s31 =	sshll.u32 s1, $0xD;
	s1 =	sshrl.u32 s1, $0x2  }
0xbb: {  	s3 =	sand.u32 $0x4000, s31;
	s1 =	sadd.s32 s1, s30  }
0xbc: {  	s0 =	sor.u32 s3, s0;
	s1 =	sshll.u32 s1, $0x11  }
0xbd: {  	s0 =	sor.u32 s1, s0  }
0xbe: {  	s0 =	sadd.s32 $0x8F2B, s0  }
0xbf: {  	[sflag:s0] =	ssyncadd.remote.s32 $0x1  }
0xc0: {  	_ =	sfence.sel $0xFFFF  }
0xc1: {  	[dreg:$0x0] =	wrdreg $0xFFFFFFFF;
	(pc) =	sbr.abs _section_cstart, $3  }
0xc2: {  	[dreg:$0x1] =	wrdreg $0xFFFFFFFF  }
0xc3: {  	_ =	task.clear_ibuf [dreg:s8], $0x2FFFF;
	_ =	strace $0x9FFFFFFF  }
0xc4: {  	(tm) =	ssettm $0x7FFFFFFF  }
0xc5: {  	_ =	shalt  }
tec
execute0_lowered:
.L_overlay_start_1:
0x0: {  	(tag) =	ssettag $0x1  }
0x1: {  	v0 =	vimm.s32 $0xB80  }
0x2: {  	vm14 =	vcmask $0x300;
	vm11 =	vcmask $0x704;
	vm12 =	vcmask $0xB08  }
0x3: {  	vm13 =	vcmask $0xF0C;
	vm9 =	vcmask $0x1310;
	vm10 =	vcmask $0x1714  }
0x4: {  	vm8 =	vcmask $0x1B18;
	vm7 =	vcmask $0x1F1C;
	vm6 =	vcmask $0x2320  }
0x5: {  	vm5 =	vcmask $0x2724;
	vm4 =	vcmask $0x2B28;
	vm3 =	vcmask $0x2F2C  }
0x6: {  	vm2 =	vcmask $0x3330;
	vm1 =	vcmask $0x3734;
	vm0 =	vcmask $0x3B38  }
0x7: {  	v13 =	vimm.s32 $0x1B80;
	v14 =	vimm.s32 $0x2B80;
	v15 =	vimm.s32 $0x3B80  }
0x8: {  	s0 =	srdreg.scid;
	s1 =	stileid.u32;
	v0 =	vsel vm14, $0x0, v0;
	v13 =	vsel vm14, $0x1000, v13;
	v14 =	vsel vm14, $0x2000, v14  }
0x9: {  	s5 =	sand.u32 $0x1, s0;
	s24 =	sshll.u32 s1, $0x1;
	v15 =	vsel vm14, $0x3000, v15;
	v0 =	vsel vm11, $0x80, v0;
	v13 =	vsel vm11, $0x1080, v13  }
0xa: {  	s3 =	sor.u32 s5, s24;
	v14 =	vsel vm11, $0x2080, v14;
	v15 =	vsel vm11, $0x3080, v15;
	v0 =	vsel vm12, $0x100, v0  }
0xb: {  	s8 =	smul.u32 $0x7C00, s3;
	v13 =	vsel vm12, $0x1100, v13;
	v14 =	vsel vm12, $0x2100, v14;
	v15 =	vsel vm12, $0x3100, v15  }
0xc: {  	v1 =	vsel vm13, $0x180, v0;
	v13 =	vsel vm13, $0x1180, v13;
	v14 =	vsel vm13, $0x2180, v14  }
0xd: {  	v15 =	vsel vm13, $0x3180, v15;
	v0 =	vmov s8;
	v2 =	vsel vm9, $0x200, v1  }
0xe: {  	s1 =	smul.u32 $0x7C, s3;
	v13 =	vsel vm9, $0x1200, v13;
	v14 =	vsel vm9, $0x2200, v14;
	v15 =	vsel vm9, $0x3200, v15  }
0xf: {  	v3 =	vsel vm10, $0x280, v2;
	v2 =	vimm.s32 $0x0;
	v13 =	vsel vm10, $0x1280, v13  }
0x10: {  	s25 =	smin.u32 s1, $0xEC7;
	v14 =	vsel vm10, $0x2280, v14;
	v15 =	vsel vm10, $0x3280, v15;
	v4 =	vsel vm8, $0x300, v3  }
0x11: {  	s2 =	sadd.s32 $0x7C, s25;
	v3 =	vlaneseq.u32;
	v13 =	vsel vm8, $0x1300, v13;
	v14 =	vsel vm8, $0x2300, v14  }
0x12: {  	s26 =	sshll.u32 s2, $0x8;
	v15 =	vsel vm8, $0x3300, v15;
	v5 =	vsel vm7, $0x380, v4;
	v4 =	vimm.s32 $0x4000  }
0x13: {  	s3 =	smin.u32 s26, $0xF4240;
	v11 =	vor.u32 $0xB0, v3;
	v13 =	vsel vm7, $0x1380, v13;
	v14 =	vsel vm7, $0x2380, v14  }
0x14: {  	v15 =	vsel vm7, $0x3380, v15;
	v1 =	vmov s3;
	v6 =	vsel vm6, $0x800, v5  }
0x15: {  	v5 =	vor.u32 $0x10, v3;
	v13 =	vsel vm6, $0x1800, v13;
	v14 =	vsel vm6, $0x2800, v14  }
0x16: {  	s4 =	rddreg [dreg:$0x2];
	v15 =	vsel vm6, $0x3800, v15;
	v7 =	vsel vm5, $0x880, v6;
	v6 =	vor.u32 $0x20, v3  }
0x17: {  	s6 =	simm.s32 $0x0;
	s13 =	simm.s32 $0x4000;
	s14 =	simm.s32 $0x8400;
	v13 =	vsel vm5, $0x1880, v13;
	v14 =	vsel vm5, $0x2880, v14;
	v15 =	vsel vm5, $0x3880, v15  }
0x18: {  	s15 =	simm.s32 $0x8480;
	s16 =	simm.s32 $0x1C500;
	s5 =	ssub.s32 $0x2, s5;
	v8 =	vsel vm4, $0x900, v7;
	v7 =	vor.u32 $0x30, v3;
	v13 =	vsel vm4, $0x1900, v13  }
0x19: {  	s18 =	simm.s32 $0x18500;
	s19 =	simm.s32 $0x0;
	s28 =	sshrl.u32 s5, $0x1;
	v14 =	vsel vm4, $0x2900, v14;
	v15 =	vsel vm4, $0x3900, v15;
	v9 =	vsel vm3, $0x980, v8  }
0x1a: {  	[smem:$0x7FF] =	sst s6;
	s7 =	sadd.s32 $0x400, s4;
	s4 =	ssub.s32 s5, s28;
	v8 =	vor.u32 $0x80, v3;
	v13 =	vsel vm3, $0x1980, v13;
	v14 =	vsel vm3, $0x2980, v14  }
.Ltmp0:
0x1b: {  	s17 =	sor.u32 $0x1, s1;
	s31 =	smax.u32 s4, $0x1;
	v15 =	vsel vm3, $0x3980, v15;
	v10 =	vsel vm2, $0xA00, v9;
	v9 =	vor.u32 $0x90, v3;
	(pc) =	sbr.rel .LBB2_1-.Ltmp0, $4  }
0x1c: {  	s9 =	sshll.u32 s17, $0x8;
	s10 =	sadd.s32 $0x7B, s25;
	s3 =	rddreg [dreg:$0x0];
	v13 =	vsel vm2, $0x1A00, v13;
	v14 =	vsel vm2, $0x2A00, v14;
	v15 =	vsel vm2, $0x3A00, v15  }
0x1d: {  	_ =	strace $0x80000047;
	[dreg:$0x6] =	wrdreg s31;
	s29 =	sadd.s32 s3, s8;
	v12 =	vsel vm1, $0xA80, v10;
	v10 =	vor.u32 $0xA0, v3;
	v13 =	vsel vm1, $0x1A80, v13  }
0x1e: {  	p0 =	sge.u32 s1, s2;
	s30 =	sadd.s32 s3, s9;
	[dreg:$0x4] =	wrdreg s29;
	v14 =	vsel vm1, $0x2A80, v14;
	v15 =	vsel vm1, $0x3A80, v15;
	v12 =	vsel vm0, $0xB00, v12  }
0x1f: {  	p1 =	sge.u32 s17, s2;
	s17 =	simm.s32 $0x8500;
	[dreg:$0x5] =	wrdreg s30;
	v13 =	vsel vm0, $0x1B00, v13;
	v14 =	vsel vm0, $0x2B00, v14;
	v15 =	vsel vm0, $0x3B00, v15  }
.LBB2_38:
0x20: {  	p3 =	sne.s32 s21, $0x1  }
0x21: {  	s4 =	simm.s32 @!p3 $0x2  }
0x22: {  	p2 =	slt.s32 s20, $0x1;
	_ =	swait.ge @!p3 [sflag:s4], $0x2000  }
0x23: {  	s5 =	sshll.u32 @!p2 s0, $0xD;
	s0 =	sshll.u32 @!p2 s0, $0x7;
	[sflag:s4] =	ssyncset.done @!p3 $0x0  }
0x24: {  	s0 =	sand.u32 @!p2 $0x3FFFFF80, s0;
	[sflag:s4] =	ssyncadd.s32 @!p3 $0xFFFFE000;
	s4 =	sand.u32 @!p2 $0x3FFFE000, s5  }
0x25: {  	s0 =	sadd.s32 @!p2 $0x1C500, s0;
	s5 =	simm.s32 @!p2 $0x40;
	s4 =	sadd.s32 @!p2 $0x18500, s4  }
0x26: {  	[hbm4b:s7+s5] =	stream.indirect.scatter @!p2 [tilespmem:s4], [sflag:$0x2], $0x80, s0, s5, $0xb8;
	[tilespmem:$0x1C600] =	vst v63  }
0x27: {  	s0 =	simm.s32 @!p2 $0x2  }
0x28: {  	_ =	swait.ge @!p2 [sflag:s0], $0x2000  }
0x29: {  	s19 =	sadd.s32 $0x1, s19;
	s31 =	rddreg [dreg:$0x6]  }
0x2a: {  	p3 =	sne.s32 s19, s31  }
.Ltmp1:
0x2b: {  	_ = 	snop;
	(pc) =	sbr.rel @!p3 .LBB2_39-.Ltmp1, $3  }
0x2c: {  	_ =	sdelay $0x1  }
0x2d: {  	[sflag:s0] =	ssyncset.done @!p2 $0x0  }
0x2e: {  	[sflag:s0] =	ssyncadd.s32 @!p2 $0xFFFFE000  }
.LBB2_1:
0x2f: {  	s0 =	rddreg [dreg:$0x1];
	s31 =	simm.s32 $0x3  }
0x30: {  	[tilespmem:s6], [sflag:$0x3] =	stream.linear.gather [hbm4b:s0+s6], $0x4000, $0x38;
	[tilespmem:$0x1C600] =	vst v63  }
0x31: {  	_ =	swait.ge [sflag:s31], $0x4000  }
0x32: {  	[sflag:s31] =	ssyncset.done $0x0  }
0x33: {  	[sflag:s31] =	ssyncadd.s32 $0xFFFFC000  }
0x34: {  	v16 =	vld [tilespmem:s6+$0x0];
	_ =	sdelay $0x4  }
0x35: {  	vm0 =	vge.s32 v16, v0;
	vm1 =	vlt.s32 v16, v1  }
0x36: {  	vm0 =	vmand vm0, vm1  }
0x37: {  	v17 =	vsel vm0, $0x1, v2  }
0x38: {  	(xrf0) =	vadd.scan.msk.s32 $0xffff, v17;
	_ =	sdelay $0x2  }
0x39: {  	v17 =	vmov s6  }
0x3a: {  	v17 =	vadd.s32 $0xFFFFFFFF, v17  }
0x3b: {  	v17 =	vbroadcast v17, $0x0  }
0x3c: {  	v18, _, _ =	vpop (xrf0)  }
0x3d: {  	v17 =	vadd.s32 v18, v17;
	(v2sf) =	vpush v18, $0xF  }
0x3e: {  	v16 =	vsub.s32 v16, v0  }
0x3f: {  	v16 =	vshll.u32 v16, $0xE  }
0x40: {  	v16 =	vadd.s32 s6, v16  }
0x41: {  	v16 =	vadd.s32 v3, v16  }
0x42: {  	s0 =	simm.s32 $0x10;
	[tilespmem:v17+s6+$0x0] =	vst.idx.msk vm0, v16  }
0x43: {  	s4 =	simm.s32 $0x20;
	s5 =	simm.s32 $0x0;
	s20 =	simm.s32 $0x10;
	v16 =	vld [tilespmem:s0+$0x0]  }
.LBB2_2:
0x44: {  	p2 =	sne.s32 s4, $0x3FF0;
	_ =	sdelay $0x3  }
0x45: {  	vm0 =	vge.s32 v16, v0;
	vm1 =	vlt.s32 v16, v1;
	v16 =	vsub.s32 v16, v0  }
0x46: {  	vm0 =	vmand vm0, vm1  }
0x47: {  	v17 =	vsel vm0, $0x1, v2  }
0x48: {  	(xrf0) =	vadd.scan.msk.s32 $0xffff, v17  }
0x49: {  	s21 =	spop (v2sf)  }
0x4a: {  	s5 =	sadd.s32 s5, s21  }
0x4b: {  	v17 =	vmov s5  }
0x4c: {  	v17 =	vadd.s32 $0xFFFFFFFF, v17  }
0x4d: {  	v17 =	vbroadcast v17, $0x0  }
0x4e: {  	v18, _, _ =	vpop (xrf0)  }
0x4f: {  	v17 =	vadd.s32 v18, v17;
	(v2sf) =	vpush v18, $0xF;
	_ =	sdelay $0x1  }
.Ltmp2:
0x50: {  	v16 =	vshll.u32 v16, $0xE;
	(pc) =	sbr.rel @p2 .LBB2_2-.Ltmp2, $4  }
0x51: {  	v16 =	vadd.s32 s0, v16;
	s0 =	smov.u32 s4  }
0x52: {  	v16 =	vadd.s32 v3, v16  }
0x53: {  	s20 =	sadd.s32 $0x10, s20;
	[tilespmem:v17+s6+$0x0] =	vst.idx.msk vm0, v16  }
0x54: {  	s4 =	sadd.s32 $0x10, s4;
	v16 =	vld [tilespmem:s20+$0x0]  }
0x55: {  	_ =	sdelay $0x3  }
0x56: {  	vm0 =	vge.s32 v16, v0;
	vm1 =	vlt.s32 v16, v1  }
0x57: {  	vm0 =	vmand vm0, vm1  }
0x58: {  	v17 =	vsel vm0, $0x1, v2  }
0x59: {  	(xrf0) =	vadd.scan.msk.s32 $0xffff, v17;
	_ =	sdelay $0x5  }
0x5a: {  	v17, _, _ =	vpop (xrf0)  }
0x5b: {  	(v2sf) =	vpush v17, $0xF;
	_ =	sdelay $0xc  }
0x5c: {  	s4 =	spop (v2sf)  }
0x5d: {  	s4 =	sadd.s32 s5, s4  }
0x5e: {  	v18 =	vmov s4;
	s29 =	spop (v2sf)  }
0x5f: {  	v18 =	vadd.s32 $0xFFFFFFFF, v18;
	s4 =	sadd.s32 s4, s29  }
0x60: {  	v18 =	vbroadcast v18, $0x0;
	s5 =	sadd.s32 $0xF, s4  }
0x61: {  	s20 =	sand.u32 $0xF, s5  }
0x62: {  	v17 =	vadd.s32 v17, v18;
	s30 =	sshra.s32 s5, $0x1F;
	p3 =	slt.s32 s5, $0x1;
	p2 =	sne.s32 s20, $0x0  }
.Ltmp3:
0x63: {  	v16 =	vsub.s32 v16, v0;
	s20 =	sshrl.u32 s30, $0x1C;
	p2 =	por !p3, !p2;
	(pc) =	sbr.rel .LBB2_4-.Ltmp3, $4  }
0x64: {  	v16 =	vshll.u32 v16, $0xE;
	s5 =	sadd.s32 s20, s5;
	s20 =	simm.s32 $0x1;
	p2 =	por !p2, !p2  }
0x65: {  	v16 =	vadd.s32 s0, v16;
	s31 =	sshra.s32 s5, $0x4;
	s20 =	simm.s32 @!p2 $0x0  }
0x66: {  	s21 =	simm.s32 $0x0;
	v16 =	vadd.s32 v3, v16;
	s5 =	ssub.s32 s31, s20  }
0x67: {  	s22 =	simm.s32 $0x0;
	[tilespmem:v17+s6+$0x0] =	vst.idx.msk vm0, v16;
	v16 =	vmov s4;
	s20 =	simm.s32 $0x0;
	p2 =	slt.s32 s5, $0x1  }
.LBB2_6:
0x68: {  	s23 =	simm.s32 $0x0;
	s0 =	smov.u32 s21  }
.LBB2_10:
0x69: {  	s4 =	sadd.s32 @p3 $0x10, s23;
	s23 =	simm.s32 $0x0  }
0x6a: {  	s23 =	smov.u32 @p3 s4  }
0x6b: {  	v20 =	vshra.s32 v18, $0x17;
	v19 =	vor.u32 s23, v3  }
0x6c: {  	vm1 =	veq.s32 v20, v17;
	vm0 =	vlt.s32 v19, v16  }
0x6d: {  	vm0 =	vmand vm0, vm1  }
0x6e: {  	v19 =	vsel vm0, $0x1, v2  }
0x6f: {  	(xrf0) =	vadd.scan.msk.s32 $0xffff, v19;
	_ =	sdelay $0x5  }
0x70: {  	v19, _, _ =	vpop (xrf0)  }
0x71: {  	(v2sf) =	vpush v19, $0xF;
	_ =	sdelay $0x3  }
0x72: {  	s4 =	spop @p3 (v2sf)  }
0x73: {  	s0 =	sadd.s32 @p3 s0, s4;
	s4 =	smov.u32 s21  }
0x74: {  	s4 =	smov.u32 @p3 s0  }
0x75: {  	v63 =	vmov s4  }
0x76: {  	v20 =	vadd.s32 $0xFFFFFFFF, v63  }
0x77: {  	v20 =	vbroadcast v20, $0x0;
	_ =	sdelay $0x1  }
0x78: {  	v19 =	vadd.s32 v19, v20;
	_ =	sdelay $0x3  }
0x79: {  	s31 =	spop (v2sf)  }
0x7a: {  	[tilespmem:v19+s13+$0x0] =	vst.idx.msk vm0, v18;
	s0 =	sadd.s32 s4, s31  }
.LBB2_11:
0x7b: {  	s22 =	sadd.s32 $0x1, s22  }
0x7c: {  	p3 =	sne.s32 s22, $0x3E  }
.Ltmp4:
0x7d: {  	_ = 	snop;
	(pc) =	sbr.rel @!p3 .LBB2_12-.Ltmp4, $4  }
0x7e: {  	s0 =	ssub.s32 s0, s21  }
0x7f: {  	v18 =	vmov s21;
	s4 =	sadd.s32 $0xF, s0  }
0x80: {  	[tilespmem:v17+s14+$0x0] =	vst.idx.msk $0x1, v18;
	v18 =	vmov s0;
	s31 =	sand.u32 $0xFFFFFFF0, s4  }
0x81: {  	[tilespmem:v17+s15+$0x0] =	vst.idx.msk $0x1, v18;
	s21 =	sadd.s32 s21, s31  }
.LBB2_4:
.Ltmp5:
0x82: {  	(pc) =	sbr.rel @p2 .LBB2_11-.Ltmp5, $2  }
0x83: {  	_ =	sdelay $0x2  }
0x84: {  	v17 =	vmov s22;
	s0 =	smov.u32 s21  }
0x85: {  	p4 =	sne.s32 s5, $0x1  }
.Ltmp6:
0x86: {  	_ = 	snop;
	(pc) =	sbr.rel @!p4 .LBB2_6-.Ltmp6, $3  }
0x87: {  	_ = 	snop  }
0x88: {  	v18 =	vld [tilespmem:s20+$0x0];
	_ =	sdelay $0x1  }
0x89: {  	s0 =	sadd.s32 $0xFFFFFFFF, s5;
	p3 =	por $0x0, $0x0  }
0x8a: {  	_ =	sdelay $0x1  }
0x8b: {  	v19 =	vor.u32 s20, v3;
	v20 =	vshra.s32 v18, $0x17  }
0x8c: {  	vm0 =	vlt.s32 v19, v16;
	vm1 =	veq.s32 v20, v17  }
0x8d: {  	vm0 =	vmand vm0, vm1  }
0x8e: {  	v19 =	vsel vm0, $0x1, v2  }
0x8f: {  	(xrf0) =	vadd.scan.msk.s32 $0xffff, v19;
	_ =	sdelay $0x2  }
0x90: {  	v19 =	vmov s21  }
0x91: {  	v19 =	vadd.s32 $0xFFFFFFFF, v19  }
0x92: {  	v19 =	vbroadcast v19, $0x0  }
0x93: {  	v20, _, _ =	vpop (xrf0)  }
0x94: {  	v19 =	vadd.s32 v20, v19;
	_ =	sdelay $0x1  }
0x95: {  	(v2sf) =	vpush v20, $0xF  }
0x96: {  	p4 =	sne.s32 s0, $0x1  }
.Ltmp7:
0x97: {  	_ = 	snop;
	(pc) =	sbr.rel @!p4 .LBB2_8-.Ltmp7, $4  }
0x98: {  	s24 =	sadd.s32 $0x10, s20;
	[tilespmem:v19+s13+$0x0] =	vst.idx.msk vm0, v18  }
0x99: {  	v18 =	vld [tilespmem:s24+$0x0]  }
0x9a: {  	s4 =	sadd.s32 $0xFFFFFFFF, s0  }
0x9b: {  	p3 =	por $0x1, $0x1;
	s23 =	simm.s32 $0x0;
	s0 =	smov.u32 s21  }
.LBB2_9:
0x9c: {  	p4 =	sne.s32 s4, $0x1;
	_ =	sdelay $0x2  }
0x9d: {  	s23 =	sadd.s32 $0x10, s23  }
0x9e: {  	v20 =	vshra.s32 v18, $0x17;
	v19 =	vor.u32 s23, v3  }
0x9f: {  	vm1 =	veq.s32 v20, v17;
	vm0 =	vlt.s32 v19, v16  }
0xa0: {  	vm0 =	vmand vm0, vm1  }
0xa1: {  	v19 =	vsel vm0, $0x1, v2  }
0xa2: {  	(xrf0) =	vadd.scan.msk.s32 $0xffff, v19;
	s25 =	spop (v2sf)  }
0xa3: {  	s0 =	sadd.s32 s0, s25  }
0xa4: {  	v19 =	vmov s0  }
0xa5: {  	v19 =	vadd.s32 $0xFFFFFFFF, v19  }
0xa6: {  	v19 =	vbroadcast v19, $0x0;
	_ =	sdelay $0x1  }
0xa7: {  	v20, _, _ =	vpop (xrf0)  }
0xa8: {  	v19 =	vadd.s32 v20, v19;
	(v2sf) =	vpush v20, $0xF;
	_ =	sdelay $0x1  }
.Ltmp8:
0xa9: {  	(pc) =	sbr.rel @p4 .LBB2_9-.Ltmp8, $3  }
0xaa: {  	_ =	sdelay $0x1  }
0xab: {  	s24 =	sadd.s32 $0x10, s24;
	[tilespmem:v19+s13+$0x0] =	vst.idx.msk vm0, v18  }
0xac: {  	s4 =	sadd.s32 $0xFFFFFFFF, s4;
	v18 =	vld [tilespmem:s24+$0x0]  }
.Ltmp9:
0xad: {  	_ = 	snop;
	(pc) =	sbr.rel .LBB2_10-.Ltmp9, $1  }
0xae: {  	_ =	sdelay $0x3  }
.LBB2_8:
.Ltmp10:
0xaf: {  	(pc) =	sbr.rel .LBB2_10-.Ltmp10, $2  }
0xb0: {  	_ =	sdelay $0x2  }
0xb1: {  	s23 =	simm.s32 $0x0;
	s0 =	smov.u32 s21  }
.LBB2_12:
0xb2: {  	_ =	sdelay $0x3  }
0xb3: {  	[tilespmem:v3+s16+$0x0] =	vst.idx.msk $0xffff, v4  }
0xb4: {  	[tilespmem:v5+s16+$0x0] =	vst.idx.msk $0xffff, v4  }
0xb5: {  	[tilespmem:v6+s16+$0x0] =	vst.idx.msk $0xffff, v4  }
0xb6: {  	[tilespmem:v7+s16+$0x0] =	vst.idx.msk $0xffff, v4  }
0xb7: {  	[tilespmem:v8+s16+$0x0] =	vst.idx.msk $0xffff, v4  }
0xb8: {  	[tilespmem:v9+s16+$0x0] =	vst.idx.msk $0xffff, v4  }
0xb9: {  	s0 =	simm.s32 @!p0 $0x800;
	[tilespmem:v10+s16+$0x0] =	vst.idx.msk $0xffff, v4  }
0xba: {  	s4 =	simm.s32 @!p0 $0x7A1400;
	s5 =	simm.s32 @!p0 $0x8500;
	s8 =	rddreg [dreg:$0x4];
	[tilespmem:v11+s16+$0x0] =	vst.idx.msk $0xffff, v4  }
0xbb: {  	[tilespmem:s5], [sflag:$0x1] =	stream.strided.gather @!p0 [hbm4b:s8+s0], $0x4000, s4, s0, $0x38;
	[tilespmem:$0x1C600] =	vst v63  }
.Ltmp11:
0xbc: {  	_ = 	snop;
	(pc) =	sbr.rel .LBB2_13-.Ltmp11, $4  }
0xbd: {  	s21 =	simm.s32 $0x0;
	s0 =	simm.s32 @!p1 $0x800  }
0xbe: {  	s4 =	simm.s32 @!p1 $0x7A1400;
	s5 =	simm.s32 @!p1 $0xC500;
	s8 =	rddreg [dreg:$0x5]  }
0xbf: {  	[tilespmem:s5], [sflag:$0x1] =	stream.strided.gather @!p1 [hbm4b:s8+s0], $0x4000, s4, s0, $0x38;
	[tilespmem:$0x1C600] =	vst v63  }
0xc0: {  	s20 =	simm.s32 $0x0;
	s22 =	simm.s32 $0x0;
	s0 =	simm.s32 $0x0  }
.LBB2_26:
0xc1: {  	s20 =	smov.u32 @p2 s20;
	s0 =	smov.u32 @p2 s0;
	s21 =	smov.u32 @p2 s21  }
.LBB2_37:
0xc2: {  	s22 =	sadd.s32 $0x1, s22  }
0xc3: {  	p2 =	sne.s32 s22, $0x1F  }
.Ltmp12:
0xc4: {  	_ = 	snop;
	(pc) =	sbr.rel @!p2 .LBB2_38-.Ltmp12, $1  }
0xc5: {  	_ =	sdelay $0x3  }
.LBB2_13:
0xc6: {  	s24 =	sshll.u32 s22, $0x2  }
0xc7: {  	s4 =	sadd.s32 s1, s24  }
0xc8: {  	s5 =	sor.u32 $0x2, s4  }
0xc9: {  	p2 =	sge.u32 s5, s2  }
0xca: {  	s5 =	sshll.u32 @!p2 s5, $0x8  }
0xcb: {  	s23 =	simm.s32 @!p2 $0x800;
	s5 =	smin.u32 @!p2 s5, $0xF4180  }
0xcc: {  	s25 =	simm.s32 @!p2 $0x7A1400;
	s26 =	simm.s32 @!p2 $0x10500;
	s5 =	sadd.s32 @!p2 s3, s5  }
0xcd: {  	[tilespmem:s26], [sflag:$0x1] =	stream.strided.gather @!p2 [hbm4b:s5+s23], $0x4000, s25, s23, $0x38;
	[tilespmem:$0x1C600] =	vst v63  }
0xce: {  	s5 =	sor.u32 $0x3, s4  }
0xcf: {  	p2 =	sge.u32 s5, s2  }
0xd0: {  	s5 =	sshll.u32 @!p2 s5, $0x8  }
0xd1: {  	s23 =	simm.s32 @!p2 $0x800;
	s5 =	smin.u32 @!p2 s5, $0xF4180  }
0xd2: {  	s25 =	simm.s32 @!p2 $0x7A1400;
	s26 =	simm.s32 @!p2 $0x14500;
	s5 =	sadd.s32 @!p2 s3, s5  }
0xd3: {  	[tilespmem:s26], [sflag:$0x1] =	stream.strided.gather @!p2 [hbm4b:s5+s23], $0x4000, s25, s23, $0x38;
	[tilespmem:$0x1C600] =	vst v63  }
0xd4: {  	p2 =	sge.u32 s4, s2  }
0xd5: {  	s5 =	sshll.u32 @!p2 s22, $0x1  }
0xd6: {  	s23 =	simm.s32 @!p2 $0x1;
	v16 =	vmov @!p2 s5  }
0xd7: {  	_ =	swait.ge @!p2 [sflag:s23], $0x4000;
	v16 =	vbroadcast @!p2 v16, $0x0  }
0xd8: {  	p3 =	sge.u32 s4, s10;
	[sflag:s23] =	ssyncset.done @!p2 $0x0  }
0xd9: {  	s4 =	simm.s32 @!p3 $0x1;
	[sflag:s23] =	ssyncadd.s32 @!p2 $0xFFFFC000  }
0xda: {  	_ =	swait.ge @!p3 [sflag:s4], $0x4000  }
0xdb: {  	[sflag:s4] =	ssyncset.done @!p3 $0x0  }
0xdc: {  	[sflag:s4] =	ssyncadd.s32 @!p3 $0xFFFFC000;
	s4 =	simm.s32 @!p2 $0x8480  }
0xdd: {  	v17 =	vld.idx.msk @!p2 [tilespmem:v16+s4+$0x0], $0xffff;
	_ =	sdelay $0x4  }
0xde: {  	(v2sf) =	vpush @!p2 v17, $0x0;
	_ =	sdelay $0xe  }
0xdf: {  	s25 =	spop @!p2 (v2sf)  }
0xe0: {  	s4 =	sadd.s32 @!p2 $0xF, s25  }
0xe1: {  	s26 =	sshra.s32 @!p2 s4, $0x4  }
0xe2: {  	p3 =	slt.s32 @!p2 s26, $0x1  }
0xe3: {  	p3 =	por p2, p3  }
.Ltmp13:
0xe4: {  	_ = 	snop;
	(pc) =	sbr.rel @p3 .LBB2_14-.Ltmp13, $3  }
0xe5: {  	_ =	sdelay $0x1  }
0xe6: {  	s4 =	simm.s32 @!p2 $0x8400  }
0xe7: {  	v16 =	vld.idx.msk @!p2 [tilespmem:v16+s4+$0x0], $0xffff  }
0xe8: {  	_ =	sdelay $0x3  }
0xe9: {  	(v2sf) =	vpush v16, $0x0;
	_ =	sdelay $0xc  }
.Ltmp14:
0xea: {  	_ = 	snop;
	(pc) =	sbr.rel .LBB2_16-.Ltmp14, $4  }
0xeb: {  	_ = 	snop  }
0xec: {  	s4 =	spop (v2sf)  }
0xed: {  	s4 =	sadd.s32 $0x4000, s4  }
0xee: {  	s28 =	simm.s32 $0x0;
	s29 =	smov.u32 s25;
	s30 =	simm.s32 $0x0;
	v16 =	vmov s4  }
.LBB2_14:
0xef: {  	s20 =	smov.u32 @p2 s20;
	s0 =	smov.u32 @p2 s0;
	s21 =	smov.u32 @p2 s21  }
.LBB2_25:
0xf0: {  	s4 =	sor.u32 $0x2, s24  }
0xf1: {  	s5 =	sadd.s32 s1, s4  }
0xf2: {  	s8 =	sadd.s32 $0x2, s5  }
0xf3: {  	p2 =	sge.u32 s8, s2  }
0xf4: {  	s8 =	sshll.u32 @!p2 s8, $0x8  }
0xf5: {  	s9 =	simm.s32 @!p2 $0x800;
	s8 =	smin.u32 @!p2 s8, $0xF4180  }
0xf6: {  	s11 =	simm.s32 @!p2 $0x7A1400;
	s12 =	simm.s32 @!p2 $0x8500;
	s8 =	sadd.s32 @!p2 s3, s8  }
0xf7: {  	[tilespmem:s12], [sflag:$0x1] =	stream.strided.gather @!p2 [hbm4b:s8+s9], $0x4000, s11, s9, $0x38;
	[tilespmem:$0x1C600] =	vst v63  }
0xf8: {  	s8 =	sadd.s32 $0x3, s5  }
0xf9: {  	p2 =	sge.u32 s8, s2  }
0xfa: {  	s8 =	sshll.u32 @!p2 s8, $0x8  }
0xfb: {  	s9 =	simm.s32 @!p2 $0x800;
	s8 =	smin.u32 @!p2 s8, $0xF4180  }
0xfc: {  	s11 =	simm.s32 @!p2 $0x7A1400;
	s12 =	simm.s32 @!p2 $0xC500;
	s8 =	sadd.s32 @!p2 s3, s8  }
0xfd: {  	[tilespmem:s12], [sflag:$0x1] =	stream.strided.gather @!p2 [hbm4b:s8+s9], $0x4000, s11, s9, $0x38;
	[tilespmem:$0x1C600] =	vst v63  }
0xfe: {  	p2 =	sge.u32 s5, s2  }
0xff: {  	s8 =	simm.s32 @!p2 $0x1  }
0x100: {  	s4 =	sshrl.u32 @!p2 s4, $0x1;
	_ =	swait.ge @!p2 [sflag:s8], $0x4000  }
0x101: {  	p3 =	sge.u32 s5, s10;
	v16 =	vmov @!p2 s4;
	[sflag:s8] =	ssyncset.done @!p2 $0x0  }
0x102: {  	s4 =	simm.s32 @!p3 $0x1;
	[sflag:s8] =	ssyncadd.s32 @!p2 $0xFFFFC000  }
0x103: {  	_ =	swait.ge @!p3 [sflag:s4], $0x4000  }
0x104: {  	[sflag:s4] =	ssyncset.done @!p3 $0x0  }
0x105: {  	[sflag:s4] =	ssyncadd.s32 @!p3 $0xFFFFC000;
	s4 =	simm.s32 @!p2 $0x8480  }
0x106: {  	v17 =	vld.idx.msk @!p2 [tilespmem:v16+s4+$0x0], $0xffff;
	_ =	sdelay $0x4  }
0x107: {  	(v2sf) =	vpush @!p2 v17, $0x0;
	_ =	sdelay $0xe  }
0x108: {  	s24 =	spop @!p2 (v2sf)  }
0x109: {  	s4 =	sadd.s32 @!p2 $0xF, s24  }
0x10a: {  	s25 =	sshra.s32 @!p2 s4, $0x4  }
0x10b: {  	p3 =	slt.s32 @!p2 s25, $0x1  }
0x10c: {  	p3 =	por p2, p3  }
.Ltmp15:
0x10d: {  	_ = 	snop;
	(pc) =	sbr.rel @p3 .LBB2_26-.Ltmp15, $3  }
0x10e: {  	_ =	sdelay $0x1  }
0x10f: {  	s4 =	simm.s32 @!p2 $0x8400  }
0x110: {  	v16 =	vld.idx.msk @!p2 [tilespmem:v16+s4+$0x0], $0xffff  }
0x111: {  	_ =	sdelay $0x3  }
0x112: {  	(v2sf) =	vpush v16, $0x0;
	_ =	sdelay $0xc  }
.Ltmp16:
0x113: {  	_ = 	snop;
	(pc) =	sbr.rel .LBB2_28-.Ltmp16, $4  }
0x114: {  	_ = 	snop  }
0x115: {  	s4 =	spop (v2sf)  }
0x116: {  	s4 =	sadd.s32 $0x4000, s4  }
0x117: {  	s26 =	simm.s32 $0x0;
	s28 =	smov.u32 s24;
	s29 =	simm.s32 $0x0;
	v16 =	vmov s4  }
.LBB2_18:
0x118: {  	_ = 	snop  }
.LBB2_23:
0x119: {  	_ =	sdelay $0x2  }
0x11a: {  	p2 =	por p3, !p2  }
0x11b: {  	[tilespmem:v25+s4+$0x0] =	vst.idx.msk @!p2 $0xffff, v27  }
0x11c: {  	[tilespmem:v24+s4+$0x0] =	vst.idx.msk @!p2 $0xffff, v27  }
0x11d: {  	v17 =	vshll.u32 v20, $0xD;
	v18 =	vshll.u32 v21, $0x7;
	[tilespmem:v26+s4+$0x0] =	vst.idx.msk @!p2 $0xffff, v27  }
0x11e: {  	v17 =	vadd.s32 v18, v17;
	[tilespmem:v28+s4+$0x0] =	vst.idx.msk @!p2 $0xffff, v27  }
0x11f: {  	v18 =	vor.u32 v3, v17;
	v23 =	vld.idx.msk [tilespmem:v23+s17+$0x0], $0xffff  }
0x120: {  	v59 =	vadd.s32 v13, v19;
	_ =	sdelay $0x3  }
0x121: {  	[tilespmem:v18+s18+$0x0] =	vst.idx.msk $0xffff, v23  }
0x122: {  	v18 =	vor.u32 v5, v17;
	v23 =	vld.idx.msk [tilespmem:v59+s17+$0x0], $0xffff  }
0x123: {  	v60 =	vadd.s32 v14, v19;
	_ =	sdelay $0x3  }
0x124: {  	[tilespmem:v18+s18+$0x0] =	vst.idx.msk $0xffff, v23  }
0x125: {  	v18 =	vor.u32 v6, v17;
	v23 =	vld.idx.msk [tilespmem:v60+s17+$0x0], $0xffff  }
0x126: {  	v19 =	vadd.s32 v15, v19;
	_ =	sdelay $0x3  }
0x127: {  	v61 =	vand.u32 $0xFFFFFF80, v21;
	v62 =	vshll.u32 v20, $0x7;
	[tilespmem:v18+s18+$0x0] =	vst.idx.msk $0xffff, v23  }
0x128: {  	v20 =	vadd.s32 v61, v62;
	v17 =	vor.u32 v7, v17;
	v18 =	vand.u32 $0x7F, v21;
	v19 =	vld.idx.msk [tilespmem:v19+s17+$0x0], $0xffff  }
0x129: {  	v18 =	vor.u32 v18, v20  }
0x12a: {  	s20 =	sadd.s32 $0x1, s20  }
0x12b: {  	p2 =	sne.s32 s20, $0x40  }
0x12c: {  	p3 =	sne.s32 @!p2 s21, $0x1;
	s4 =	sxor.u32 @!p2 $0x1, s0  }
0x12d: {  	v63 =	vand.u32 $0x3FFF, v22;
	p3 =	por p3, p2;
	s5 =	sshll.u32 @!p2 s4, $0x7;
	v21 =	vlaneseq.u32 @!p2;
	[tilespmem:v17+s18+$0x0] =	vst.idx.msk $0xffff, v19  }
0x12e: {  	s8 =	sshll.u32 @!p2 s0, $0xD;
	s9 =	sshll.u32 @!p2 s0, $0x7;
	s11 =	simm.s32 @!p3 $0x2;
	v17 =	vor.u32 @!p2 $0x10, v21;
	v19 =	vor.u32 @!p2 s5, v21;
	[tilespmem:v18+s16+$0x0] =	vst.idx.msk $0x1, v63  }
0x12f: {  	s8 =	sand.u32 @!p2 $0x3FFFE000, s8;
	s9 =	sand.u32 @!p2 $0x3FFFFF80, s9;
	v18 =	vor.u32 @!p2 $0x20, v21;
	v17 =	vor.u32 @!p2 s5, v17;
	_ =	swait.ge @!p3 [sflag:s11], $0x2000  }
0x130: {  	s8 =	sadd.s32 @!p2 $0x18500, s8;
	s9 =	sadd.s32 @!p2 $0x1C500, s9;
	v20 =	vor.u32 @!p2 $0x30, v21;
	v18 =	vor.u32 @!p2 s5, v18;
	[sflag:s11] =	ssyncset.done @!p3 $0x0  }
0x131: {  	v20 =	vor.u32 @!p2 s5, v20;
	s5 =	simm.s32 @!p2 $0x40;
	[sflag:s11] =	ssyncadd.s32 @!p3 $0xFFFFE000;
	s11 =	simm.s32 @!p2 $0x1C500  }
0x132: {  	v21 =	vimm.s32 @!p2 $0x4000;
	[hbm4b:s7+s5] =	stream.indirect.scatter @!p2 [tilespmem:s8], [sflag:$0x2], $0x80, s9, s5, $0xb8;
	[tilespmem:$0x1C600] =	vst v63  }
0x133: {  	[tilespmem:v19+s11+$0x0] =	vst.idx.msk @!p2 $0xffff, v21  }
0x134: {  	[tilespmem:v17+s11+$0x0] =	vst.idx.msk @!p2 $0xffff, v21  }
0x135: {  	s4 =	smov.u32 @p2 s0;
	[tilespmem:v18+s11+$0x0] =	vst.idx.msk @!p2 $0xffff, v21  }
0x136: {  	s21 =	simm.s32 @!p2 $0x1;
	s20 =	simm.s32 @!p2 $0x0;
	s0 =	smov.u32 s4;
	[tilespmem:v20+s11+$0x0] =	vst.idx.msk @!p2 $0xffff, v21  }
.LBB2_24:
0x137: {  	s30 =	sadd.s32 $0x1, s30  }
0x138: {  	p2 =	sne.s32 s30, s26  }
.Ltmp17:
0x139: {  	_ = 	snop;
	(pc) =	sbr.rel @!p2 .LBB2_25-.Ltmp17, $2  }
0x13a: {  	_ =	sdelay $0x2  }
0x13b: {  	s29 =	sadd.s32 $0xFFFFFFF0, s29  }
.LBB2_16:
0x13c: {  	s4 =	sshll.u32 s30, $0x4  }
0x13d: {  	s5 =	ssub.s32 s25, s4  }
0x13e: {  	p2 =	slt.s32 s5, $0x1  }
.Ltmp18:
0x13f: {  	_ = 	snop;
	(pc) =	sbr.rel @p2 .LBB2_24-.Ltmp18, $1  }
0x140: {  	_ =	sdelay $0x3  }
0x141: {  	_ =	sdelay $0x3  }
0x142: {  	v17 =	vld.idx.msk [tilespmem:v16+s4+$0x0 ss:$0x1], $0xffff;
	_ =	sdelay $0x3  }
0x143: {  	v18 =	vmov s28  }
0x144: {  	v22 =	vperm.xlane v17, v18;
	_ =	sdelay $0x1  }
0x145: {  	p2 =	sgt.s32 s29, $0x1;
	s4 =	smov.u32 s29;
	v18 =	vshra.s32 v22, $0xE  }
0x146: {  	s4 =	simm.s32 @!p2 $0x1;
	v19 =	vadd.s32 v0, v18  }
0x147: {  	s31 =	smin.u32 s4, $0x10;
	v19 =	vshra.s32 v19, $0x8  }
0x148: {  	p3 =	sne.s32 s31, $0x1;
	vm0 =	veq.s32 v19, $0xF42  }
.Ltmp19:
0x149: {  	v20 =	vand.u32 $0x80, v18;
	v19 =	vshll.u32 v19, $0xE;
	v21 =	vsel vm0, $0x80, v2;
	(pc) =	sbr.rel @!p3 .LBB2_18-.Ltmp19, $4  }
0x14a: {  	v18 =	vand.u32 $0x7F, v18;
	v19 =	vand.u32 $0xC000, v19;
	v20 =	vadd.s32 v20, v21  }
0x14b: {  	v18 =	vor.u32 v19, v18;
	v20 =	vshll.u32 v20, $0x3  }
0x14c: {  	v19 =	vor.u32 v18, v20  }
0x14d: {  	p2 =	por $0x0, $0x0;
	s4 =	simm.s32 $0x1;
	v21 =	vmov s20;
	v20 =	vmov s0;
	v23 =	vadd.s32 v12, v19  }
0x14e: {  	_ =	sdelay $0x1  }
0x14f: {  	v18 =	vshll.u32 v20, $0xD;
	v24 =	vshll.u32 v21, $0x7  }
0x150: {  	v18 =	vadd.s32 v24, v18  }
0x151: {  	v23 =	vld.idx.msk [tilespmem:v23+s17+$0x0], $0xffff;
	v24 =	vor.u32 v3, v18  }
0x152: {  	v25 =	vadd.s32 v13, v19;
	_ =	sdelay $0x3  }
0x153: {  	[tilespmem:v24+s18+$0x0] =	vst.idx.msk $0xffff, v23  }
0x154: {  	v23 =	vor.u32 v5, v18;
	v24 =	vld.idx.msk [tilespmem:v25+s17+$0x0], $0xffff  }
0x155: {  	v25 =	vadd.s32 v14, v19;
	_ =	sdelay $0x3  }
0x156: {  	[tilespmem:v23+s18+$0x0] =	vst.idx.msk $0xffff, v24  }
0x157: {  	v23 =	vor.u32 v6, v18;
	v24 =	vld.idx.msk [tilespmem:v25+s17+$0x0], $0xffff  }
0x158: {  	v19 =	vadd.s32 v15, v19;
	_ =	sdelay $0x3  }
0x159: {  	v26 =	vmov s4;
	v20 =	vshll.u32 v20, $0x7;
	v25 =	vand.u32 $0xFFFFFF80, v21;
	[tilespmem:v23+s18+$0x0] =	vst.idx.msk $0xffff, v24  }
0x15a: {  	v21 =	vand.u32 $0x7F, v21;
	v20 =	vadd.s32 v25, v20;
	v23 =	vor.u32 v7, v18;
	v19 =	vld.idx.msk [tilespmem:v19+s17+$0x0], $0xffff  }
0x15b: {  	v20 =	vor.u32 v21, v20;
	v18 =	vperm.xlane v17, v26  }
0x15c: {  	s20 =	sadd.s32 $0x1, s20  }
0x15d: {  	s5 =	simm.s32 $0x2;
	v22 =	vand.u32 $0x3FFF, v22;
	p4 =	sne.s32 s31, $0x2;
	p3 =	sne.s32 s20, $0x40;
	v21 =	vshra.s32 v18, $0xE  }
0x15e: {  	p2 =	sne.s32 @!p3 s21, $0x1;
	s4 =	sshll.u32 @!p3 s0, $0xD;
	s23 =	sxor.u32 @!p3 $0x1, s0;
	v27 =	vimm.s32 @!p3 $0x4000;
	v24 =	vadd.s32 v0, v21;
	v25 =	vand.u32 $0x80, v21  }
0x15f: {  	s8 =	sshll.u32 @!p3 s0, $0x7;
	s20 =	simm.s32 @!p3 $0x0;
	p2 =	por p2, p3;
	v21 =	vand.u32 $0x7F, v21;
	v24 =	vshra.s32 v24, $0x8;
	[tilespmem:v23+s18+$0x0] =	vst.idx.msk $0xffff, v19;
	v23 =	vlaneseq.u32 @!p3  }
0x160: {  	s11 =	sshll.u32 @!p3 s23, $0x7;
	s8 =	sand.u32 @!p3 $0x3FFFFF80, s8;
	s9 =	simm.s32 @!p2 $0x2;
	vm0 =	veq.s32 v24, $0xF42;
	v19 =	vshll.u32 v24, $0xE;
	[tilespmem:v20+s16+$0x0] =	vst.idx.msk $0x1, v22;
	v20 =	vor.u32 @!p3 $0x20, v23  }
.Ltmp20:
0x161: {  	s4 =	sand.u32 @!p3 $0x3FFFE000, s4;
	v22 =	vsel vm0, $0x80, v2;
	v19 =	vand.u32 $0xC000, v19;
	v24 =	vor.u32 @!p3 $0x10, v23;
	_ =	swait.ge @!p2 [sflag:s9], $0x2000;
	(pc) =	sbr.rel @!p4 .LBB2_20-.Ltmp20, $4  }
0x162: {  	s23 =	smov.u32 @p3 s0;
	s4 =	sadd.s32 @!p3 $0x18500, s4;
	v22 =	vadd.s32 v25, v22;
	v24 =	vor.u32 @!p3 s11, v24;
	v25 =	vor.u32 @!p3 s11, v23;
	[sflag:s9] =	ssyncset.done @!p2 $0x0  }
0x163: {  	s8 =	sadd.s32 @!p3 $0x1C500, s8;
	v19 =	vor.u32 v19, v21;
	v21 =	vor.u32 @!p3 $0x30, v23;
	v22 =	vshll.u32 v22, $0x3;
	[sflag:s9] =	ssyncadd.s32 @!p2 $0xFFFFE000;
	s9 =	simm.s32 @!p3 $0x40  }
0x164: {  	v26 =	vor.u32 @!p3 s11, v20;
	v20 =	vmov s23;
	v19 =	vor.u32 v19, v22;
	[hbm4b:s7+s9] =	stream.indirect.scatter @!p3 [tilespmem:s4], [sflag:$0x2], $0x80, s8, s9, $0xb8;
	[tilespmem:$0x1C600] =	vst v63  }
0x165: {  	s21 =	simm.s32 @!p3 $0x1;
	v28 =	vor.u32 @!p3 s11, v21;
	v21 =	vmov s20;
	p2 =	por $0x1, $0x1;
	v23 =	vadd.s32 v12, v19;
	s4 =	simm.s32 @!p3 $0x1C500  }
.LBB2_21:
0x166: {  	s0 =	smov.u32 s23  }
0x167: {  	v22 =	vshll.u32 v20, $0xD;
	v29 =	vshll.u32 v21, $0x7;
	s8 =	smov.u32 s5;
	s5 =	sadd.s32 $0x1, s5;
	[tilespmem:v25+s4+$0x0] =	vst.idx.msk @!p3 $0xffff, v27  }
0x168: {  	p4 =	sne.s32 s31, s5;
	v22 =	vadd.s32 v29, v22;
	[tilespmem:v24+s4+$0x0] =	vst.idx.msk @!p3 $0xffff, v27  }
0x169: {  	v24 =	vor.u32 v3, v22;
	[tilespmem:v26+s4+$0x0] =	vst.idx.msk @!p3 $0xffff, v27  }
0x16a: {  	v25 =	vadd.s32 v13, v19;
	[tilespmem:v28+s4+$0x0] =	vst.idx.msk @!p3 $0xffff, v27  }
0x16b: {  	v23 =	vld.idx.msk [tilespmem:v23+s17+$0x0], $0xffff;
	_ =	sdelay $0x4  }
0x16c: {  	v26 =	vor.u32 v5, v22  }
0x16d: {  	[tilespmem:v24+s18+$0x0] =	vst.idx.msk $0xffff, v23;
	v23 =	vadd.s32 v14, v19  }
0x16e: {  	v24 =	vld.idx.msk [tilespmem:v25+s17+$0x0], $0xffff;
	_ =	sdelay $0x4  }
0x16f: {  	v25 =	vor.u32 v6, v22  }
0x170: {  	v19 =	vadd.s32 v15, v19;
	[tilespmem:v26+s18+$0x0] =	vst.idx.msk $0xffff, v24  }
0x171: {  	v23 =	vld.idx.msk [tilespmem:v23+s17+$0x0], $0xffff;
	_ =	sdelay $0x2  }
0x172: {  	v24 =	vand.u32 $0xFFFFFF80, v21  }
0x173: {  	v20 =	vshll.u32 v20, $0x7;
	v26 =	vmov s8;
	v21 =	vand.u32 $0x7F, v21  }
0x174: {  	v22 =	vor.u32 v7, v22;
	v26 =	vperm.xlane v17, v26;
	v20 =	vadd.s32 v24, v20  }
0x175: {  	v20 =	vor.u32 v21, v20;
	[tilespmem:v25+s18+$0x0] =	vst.idx.msk $0xffff, v23  }
0x176: {  	s20 =	sadd.s32 $0x1, s20;
	v21 =	vshra.s32 v26, $0xE;
	v19 =	vld.idx.msk [tilespmem:v19+s17+$0x0], $0xffff  }
0x177: {  	v27 =	vand.u32 $0x3FFF, v18;
	p3 =	sne.s32 s20, $0x40;
	v18 =	vmov v26;
	v23 =	vadd.s32 v0, v21  }
0x178: {  	p5 =	sne.s32 @!p3 s21, $0x1;
	s4 =	sshll.u32 @!p3 s23, $0xD;
	s23 =	sxor.u32 @!p3 $0x1, s23;
	v28 =	vlaneseq.u32 @!p3;
	v24 =	vand.u32 $0x80, v21;
	v23 =	vshra.s32 v23, $0x8  }
0x179: {  	p5 =	por p5, p3;
	s9 =	sshll.u32 @!p3 s23, $0x7;
	s8 =	sshll.u32 @!p3 s0, $0x7;
	v26 =	vor.u32 @!p3 $0x20, v28;
	vm0 =	veq.s32 v23, $0xF42;
	v23 =	vshll.u32 v23, $0xE  }
0x17a: {  	s4 =	sand.u32 @!p3 $0x3FFFE000, s4;
	v29 =	vor.u32 @!p3 $0x10, v28;
	s11 =	simm.s32 @!p5 $0x2;
	s8 =	sand.u32 @!p3 $0x3FFFFF80, s8;
	v25 =	vsel vm0, $0x80, v2;
	v23 =	vand.u32 $0xC000, v23  }
0x17b: {  	s23 =	smov.u32 @p3 s0;
	s12 =	sadd.s32 @!p3 $0x18500, s4;
	s8 =	sadd.s32 @!p3 $0x1C500, s8;
	v21 =	vand.u32 $0x7F, v21;
	v25 =	vadd.s32 v24, v25;
	v24 =	vor.u32 @!p3 s9, v29  }
0x17c: {  	s21 =	simm.s32 @!p3 $0x1;
	s20 =	simm.s32 @!p3 $0x0;
	v21 =	vor.u32 v23, v21;
	v29 =	vshll.u32 v25, $0x3;
	v25 =	vor.u32 @!p3 s9, v28;
	[tilespmem:v22+s18+$0x0] =	vst.idx.msk $0xffff, v19  }
.Ltmp21:
0x17d: {  	v26 =	vor.u32 @!p3 s9, v26;
	v19 =	vor.u32 v21, v29;
	[tilespmem:v20+s16+$0x0] =	vst.idx.msk $0x1, v27;
	v20 =	vor.u32 @!p3 $0x30, v28;
	(pc) =	sbr.rel @p4 .LBB2_21-.Ltmp21, $4  }
0x17e: {  	s0 =	simm.s32 @!p3 $0x40;
	v23 =	vadd.s32 v12, v19;
	_ =	swait.ge @!p5 [sflag:s11], $0x2000;
	v28 =	vor.u32 @!p3 s9, v20  }
0x17f: {  	s4 =	simm.s32 @!p3 $0x1C500;
	v27 =	vimm.s32 @!p3 $0x4000;
	[sflag:s11] =	ssyncset.done @!p5 $0x0  }
0x180: {  	[sflag:s11] =	ssyncadd.s32 @!p5 $0xFFFFE000  }
0x181: {  	v21 =	vmov s20;
	v20 =	vmov s23;
	[hbm4b:s7+s0] =	stream.indirect.scatter @!p3 [tilespmem:s12], [sflag:$0x2], $0x80, s8, s0, $0xb8;
	[tilespmem:$0x1C600] =	vst v63  }
.Ltmp22:
0x182: {  	(pc) =	sbr.rel .LBB2_23-.Ltmp22, $2  }
0x183: {  	_ =	sdelay $0x2  }
0x184: {  	v22 =	vmov v18;
	s0 =	smov.u32 s23  }
.LBB2_20:
.Ltmp23:
0x185: {  	(pc) =	sbr.rel .LBB2_23-.Ltmp23, $2  }
0x186: {  	_ =	sdelay $0x2  }
0x187: {  	v22 =	vmov v18;
	s0 =	smov.u32 s23  }
.LBB2_30:
0x188: {  	_ = 	snop  }
.LBB2_35:
0x189: {  	_ =	sdelay $0x2  }
0x18a: {  	p2 =	por p3, !p2  }
0x18b: {  	[tilespmem:v25+s4+$0x0] =	vst.idx.msk @!p2 $0xffff, v27  }
0x18c: {  	[tilespmem:v24+s4+$0x0] =	vst.idx.msk @!p2 $0xffff, v27  }
0x18d: {  	v17 =	vshll.u32 v20, $0xD;
	v18 =	vshll.u32 v21, $0x7;
	[tilespmem:v26+s4+$0x0] =	vst.idx.msk @!p2 $0xffff, v27  }
0x18e: {  	v17 =	vadd.s32 v18, v17;
	[tilespmem:v28+s4+$0x0] =	vst.idx.msk @!p2 $0xffff, v27  }
0x18f: {  	v18 =	vor.u32 v3, v17;
	v23 =	vld.idx.msk [tilespmem:v23+s17+$0x0], $0xffff  }
0x190: {  	v59 =	vadd.s32 v13, v19;
	_ =	sdelay $0x3  }
0x191: {  	[tilespmem:v18+s18+$0x0] =	vst.idx.msk $0xffff, v23  }
0x192: {  	v18 =	vor.u32 v5, v17;
	v23 =	vld.idx.msk [tilespmem:v59+s17+$0x0], $0xffff  }
0x193: {  	v60 =	vadd.s32 v14, v19;
	_ =	sdelay $0x3  }
0x194: {  	[tilespmem:v18+s18+$0x0] =	vst.idx.msk $0xffff, v23  }
0x195: {  	v18 =	vor.u32 v6, v17;
	v23 =	vld.idx.msk [tilespmem:v60+s17+$0x0], $0xffff  }
0x196: {  	v19 =	vadd.s32 v15, v19;
	_ =	sdelay $0x3  }
0x197: {  	v61 =	vand.u32 $0xFFFFFF80, v21;
	v62 =	vshll.u32 v20, $0x7;
	[tilespmem:v18+s18+$0x0] =	vst.idx.msk $0xffff, v23  }
0x198: {  	v20 =	vadd.s32 v61, v62;
	v17 =	vor.u32 v7, v17;
	v18 =	vand.u32 $0x7F, v21;
	v19 =	vld.idx.msk [tilespmem:v19+s17+$0x0], $0xffff  }
0x199: {  	v18 =	vor.u32 v18, v20  }
0x19a: {  	s20 =	sadd.s32 $0x1, s20  }
0x19b: {  	p2 =	sne.s32 s20, $0x40  }
0x19c: {  	p3 =	sne.s32 @!p2 s21, $0x1;
	s4 =	sxor.u32 @!p2 $0x1, s0  }
0x19d: {  	v63 =	vand.u32 $0x3FFF, v22;
	p3 =	por p3, p2;
	s5 =	sshll.u32 @!p2 s4, $0x7;
	v21 =	vlaneseq.u32 @!p2;
	[tilespmem:v17+s18+$0x0] =	vst.idx.msk $0xffff, v19  }
0x19e: {  	s8 =	sshll.u32 @!p2 s0, $0xD;
	s9 =	sshll.u32 @!p2 s0, $0x7;
	s11 =	simm.s32 @!p3 $0x2;
	v17 =	vor.u32 @!p2 $0x10, v21;
	v19 =	vor.u32 @!p2 s5, v21;
	[tilespmem:v18+s16+$0x0] =	vst.idx.msk $0x1, v63  }
0x19f: {  	s8 =	sand.u32 @!p2 $0x3FFFE000, s8;
	s9 =	sand.u32 @!p2 $0x3FFFFF80, s9;
	v18 =	vor.u32 @!p2 $0x20, v21;
	v17 =	vor.u32 @!p2 s5, v17;
	_ =	swait.ge @!p3 [sflag:s11], $0x2000  }
0x1a0: {  	s8 =	sadd.s32 @!p2 $0x18500, s8;
	s9 =	sadd.s32 @!p2 $0x1C500, s9;
	v20 =	vor.u32 @!p2 $0x30, v21;
	v18 =	vor.u32 @!p2 s5, v18;
	[sflag:s11] =	ssyncset.done @!p3 $0x0  }
0x1a1: {  	v20 =	vor.u32 @!p2 s5, v20;
	s5 =	simm.s32 @!p2 $0x40;
	[sflag:s11] =	ssyncadd.s32 @!p3 $0xFFFFE000;
	s11 =	simm.s32 @!p2 $0x1C500  }
0x1a2: {  	v21 =	vimm.s32 @!p2 $0x4000;
	[hbm4b:s7+s5] =	stream.indirect.scatter @!p2 [tilespmem:s8], [sflag:$0x2], $0x80, s9, s5, $0xb8;
	[tilespmem:$0x1C600] =	vst v63  }
0x1a3: {  	[tilespmem:v19+s11+$0x0] =	vst.idx.msk @!p2 $0xffff, v21  }
0x1a4: {  	[tilespmem:v17+s11+$0x0] =	vst.idx.msk @!p2 $0xffff, v21  }
0x1a5: {  	s4 =	smov.u32 @p2 s0;
	[tilespmem:v18+s11+$0x0] =	vst.idx.msk @!p2 $0xffff, v21  }
0x1a6: {  	s21 =	simm.s32 @!p2 $0x1;
	s20 =	simm.s32 @!p2 $0x0;
	s0 =	smov.u32 s4;
	[tilespmem:v20+s11+$0x0] =	vst.idx.msk @!p2 $0xffff, v21  }
.LBB2_36:
0x1a7: {  	s29 =	sadd.s32 $0x1, s29  }
0x1a8: {  	p2 =	sne.s32 s29, s25  }
.Ltmp24:
0x1a9: {  	_ = 	snop;
	(pc) =	sbr.rel @!p2 .LBB2_37-.Ltmp24, $2  }
0x1aa: {  	_ =	sdelay $0x2  }
0x1ab: {  	s28 =	sadd.s32 $0xFFFFFFF0, s28  }
.LBB2_28:
0x1ac: {  	s4 =	sshll.u32 s29, $0x4  }
0x1ad: {  	s5 =	ssub.s32 s24, s4  }
0x1ae: {  	p2 =	slt.s32 s5, $0x1  }
.Ltmp25:
0x1af: {  	_ = 	snop;
	(pc) =	sbr.rel @p2 .LBB2_36-.Ltmp25, $1  }
0x1b0: {  	_ =	sdelay $0x3  }
0x1b1: {  	_ =	sdelay $0x3  }
0x1b2: {  	v17 =	vld.idx.msk [tilespmem:v16+s4+$0x0 ss:$0x1], $0xffff;
	_ =	sdelay $0x3  }
0x1b3: {  	v18 =	vmov s26  }
0x1b4: {  	v22 =	vperm.xlane v17, v18;
	_ =	sdelay $0x1  }
0x1b5: {  	p2 =	sgt.s32 s28, $0x1;
	s4 =	smov.u32 s28;
	v18 =	vshra.s32 v22, $0xE  }
0x1b6: {  	s4 =	simm.s32 @!p2 $0x1;
	v19 =	vadd.s32 v0, v18  }
0x1b7: {  	s30 =	smin.u32 s4, $0x10;
	v19 =	vshra.s32 v19, $0x8  }
0x1b8: {  	p3 =	sne.s32 s30, $0x1;
	vm0 =	veq.s32 v19, $0xF42  }
.Ltmp26:
0x1b9: {  	v20 =	vand.u32 $0x80, v18;
	v19 =	vshll.u32 v19, $0xE;
	v21 =	vsel vm0, $0x80, v2;
	(pc) =	sbr.rel @!p3 .LBB2_30-.Ltmp26, $4  }
0x1ba: {  	v18 =	vand.u32 $0x7F, v18;
	v19 =	vand.u32 $0xC000, v19;
	v20 =	vadd.s32 v20, v21  }
0x1bb: {  	v18 =	vor.u32 v19, v18;
	v20 =	vshll.u32 v20, $0x3  }
0x1bc: {  	v19 =	vor.u32 v18, v20  }
0x1bd: {  	p2 =	por $0x0, $0x0;
	s4 =	simm.s32 $0x1;
	v21 =	vmov s20;
	v20 =	vmov s0;
	v23 =	vadd.s32 v12, v19  }
0x1be: {  	_ =	sdelay $0x1  }
0x1bf: {  	v18 =	vshll.u32 v20, $0xD;
	v24 =	vshll.u32 v21, $0x7  }
0x1c0: {  	v18 =	vadd.s32 v24, v18  }
0x1c1: {  	v23 =	vld.idx.msk [tilespmem:v23+s17+$0x0], $0xffff;
	v24 =	vor.u32 v3, v18  }
0x1c2: {  	v25 =	vadd.s32 v13, v19;
	_ =	sdelay $0x3  }
0x1c3: {  	[tilespmem:v24+s18+$0x0] =	vst.idx.msk $0xffff, v23  }
0x1c4: {  	v23 =	vor.u32 v5, v18;
	v24 =	vld.idx.msk [tilespmem:v25+s17+$0x0], $0xffff  }
0x1c5: {  	v25 =	vadd.s32 v14, v19;
	_ =	sdelay $0x3  }
0x1c6: {  	[tilespmem:v23+s18+$0x0] =	vst.idx.msk $0xffff, v24  }
0x1c7: {  	v23 =	vor.u32 v6, v18;
	v24 =	vld.idx.msk [tilespmem:v25+s17+$0x0], $0xffff  }
0x1c8: {  	v19 =	vadd.s32 v15, v19;
	_ =	sdelay $0x3  }
0x1c9: {  	v26 =	vmov s4;
	v20 =	vshll.u32 v20, $0x7;
	v25 =	vand.u32 $0xFFFFFF80, v21;
	[tilespmem:v23+s18+$0x0] =	vst.idx.msk $0xffff, v24  }
0x1ca: {  	v21 =	vand.u32 $0x7F, v21;
	v20 =	vadd.s32 v25, v20;
	v23 =	vor.u32 v7, v18;
	v19 =	vld.idx.msk [tilespmem:v19+s17+$0x0], $0xffff  }
0x1cb: {  	v20 =	vor.u32 v21, v20;
	v18 =	vperm.xlane v17, v26  }
0x1cc: {  	s20 =	sadd.s32 $0x1, s20  }
0x1cd: {  	s5 =	simm.s32 $0x2;
	v22 =	vand.u32 $0x3FFF, v22;
	p4 =	sne.s32 s30, $0x2;
	p3 =	sne.s32 s20, $0x40;
	v21 =	vshra.s32 v18, $0xE  }
0x1ce: {  	p2 =	sne.s32 @!p3 s21, $0x1;
	s4 =	sshll.u32 @!p3 s0, $0xD;
	s23 =	sxor.u32 @!p3 $0x1, s0;
	v27 =	vimm.s32 @!p3 $0x4000;
	v24 =	vadd.s32 v0, v21;
	v25 =	vand.u32 $0x80, v21  }
0x1cf: {  	s8 =	sshll.u32 @!p3 s0, $0x7;
	s20 =	simm.s32 @!p3 $0x0;
	p2 =	por p2, p3;
	v21 =	vand.u32 $0x7F, v21;
	v24 =	vshra.s32 v24, $0x8;
	[tilespmem:v23+s18+$0x0] =	vst.idx.msk $0xffff, v19;
	v23 =	vlaneseq.u32 @!p3  }
0x1d0: {  	s11 =	sshll.u32 @!p3 s23, $0x7;
	s8 =	sand.u32 @!p3 $0x3FFFFF80, s8;
	s9 =	simm.s32 @!p2 $0x2;
	vm0 =	veq.s32 v24, $0xF42;
	v19 =	vshll.u32 v24, $0xE;
	[tilespmem:v20+s16+$0x0] =	vst.idx.msk $0x1, v22;
	v20 =	vor.u32 @!p3 $0x20, v23  }
.Ltmp27:
0x1d1: {  	s4 =	sand.u32 @!p3 $0x3FFFE000, s4;
	v22 =	vsel vm0, $0x80, v2;
	v19 =	vand.u32 $0xC000, v19;
	v24 =	vor.u32 @!p3 $0x10, v23;
	_ =	swait.ge @!p2 [sflag:s9], $0x2000;
	(pc) =	sbr.rel @!p4 .LBB2_32-.Ltmp27, $4  }
0x1d2: {  	s23 =	smov.u32 @p3 s0;
	s4 =	sadd.s32 @!p3 $0x18500, s4;
	v22 =	vadd.s32 v25, v22;
	v24 =	vor.u32 @!p3 s11, v24;
	v25 =	vor.u32 @!p3 s11, v23;
	[sflag:s9] =	ssyncset.done @!p2 $0x0  }
0x1d3: {  	s8 =	sadd.s32 @!p3 $0x1C500, s8;
	v19 =	vor.u32 v19, v21;
	v21 =	vor.u32 @!p3 $0x30, v23;
	v22 =	vshll.u32 v22, $0x3;
	[sflag:s9] =	ssyncadd.s32 @!p2 $0xFFFFE000;
	s9 =	simm.s32 @!p3 $0x40  }
0x1d4: {  	v26 =	vor.u32 @!p3 s11, v20;
	v20 =	vmov s23;
	v19 =	vor.u32 v19, v22;
	[hbm4b:s7+s9] =	stream.indirect.scatter @!p3 [tilespmem:s4], [sflag:$0x2], $0x80, s8, s9, $0xb8;
	[tilespmem:$0x1C600] =	vst v63  }
0x1d5: {  	s21 =	simm.s32 @!p3 $0x1;
	v28 =	vor.u32 @!p3 s11, v21;
	v21 =	vmov s20;
	p2 =	por $0x1, $0x1;
	v23 =	vadd.s32 v12, v19;
	s4 =	simm.s32 @!p3 $0x1C500  }
.LBB2_33:
0x1d6: {  	s0 =	smov.u32 s23  }
0x1d7: {  	v22 =	vshll.u32 v20, $0xD;
	v29 =	vshll.u32 v21, $0x7;
	s8 =	smov.u32 s5;
	s5 =	sadd.s32 $0x1, s5;
	[tilespmem:v25+s4+$0x0] =	vst.idx.msk @!p3 $0xffff, v27  }
0x1d8: {  	p4 =	sne.s32 s30, s5;
	v22 =	vadd.s32 v29, v22;
	[tilespmem:v24+s4+$0x0] =	vst.idx.msk @!p3 $0xffff, v27  }
0x1d9: {  	v24 =	vor.u32 v3, v22;
	[tilespmem:v26+s4+$0x0] =	vst.idx.msk @!p3 $0xffff, v27  }
0x1da: {  	v25 =	vadd.s32 v13, v19;
	[tilespmem:v28+s4+$0x0] =	vst.idx.msk @!p3 $0xffff, v27  }
0x1db: {  	v23 =	vld.idx.msk [tilespmem:v23+s17+$0x0], $0xffff;
	_ =	sdelay $0x4  }
0x1dc: {  	v26 =	vor.u32 v5, v22  }
0x1dd: {  	[tilespmem:v24+s18+$0x0] =	vst.idx.msk $0xffff, v23;
	v23 =	vadd.s32 v14, v19  }
0x1de: {  	v24 =	vld.idx.msk [tilespmem:v25+s17+$0x0], $0xffff;
	_ =	sdelay $0x4  }
0x1df: {  	v25 =	vor.u32 v6, v22  }
0x1e0: {  	v19 =	vadd.s32 v15, v19;
	[tilespmem:v26+s18+$0x0] =	vst.idx.msk $0xffff, v24  }
0x1e1: {  	v23 =	vld.idx.msk [tilespmem:v23+s17+$0x0], $0xffff;
	_ =	sdelay $0x2  }
0x1e2: {  	v24 =	vand.u32 $0xFFFFFF80, v21  }
0x1e3: {  	v20 =	vshll.u32 v20, $0x7;
	v26 =	vmov s8;
	v21 =	vand.u32 $0x7F, v21  }
0x1e4: {  	v22 =	vor.u32 v7, v22;
	v26 =	vperm.xlane v17, v26;
	v20 =	vadd.s32 v24, v20  }
0x1e5: {  	v20 =	vor.u32 v21, v20;
	[tilespmem:v25+s18+$0x0] =	vst.idx.msk $0xffff, v23  }
0x1e6: {  	s20 =	sadd.s32 $0x1, s20;
	v21 =	vshra.s32 v26, $0xE;
	v19 =	vld.idx.msk [tilespmem:v19+s17+$0x0], $0xffff  }
0x1e7: {  	v27 =	vand.u32 $0x3FFF, v18;
	p3 =	sne.s32 s20, $0x40;
	v18 =	vmov v26;
	v23 =	vadd.s32 v0, v21  }
0x1e8: {  	p5 =	sne.s32 @!p3 s21, $0x1;
	s4 =	sshll.u32 @!p3 s23, $0xD;
	s23 =	sxor.u32 @!p3 $0x1, s23;
	v28 =	vlaneseq.u32 @!p3;
	v24 =	vand.u32 $0x80, v21;
	v23 =	vshra.s32 v23, $0x8  }
0x1e9: {  	p5 =	por p5, p3;
	s9 =	sshll.u32 @!p3 s23, $0x7;
	s8 =	sshll.u32 @!p3 s0, $0x7;
	v26 =	vor.u32 @!p3 $0x20, v28;
	vm0 =	veq.s32 v23, $0xF42;
	v23 =	vshll.u32 v23, $0xE  }
0x1ea: {  	s4 =	sand.u32 @!p3 $0x3FFFE000, s4;
	v29 =	vor.u32 @!p3 $0x10, v28;
	s11 =	simm.s32 @!p5 $0x2;
	s8 =	sand.u32 @!p3 $0x3FFFFF80, s8;
	v25 =	vsel vm0, $0x80, v2;
	v23 =	vand.u32 $0xC000, v23  }
0x1eb: {  	s23 =	smov.u32 @p3 s0;
	s12 =	sadd.s32 @!p3 $0x18500, s4;
	s8 =	sadd.s32 @!p3 $0x1C500, s8;
	v21 =	vand.u32 $0x7F, v21;
	v25 =	vadd.s32 v24, v25;
	v24 =	vor.u32 @!p3 s9, v29  }
0x1ec: {  	s21 =	simm.s32 @!p3 $0x1;
	s20 =	simm.s32 @!p3 $0x0;
	v21 =	vor.u32 v23, v21;
	v29 =	vshll.u32 v25, $0x3;
	v25 =	vor.u32 @!p3 s9, v28;
	[tilespmem:v22+s18+$0x0] =	vst.idx.msk $0xffff, v19  }
.Ltmp28:
0x1ed: {  	v26 =	vor.u32 @!p3 s9, v26;
	v19 =	vor.u32 v21, v29;
	[tilespmem:v20+s16+$0x0] =	vst.idx.msk $0x1, v27;
	v20 =	vor.u32 @!p3 $0x30, v28;
	(pc) =	sbr.rel @p4 .LBB2_33-.Ltmp28, $4  }
0x1ee: {  	s0 =	simm.s32 @!p3 $0x40;
	v23 =	vadd.s32 v12, v19;
	_ =	swait.ge @!p5 [sflag:s11], $0x2000;
	v28 =	vor.u32 @!p3 s9, v20  }
0x1ef: {  	s4 =	simm.s32 @!p3 $0x1C500;
	v27 =	vimm.s32 @!p3 $0x4000;
	[sflag:s11] =	ssyncset.done @!p5 $0x0  }
0x1f0: {  	[sflag:s11] =	ssyncadd.s32 @!p5 $0xFFFFE000  }
0x1f1: {  	v21 =	vmov s20;
	v20 =	vmov s23;
	[hbm4b:s7+s0] =	stream.indirect.scatter @!p3 [tilespmem:s12], [sflag:$0x2], $0x80, s8, s0, $0xb8;
	[tilespmem:$0x1C600] =	vst v63  }
.Ltmp29:
0x1f2: {  	(pc) =	sbr.rel .LBB2_35-.Ltmp29, $2  }
0x1f3: {  	_ =	sdelay $0x2  }
0x1f4: {  	v22 =	vmov v18;
	s0 =	smov.u32 s23  }
.LBB2_32:
.Ltmp30:
0x1f5: {  	(pc) =	sbr.rel .LBB2_35-.Ltmp30, $2  }
0x1f6: {  	_ =	sdelay $0x2  }
0x1f7: {  	v22 =	vmov v18;
	s0 =	smov.u32 s23  }
.LBB2_39:
0x1f8: {  	_ =	sfence.sel $0x180000  }
0x1f9: {  	[bflag:$0x0] =	sbarrier.arrive $0xFFFF  }
0x1fa: {  	_ =	strace $0x90000047  }
0x1fb: {  	s0 =	stileid.u32;
	[bflag:$0x2] =	sbarrier.arrive $0xFFFF  }
0x1fc: {  	p0 =	sne.s32 s0, $0x0;
	s0 =	rddreg [dreg:$0x3]  }
0x1fd: {  	s0 =	sadd.s32 @!p0 $0x100000, s0  }
0x1fe: {  	[sflag:s0] =	ssyncadd.tile.s32 @!p0 $0x1;
	_ =	shalt  }
.Lfunc_end2:
_tile_overlayer_lowered:
.L_overlay_start_2:
0x1ff: {  	(tag) =	ssettag $0x2  }
0x200: {  	s0 =	rddreg [dreg:$0x0];
	s2 =	stileid.u32  }
0x201: {  	s1 =	rddreg [dreg:$0x1];
	p0 =	sne.s32 s2, $0x0  }
0x202: {  	s3 =	rddreg [dreg:$0x2];
	[bflag:$0x3] =	sbarrier.arrive $0xFFFF;
	s2 =	simm.s32 @!p0 $0x1C03  }
0x203: {  	[timem:s3], [sflag:s2] =	dma.local @!p0 [hbm:s0], s1  }
0x204: {  	s0 =	simm.s32 @!p0 $0x3  }
0x205: {  	_ =	swait.ge @!p0 [sflag:s0], s1  }
0x206: {  	s1 =	ssub.s32 @!p0 $0x0, s1;
	[sflag:s0] =	ssyncset.done @!p0 $0x0  }
0x207: {  	[sflag:s0] =	ssyncadd.s32 @!p0 s1  }
0x208: {  	[bflag:$0x3] =	sbarrier.arrive $0xFFFF  }
0x209: {  	_ =	shalt  }

</sc_bundles>
